<compile_context>
chip_gen: v7x
topology: tpu7x:2x2x1
jax: 0.10.2.dev20260603
libtpu: 0.0.44.dev20260713+nightly
codegen_flags: <defaults>
</compile_context>

<pallas_src>
import functools

import jax
import jax.numpy as jnp
from jax import lax
from jax.experimental import pallas as pl
from jax.experimental.pallas import tpu as pltpu
from jax.experimental.pallas import tpu_sc as plsc

_MARGIN = 1.0
_LANES = 16


@functools.lru_cache(maxsize=None)
def _build_sc_loss(num_nodes, num_rel, dim, batch, num_neg):
    info = plsc.get_sparse_core_info()
    nc, ns = info.num_cores, info.num_subcores
    nw = nc * ns
    assert dim % _LANES == 0
    assert batch % (nw * _LANES) == 0
    per_w = batch // nw
    p = _LANES
    n_chunks = per_w // p
    rows = p * (1 + num_neg)
    assert rows <= 128
    idx_per_w = n_chunks * rows
    dchunks = dim // _LANES

    mesh = plsc.VectorSubcoreMesh(core_axis_name="c", subcore_axis_name="s")

    @functools.partial(
        pl.kernel,
        out_type=jax.ShapeDtypeStruct((nw * _LANES,), jnp.float32),
        mesh=mesh,
        compiler_params=pltpu.CompilerParams(needs_layout_passes=False),
        scratch_types=[
            pltpu.VMEM((idx_per_w,), jnp.int32),
            pltpu.VMEM((idx_per_w,), jnp.int32),
            pltpu.VMEM((idx_per_w,), jnp.int32),
            pltpu.VMEM((2, rows, dim), jnp.float32),
            pltpu.VMEM((2, rows, dim), jnp.float32),
            pltpu.VMEM((2, rows, dim), jnp.float32),
            pltpu.VMEM((_LANES,), jnp.float32),
            pltpu.SemaphoreType.DMA,
            pltpu.SemaphoreType.DMA,
        ],
    )
    def sc_loss(h_hbm, t_hbm, r_hbm, hi_hbm, ri_hbm, ti_hbm, out_hbm,
                ih, ir, it, hb, rb, tb, ob, sem0, sem1):
        wid = lax.axis_index("s") * nc + lax.axis_index("c")
        idx_base = wid * idx_per_w
        lane = lax.iota(jnp.int32, _LANES)
        sems = (sem0, sem1)

        preloads = [
            pltpu.make_async_copy(
                src.at[pl.ds(idx_base, idx_per_w)], dst, sem0)
            for src, dst in ((hi_hbm, ih), (ri_hbm, ir), (ti_hbm, it))
        ]
        for cp in preloads:
            cp.start()
        for cp in preloads:
            cp.wait()

        def copies(c, b):
            off = c * rows
            return (
                pltpu.make_async_copy(
                    h_hbm.at[ih.at[pl.ds(off, rows)]], hb.at[b], sems[b]),
                pltpu.make_async_copy(
                    r_hbm.at[ir.at[pl.ds(off, rows)]], rb.at[b], sems[b]),
                pltpu.make_async_copy(
                    t_hbm.at[it.at[pl.ds(off, rows)]], tb.at[b], sems[b]),
            )

        def fire(c, b):
            for cp in copies(c, b):
                cp.start()

        def wait(c, b):
            for cp in copies(c, b):
                cp.wait()

        def triple_score(b, row):
            acc = (hb[b, row, pl.ds(0, _LANES)]
                   * rb[b, row, pl.ds(0, _LANES)]
                   * tb[b, row, pl.ds(0, _LANES)])
            for cc in range(1, dchunks):
                acc = acc + (hb[b, row, pl.ds(cc * _LANES, _LANES)]
                             * rb[b, row, pl.ds(cc * _LANES, _LANES)]
                             * tb[b, row, pl.ds(cc * _LANES, _LANES)])
            return jnp.sum(acc)

        def compute(b, loss_acc):
            def pscore(i, acc_vec):
                s = triple_score(b, i)
                return jnp.where(lane == i, s, acc_vec)

            pos_s = lax.fori_loop(0, p, pscore,
                                  jnp.zeros((_LANES,), jnp.float32))
            la = loss_acc
            for n in range(num_neg):
                def nscore(i, acc_vec, _n=n):
                    s = triple_score(b, p + i * num_neg + _n)
                    return jnp.where(lane == i, s, acc_vec)

                neg_s = lax.fori_loop(0, p, nscore,
                                      jnp.zeros((_LANES,), jnp.float32))
                la = la + jnp.maximum(_MARGIN - pos_s + neg_s, 0.0)
            return la

        fire(0, 0)

        def outer(c2, loss_acc):
            la = loss_acc
            for b in range(2):
                c = c2 * 2 + b

                @pl.when(c + 1 < n_chunks)
                def _():
                    fire(c + 1, 1 - b)

                wait(c, b)
                la = compute(b, la)
            return la

        loss = lax.fori_loop(0, n_chunks // 2, outer,
                             jnp.zeros((_LANES,), jnp.float32))
        ob[...] = loss
        pltpu.sync_copy(ob, out_hbm.at[pl.ds(wid * _LANES, _LANES)])

    return sc_loss


def kernel(head_embeddings, tail_embeddings, relation_embeddings,
           positive_samples, negative_samples):
    batch, num_neg = negative_samples.shape[:2]
    num_nodes, dim = head_embeddings.shape
    num_rel = relation_embeddings.shape[0]
    p = _LANES
    n_chunks_total = batch // p

    pT = positive_samples.T
    nT = jnp.transpose(negative_samples, (2, 0, 1))
    cols = []
    for j in range(3):
        cols.append(jnp.concatenate(
            [pT[j].reshape(n_chunks_total, p),
             nT[j].reshape(n_chunks_total, p * num_neg)], axis=1).reshape(-1))
    hidx, ridx, tidx = cols

    fn = _build_sc_loss(num_nodes, num_rel, dim, batch, num_neg)
    partials = fn(head_embeddings, tail_embeddings, relation_embeddings,
                  hidx, ridx, tidx)
    return jnp.sum(partials) / (batch * num_neg)

# --- scband reference (transcript-rebuilt; emitter-appended) ---
"""Pipeline reference for scband-link-prediction-loss-3676492006070 (READ-ONLY COPY).

The authoritative reference and input builder live on the scoring server;
editing this copy changes nothing except your own understanding.
"""

import jax, jax.numpy as jnp
import numpy as np

NUM_NODES = 100000
NUM_REL = 100000
DIM = 128
BATCH = 16384
NUM_NEG = 5
MARGIN = 1.0


def setup_inputs(seed: int = 0) -> dict:
    key = jax.random.key(seed)
    k1, k2, k3, k4, k5 = jax.random.split(key, 5)
    return {
        "head_embeddings": jax.random.normal(k1, (NUM_NODES, DIM), dtype=jnp.float32),
        "tail_embeddings": jax.random.normal(k2, (NUM_NODES, DIM), dtype=jnp.float32),
        "relation_embeddings": jax.random.normal(k3, (NUM_REL, DIM), dtype=jnp.float32),
        "positive_samples": jax.random.randint(k4, (BATCH, 3), 0, NUM_NODES, dtype=jnp.int32),
        "negative_samples": jax.random.randint(k5, (BATCH, NUM_NEG, 3), 0, NUM_NODES, dtype=jnp.int32),
    }


def _score(heads, relations, tails):
    return (heads * relations * tails).sum(axis=-1)


def reference(head_embeddings, tail_embeddings, relation_embeddings, positive_samples, negative_samples):
    pos_heads = jnp.take(head_embeddings, positive_samples[:, 0], axis=0)
    pos_rels = jnp.take(relation_embeddings, positive_samples[:, 1], axis=0)
    pos_tails = jnp.take(tail_embeddings, positive_samples[:, 2], axis=0)
    pos_scores = _score(pos_heads, pos_rels, pos_tails)

    batch_size, num_neg = negative_samples.shape[:2]
    neg_flat = negative_samples.reshape(-1, 3)
    neg_heads = jnp.take(head_embeddings, neg_flat[:, 0], axis=0)
    neg_rels = jnp.take(relation_embeddings, neg_flat[:, 1], axis=0)
    neg_tails = jnp.take(tail_embeddings, neg_flat[:, 2], axis=0)
    neg_scores = _score(neg_heads, neg_rels, neg_tails).reshape(batch_size, num_neg)

    loss = jax.nn.relu(MARGIN - pos_scores[:, None] + neg_scores)
    return loss.mean()

if __name__ == "__main__":
    import jax
    _d = setup_inputs()
    print(jax.jit(kernel)(*tuple(_d.values())))

</pallas_src>

<mosaic_0001>
#map = affine_map<(d0, d1) -> (0, 0)>
#map1 = affine_map<(d0, d1) -> (0)>
module attributes {stable_mosaic.version = 14 : i64} {
  func.func @sc_loss(%arg0: i32, %arg1: i32, %arg2: memref<100000x128xf32, #tpu.memory_space<hbm>>, %arg3: memref<100000x128xf32, #tpu.memory_space<hbm>>, %arg4: memref<100000x128xf32, #tpu.memory_space<hbm>>, %arg5: memref<98304xi32, #tpu.memory_space<hbm>>, %arg6: memref<98304xi32, #tpu.memory_space<hbm>>, %arg7: memref<98304xi32, #tpu.memory_space<hbm>>, %arg8: memref<512xf32, #tpu.memory_space<hbm>>, %arg9: memref<3072xi32, #tpu.memory_space<vmem>>, %arg10: memref<3072xi32, #tpu.memory_space<vmem>>, %arg11: memref<3072xi32, #tpu.memory_space<vmem>>, %arg12: memref<2x96x128xf32, #tpu.memory_space<vmem>>, %arg13: memref<2x96x128xf32, #tpu.memory_space<vmem>>, %arg14: memref<2x96x128xf32, #tpu.memory_space<vmem>>, %arg15: memref<16xf32, #tpu.memory_space<vmem>>, %arg16: memref<!tpu.dma_semaphore, #tpu.memory_space<semaphore_mem>>, %arg17: memref<!tpu.dma_semaphore, #tpu.memory_space<semaphore_mem>>) attributes {dimension_semantics = [#tpu.dimension_semantics<core_parallel>, #tpu.dimension_semantics<subcore_parallel>], iteration_bounds = array<i64: 2, 16>, scalar_prefetch = 0 : i64, scratch_operands = 9 : i64, tpu.core_type = #tpu.core_type<sc_vector_subcore>, window_params = [{transform_indices = #map}, {transform_indices = #map}, {transform_indices = #map}, {transform_indices = #map1}, {transform_indices = #map1}, {transform_indices = #map1}, {transform_indices = #map1}]} {
    %mul3A = arith.constant 2 : i32
    %mul3A_0 = arith.muli %arg1, %mul3A : i32
    %add3A = arith.addi %mul3A_0, %arg0 : i32
    %mul3A_1 = arith.constant 3072 : i32
    %mul3A_2 = arith.muli %add3A, %mul3A_1 : i32
    %iota3A = tpu.iota {dimensions = array<i32: 0>} : vector<16xi32>
    %dma_start3A = tpu.memref_slice %arg5[%mul3A_2] : memref<98304xi32, #tpu.memory_space<hbm>> -> memref<3072xi32, #tpu.memory_space<hbm>>
    %dma_start3A_3 = tpu.memref_slice %arg5[%mul3A_2] : memref<98304xi32, #tpu.memory_space<hbm>> -> memref<3072xi32, #tpu.memory_space<hbm>>
    tpu.enqueue_dma source(%dma_start3A_3 : memref<3072xi32, #tpu.memory_space<hbm>>) target(%arg9 : memref<3072xi32, #tpu.memory_space<vmem>>) target_semaphore(%arg16 : memref<!tpu.dma_semaphore, #tpu.memory_space<semaphore_mem>>)
    %dma_start3A_4 = tpu.memref_slice %arg6[%mul3A_2] : memref<98304xi32, #tpu.memory_space<hbm>> -> memref<3072xi32, #tpu.memory_space<hbm>>
    %dma_start3A_5 = tpu.memref_slice %arg6[%mul3A_2] : memref<98304xi32, #tpu.memory_space<hbm>> -> memref<3072xi32, #tpu.memory_space<hbm>>
    tpu.enqueue_dma source(%dma_start3A_5 : memref<3072xi32, #tpu.memory_space<hbm>>) target(%arg10 : memref<3072xi32, #tpu.memory_space<vmem>>) target_semaphore(%arg16 : memref<!tpu.dma_semaphore, #tpu.memory_space<semaphore_mem>>)
    %dma_start3A_6 = tpu.memref_slice %arg7[%mul3A_2] : memref<98304xi32, #tpu.memory_space<hbm>> -> memref<3072xi32, #tpu.memory_space<hbm>>
    %dma_start3A_7 = tpu.memref_slice %arg7[%mul3A_2] : memref<98304xi32, #tpu.memory_space<hbm>> -> memref<3072xi32, #tpu.memory_space<hbm>>
    tpu.enqueue_dma source(%dma_start3A_7 : memref<3072xi32, #tpu.memory_space<hbm>>) target(%arg11 : memref<3072xi32, #tpu.memory_space<vmem>>) target_semaphore(%arg16 : memref<!tpu.dma_semaphore, #tpu.memory_space<semaphore_mem>>)
    %dma_wait3A = tpu.memref_slice %arg5[%mul3A_2] : memref<98304xi32, #tpu.memory_space<hbm>> -> memref<3072xi32, #tpu.memory_space<hbm>>
    %dma_wait3A_8 = tpu.memref_slice %arg5[%mul3A_2] : memref<98304xi32, #tpu.memory_space<hbm>> -> memref<3072xi32, #tpu.memory_space<hbm>>
    tpu.wait_dma2 semaphore(%arg16 : memref<!tpu.dma_semaphore, #tpu.memory_space<semaphore_mem>>) src(%dma_wait3A_8 : memref<3072xi32, #tpu.memory_space<hbm>>) dst(%arg9 : memref<3072xi32, #tpu.memory_space<vmem>>)
    %dma_wait3A_9 = tpu.memref_slice %arg6[%mul3A_2] : memref<98304xi32, #tpu.memory_space<hbm>> -> memref<3072xi32, #tpu.memory_space<hbm>>
    %dma_wait3A_10 = tpu.memref_slice %arg6[%mul3A_2] : memref<98304xi32, #tpu.memory_space<hbm>> -> memref<3072xi32, #tpu.memory_space<hbm>>
    tpu.wait_dma2 semaphore(%arg16 : memref<!tpu.dma_semaphore, #tpu.memory_space<semaphore_mem>>) src(%dma_wait3A_10 : memref<3072xi32, #tpu.memory_space<hbm>>) dst(%arg10 : memref<3072xi32, #tpu.memory_space<vmem>>)
    %dma_wait3A_11 = tpu.memref_slice %arg7[%mul3A_2] : memref<98304xi32, #tpu.memory_space<hbm>> -> memref<3072xi32, #tpu.memory_space<hbm>>
    %dma_wait3A_12 = tpu.memref_slice %arg7[%mul3A_2] : memref<98304xi32, #tpu.memory_space<hbm>> -> memref<3072xi32, #tpu.memory_space<hbm>>
    tpu.wait_dma2 semaphore(%arg16 : memref<!tpu.dma_semaphore, #tpu.memory_space<semaphore_mem>>) src(%dma_wait3A_12 : memref<3072xi32, #tpu.memory_space<hbm>>) dst(%arg11 : memref<3072xi32, #tpu.memory_space<vmem>>)
    %dma_start3A_13 = arith.constant 0 : i32
    %dma_start3A_14 = arith.constant 0 : i32
    %dma_start3A_15 = arith.constant 0 : i32
    %dma_start3A_16 = tpu.memref_slice %arg12[%dma_start3A_13, %dma_start3A_14, %dma_start3A_15] : memref<2x96x128xf32, #tpu.memory_space<vmem>> -> memref<1x96x128xf32, #tpu.memory_space<vmem>>
    %dma_start3A_17 = tpu.memref_squeeze %dma_start3A_16 : memref<1x96x128xf32, #tpu.memory_space<vmem>> -> memref<96x128xf32, #tpu.memory_space<vmem>>
    %dma_start3A_18 = arith.constant 0 : i32
    %dma_start3A_19 = tpu.memref_slice %arg9[%dma_start3A_18] : memref<3072xi32, #tpu.memory_space<vmem>> -> memref<96xi32, #tpu.memory_space<vmem>>
    %dma_start3A_20 = arith.constant 0 : i32
    %dma_start3A_21 = arith.constant 0 : i32
    %dma_start3A_22 = tpu.memref_slice %arg2[%dma_start3A_20, %dma_start3A_21] : memref<100000x128xf32, #tpu.memory_space<hbm>> -> memref<100000x128xf32, #tpu.memory_space<hbm>>
    tpu.enqueue_indirect_dma source(%dma_start3A_22 : memref<100000x128xf32, #tpu.memory_space<hbm>>) target(%dma_start3A_17 : memref<96x128xf32, #tpu.memory_space<vmem>>) offsets(%dma_start3A_19 : memref<96xi32, #tpu.memory_space<vmem>>) semaphore(%arg16 : memref<!tpu.dma_semaphore, #tpu.memory_space<semaphore_mem>>)
    %dma_start3A_23 = arith.constant 0 : i32
    %dma_start3A_24 = arith.constant 0 : i32
    %dma_start3A_25 = arith.constant 0 : i32
    %dma_start3A_26 = tpu.memref_slice %arg13[%dma_start3A_23, %dma_start3A_24, %dma_start3A_25] : memref<2x96x128xf32, #tpu.memory_space<vmem>> -> memref<1x96x128xf32, #tpu.memory_space<vmem>>
    %dma_start3A_27 = tpu.memref_squeeze %dma_start3A_26 : memref<1x96x128xf32, #tpu.memory_space<vmem>> -> memref<96x128xf32, #tpu.memory_space<vmem>>
    %dma_start3A_28 = arith.constant 0 : i32
    %dma_start3A_29 = tpu.memref_slice %arg10[%dma_start3A_28] : memref<3072xi32, #tpu.memory_space<vmem>> -> memref<96xi32, #tpu.memory_space<vmem>>
    %dma_start3A_30 = arith.constant 0 : i32
    %dma_start3A_31 = arith.constant 0 : i32
    %dma_start3A_32 = tpu.memref_slice %arg4[%dma_start3A_30, %dma_start3A_31] : memref<100000x128xf32, #tpu.memory_space<hbm>> -> memref<100000x128xf32, #tpu.memory_space<hbm>>
    tpu.enqueue_indirect_dma source(%dma_start3A_32 : memref<100000x128xf32, #tpu.memory_space<hbm>>) target(%dma_start3A_27 : memref<96x128xf32, #tpu.memory_space<vmem>>) offsets(%dma_start3A_29 : memref<96xi32, #tpu.memory_space<vmem>>) semaphore(%arg16 : memref<!tpu.dma_semaphore, #tpu.memory_space<semaphore_mem>>)
    %dma_start3A_33 = arith.constant 0 : i32
    %dma_start3A_34 = arith.constant 0 : i32
    %dma_start3A_35 = arith.constant 0 : i32
    %dma_start3A_36 = tpu.memref_slice %arg14[%dma_start3A_33, %dma_start3A_34, %dma_start3A_35] : memref<2x96x128xf32, #tpu.memory_space<vmem>> -> memref<1x96x128xf32, #tpu.memory_space<vmem>>
    %dma_start3A_37 = tpu.memref_squeeze %dma_start3A_36 : memref<1x96x128xf32, #tpu.memory_space<vmem>> -> memref<96x128xf32, #tpu.memory_space<vmem>>
    %dma_start3A_38 = arith.constant 0 : i32
    %dma_start3A_39 = tpu.memref_slice %arg11[%dma_start3A_38] : memref<3072xi32, #tpu.memory_space<vmem>> -> memref<96xi32, #tpu.memory_space<vmem>>
    %dma_start3A_40 = arith.constant 0 : i32
    %dma_start3A_41 = arith.constant 0 : i32
    %dma_start3A_42 = tpu.memref_slice %arg3[%dma_start3A_40, %dma_start3A_41] : memref<100000x128xf32, #tpu.memory_space<hbm>> -> memref<100000x128xf32, #tpu.memory_space<hbm>>
    tpu.enqueue_indirect_dma source(%dma_start3A_42 : memref<100000x128xf32, #tpu.memory_space<hbm>>) target(%dma_start3A_37 : memref<96x128xf32, #tpu.memory_space<vmem>>) offsets(%dma_start3A_39 : memref<96xi32, #tpu.memory_space<vmem>>) semaphore(%arg16 : memref<!tpu.dma_semaphore, #tpu.memory_space<semaphore_mem>>)
    %broadcast_in_dim3A = arith.constant 0.000000e+00 : f32
    %broadcast_in_dim3A_43 = vector.broadcast %broadcast_in_dim3A : f32 to vector<16xf32>
    %scan3A = arith.constant 0 : i32
    %scan3A_44 = arith.constant 16 : i32
    %scan3A_45 = arith.addi %scan3A, %scan3A_44 : i32
    %scan3A_46 = arith.constant 1 : i32
    %scan3A_47 = scf.for %scan3A_52 = %scan3A to %scan3A_45 step %scan3A_46 iter_args(%scan3A_53 = %broadcast_in_dim3A_43) -> (vector<16xf32>)  : i32 {
      %mul3A_54 = arith.constant 2 : i32
      %mul3A_55 = arith.muli %scan3A_52, %mul3A_54 : i32
      %add3A_56 = arith.constant 0 : i32
      %add3A_57 = arith.addi %mul3A_55, %add3A_56 : i32
      %add3A_58 = arith.constant 1 : i32
      %add3A_59 = arith.addi %add3A_57, %add3A_58 : i32
      %lt3A = arith.constant 32 : i32
      %lt3A_60 = arith.cmpi slt, %add3A_59, %lt3A : i32
      %convert_element_type3A = arith.extui %lt3A_60 : i1 to i32
      %cond3A = arith.constant 0 : i32
      %cond3A_61 = arith.cmpi ne, %convert_element_type3A, %cond3A : i32
      scf.if %cond3A_61 {
        %add3A_305 = arith.constant 1 : i32
        %add3A_306 = arith.addi %add3A_57, %add3A_305 : i32
        %mul3A_307 = arith.constant 96 : i32
        %mul3A_308 = arith.muli %add3A_306, %mul3A_307 : i32
        %dma_start3A_309 = arith.constant 1 : i32
        %dma_start3A_310 = arith.constant 0 : i32
        %dma_start3A_311 = arith.constant 0 : i32
        %dma_start3A_312 = tpu.memref_slice %arg12[%dma_start3A_309, %dma_start3A_310, %dma_start3A_311] : memref<2x96x128xf32, #tpu.memory_space<vmem>> -> memref<1x96x128xf32, #tpu.memory_space<vmem>>
        %dma_start3A_313 = tpu.memref_squeeze %dma_start3A_312 : memref<1x96x128xf32, #tpu.memory_space<vmem>> -> memref<96x128xf32, #tpu.memory_space<vmem>>
        %dma_start3A_314 = tpu.memref_slice %arg9[%mul3A_308] : memref<3072xi32, #tpu.memory_space<vmem>> -> memref<96xi32, #tpu.memory_space<vmem>>
        %dma_start3A_315 = arith.constant 0 : i32
        %dma_start3A_316 = arith.constant 0 : i32
        %dma_start3A_317 = tpu.memref_slice %arg2[%dma_start3A_315, %dma_start3A_316] : memref<100000x128xf32, #tpu.memory_space<hbm>> -> memref<100000x128xf32, #tpu.memory_space<hbm>>
        tpu.enqueue_indirect_dma source(%dma_start3A_317 : memref<100000x128xf32, #tpu.memory_space<hbm>>) target(%dma_start3A_313 : memref<96x128xf32, #tpu.memory_space<vmem>>) offsets(%dma_start3A_314 : memref<96xi32, #tpu.memory_space<vmem>>) semaphore(%arg17 : memref<!tpu.dma_semaphore, #tpu.memory_space<semaphore_mem>>)
        %dma_start3A_318 = arith.constant 1 : i32
        %dma_start3A_319 = arith.constant 0 : i32
        %dma_start3A_320 = arith.constant 0 : i32
        %dma_start3A_321 = tpu.memref_slice %arg13[%dma_start3A_318, %dma_start3A_319, %dma_start3A_320] : memref<2x96x128xf32, #tpu.memory_space<vmem>> -> memref<1x96x128xf32, #tpu.memory_space<vmem>>
        %dma_start3A_322 = tpu.memref_squeeze %dma_start3A_321 : memref<1x96x128xf32, #tpu.memory_space<vmem>> -> memref<96x128xf32, #tpu.memory_space<vmem>>
        %dma_start3A_323 = tpu.memref_slice %arg10[%mul3A_308] : memref<3072xi32, #tpu.memory_space<vmem>> -> memref<96xi32, #tpu.memory_space<vmem>>
        %dma_start3A_324 = arith.constant 0 : i32
        %dma_start3A_325 = arith.constant 0 : i32
        %dma_start3A_326 = tpu.memref_slice %arg4[%dma_start3A_324, %dma_start3A_325] : memref<100000x128xf32, #tpu.memory_space<hbm>> -> memref<100000x128xf32, #tpu.memory_space<hbm>>
        tpu.enqueue_indirect_dma source(%dma_start3A_326 : memref<100000x128xf32, #tpu.memory_space<hbm>>) target(%dma_start3A_322 : memref<96x128xf32, #tpu.memory_space<vmem>>) offsets(%dma_start3A_323 : memref<96xi32, #tpu.memory_space<vmem>>) semaphore(%arg17 : memref<!tpu.dma_semaphore, #tpu.memory_space<semaphore_mem>>)
        %dma_start3A_327 = arith.constant 1 : i32
        %dma_start3A_328 = arith.constant 0 : i32
        %dma_start3A_329 = arith.constant 0 : i32
        %dma_start3A_330 = tpu.memref_slice %arg14[%dma_start3A_327, %dma_start3A_328, %dma_start3A_329] : memref<2x96x128xf32, #tpu.memory_space<vmem>> -> memref<1x96x128xf32, #tpu.memory_space<vmem>>
        %dma_start3A_331 = tpu.memref_squeeze %dma_start3A_330 : memref<1x96x128xf32, #tpu.memory_space<vmem>> -> memref<96x128xf32, #tpu.memory_space<vmem>>
        %dma_start3A_332 = tpu.memref_slice %arg11[%mul3A_308] : memref<3072xi32, #tpu.memory_space<vmem>> -> memref<96xi32, #tpu.memory_space<vmem>>
        %dma_start3A_333 = arith.constant 0 : i32
        %dma_start3A_334 = arith.constant 0 : i32
        %dma_start3A_335 = tpu.memref_slice %arg3[%dma_start3A_333, %dma_start3A_334] : memref<100000x128xf32, #tpu.memory_space<hbm>> -> memref<100000x128xf32, #tpu.memory_space<hbm>>
        tpu.enqueue_indirect_dma source(%dma_start3A_335 : memref<100000x128xf32, #tpu.memory_space<hbm>>) target(%dma_start3A_331 : memref<96x128xf32, #tpu.memory_space<vmem>>) offsets(%dma_start3A_332 : memref<96xi32, #tpu.memory_space<vmem>>) semaphore(%arg17 : memref<!tpu.dma_semaphore, #tpu.memory_space<semaphore_mem>>)
      } else {
      }
      %mul3A_62 = arith.constant 96 : i32
      %mul3A_63 = arith.muli %add3A_57, %mul3A_62 : i32
      %dma_wait3A_64 = arith.constant 0 : i32
      %dma_wait3A_65 = arith.constant 0 : i32
      %dma_wait3A_66 = arith.constant 0 : i32
      %dma_wait3A_67 = tpu.memref_slice %arg12[%dma_wait3A_64, %dma_wait3A_65, %dma_wait3A_66] : memref<2x96x128xf32, #tpu.memory_space<vmem>> -> memref<1x96x128xf32, #tpu.memory_space<vmem>>
      %dma_wait3A_68 = tpu.memref_squeeze %dma_wait3A_67 : memref<1x96x128xf32, #tpu.memory_space<vmem>> -> memref<96x128xf32, #tpu.memory_space<vmem>>
      %dma_wait3A_69 = tpu.memref_slice %arg9[%mul3A_63] : memref<3072xi32, #tpu.memory_space<vmem>> -> memref<96xi32, #tpu.memory_space<vmem>>
      %dma_wait3A_70 = arith.constant 0 : i32
      %dma_wait3A_71 = arith.constant 0 : i32
      %dma_wait3A_72 = tpu.memref_slice %arg2[%dma_wait3A_70, %dma_wait3A_71] : memref<100000x128xf32, #tpu.memory_space<hbm>> -> memref<100000x128xf32, #tpu.memory_space<hbm>>
      tpu.wait_indirect_dma semaphore(%arg16 : memref<!tpu.dma_semaphore, #tpu.memory_space<semaphore_mem>>) src(%dma_wait3A_72 : memref<100000x128xf32, #tpu.memory_space<hbm>>) dst(%dma_wait3A_68 : memref<96x128xf32, #tpu.memory_space<vmem>>)
      %dma_wait3A_73 = arith.constant 0 : i32
      %dma_wait3A_74 = arith.constant 0 : i32
      %dma_wait3A_75 = arith.constant 0 : i32
      %dma_wait3A_76 = tpu.memref_slice %arg13[%dma_wait3A_73, %dma_wait3A_74, %dma_wait3A_75] : memref<2x96x128xf32, #tpu.memory_space<vmem>> -> memref<1x96x128xf32, #tpu.memory_space<vmem>>
      %dma_wait3A_77 = tpu.memref_squeeze %dma_wait3A_76 : memref<1x96x128xf32, #tpu.memory_space<vmem>> -> memref<96x128xf32, #tpu.memory_space<vmem>>
      %dma_wait3A_78 = tpu.memref_slice %arg10[%mul3A_63] : memref<3072xi32, #tpu.memory_space<vmem>> -> memref<96xi32, #tpu.memory_space<vmem>>
      %dma_wait3A_79 = arith.constant 0 : i32
      %dma_wait3A_80 = arith.constant 0 : i32
      %dma_wait3A_81 = tpu.memref_slice %arg4[%dma_wait3A_79, %dma_wait3A_80] : memref<100000x128xf32, #tpu.memory_space<hbm>> -> memref<100000x128xf32, #tpu.memory_space<hbm>>
      tpu.wait_indirect_dma semaphore(%arg16 : memref<!tpu.dma_semaphore, #tpu.memory_space<semaphore_mem>>) src(%dma_wait3A_81 : memref<100000x128xf32, #tpu.memory_space<hbm>>) dst(%dma_wait3A_77 : memref<96x128xf32, #tpu.memory_space<vmem>>)
      %dma_wait3A_82 = arith.constant 0 : i32
      %dma_wait3A_83 = arith.constant 0 : i32
      %dma_wait3A_84 = arith.constant 0 : i32
      %dma_wait3A_85 = tpu.memref_slice %arg14[%dma_wait3A_82, %dma_wait3A_83, %dma_wait3A_84] : memref<2x96x128xf32, #tpu.memory_space<vmem>> -> memref<1x96x128xf32, #tpu.memory_space<vmem>>
      %dma_wait3A_86 = tpu.memref_squeeze %dma_wait3A_85 : memref<1x96x128xf32, #tpu.memory_space<vmem>> -> memref<96x128xf32, #tpu.memory_space<vmem>>
      %dma_wait3A_87 = tpu.memref_slice %arg11[%mul3A_63] : memref<3072xi32, #tpu.memory_space<vmem>> -> memref<96xi32, #tpu.memory_space<vmem>>
      %dma_wait3A_88 = arith.constant 0 : i32
      %dma_wait3A_89 = arith.constant 0 : i32
      %dma_wait3A_90 = tpu.memref_slice %arg3[%dma_wait3A_88, %dma_wait3A_89] : memref<100000x128xf32, #tpu.memory_space<hbm>> -> memref<100000x128xf32, #tpu.memory_space<hbm>>
      tpu.wait_indirect_dma semaphore(%arg16 : memref<!tpu.dma_semaphore, #tpu.memory_space<semaphore_mem>>) src(%dma_wait3A_90 : memref<100000x128xf32, #tpu.memory_space<hbm>>) dst(%dma_wait3A_86 : memref<96x128xf32, #tpu.memory_space<vmem>>)
      %broadcast_in_dim3A_91 = arith.constant 0.000000e+00 : f32
      %broadcast_in_dim3A_92 = vector.broadcast %broadcast_in_dim3A_91 : f32 to vector<16xf32>
      %scan3A_93 = arith.constant 0 : i32
      %scan3A_94 = arith.constant 16 : i32
      %scan3A_95 = arith.addi %scan3A_93, %scan3A_94 : i32
      %scan3A_96 = arith.constant 1 : i32
      %scan3A_97 = scf.for %scan3A_305 = %scan3A_93 to %scan3A_95 step %scan3A_96 iter_args(%scan3A_306 = %broadcast_in_dim3A_92) -> (vector<16xf32>)  : i32 {
        %get3A = arith.constant 0 : i32
        %get3A_307 = arith.index_cast %get3A : i32 to index
        %get3A_308 = arith.index_cast %scan3A_305 : i32 to index
        %get3A_309 = arith.constant 0 : index
        %get3A_310 = tpu.vector_load %arg12[%get3A_307, %get3A_308, %get3A_309] {strides = array<i32>} : memref<2x96x128xf32, #tpu.memory_space<vmem>>, vector<16xf32>,
        %get3A_311 = arith.constant 0 : i32
        %get3A_312 = arith.index_cast %get3A_311 : i32 to index
        %get3A_313 = arith.index_cast %scan3A_305 : i32 to index
        %get3A_314 = arith.constant 0 : index
        %get3A_315 = tpu.vector_load %arg13[%get3A_312, %get3A_313, %get3A_314] {strides = array<i32>} : memref<2x96x128xf32, #tpu.memory_space<vmem>>, vector<16xf32>,
        %mul3A_316 = arith.mulf %get3A_310, %get3A_315 : vector<16xf32>
        %get3A_317 = arith.constant 0 : i32
        %get3A_318 = arith.index_cast %get3A_317 : i32 to index
        %get3A_319 = arith.index_cast %scan3A_305 : i32 to index
        %get3A_320 = arith.constant 0 : index
        %get3A_321 = tpu.vector_load %arg14[%get3A_318, %get3A_319, %get3A_320] {strides = array<i32>} : memref<2x96x128xf32, #tpu.memory_space<vmem>>, vector<16xf32>,
        %mul3A_322 = arith.mulf %mul3A_316, %get3A_321 : vector<16xf32>
        %get3A_323 = arith.constant 0 : i32
        %get3A_324 = arith.index_cast %get3A_323 : i32 to index
        %get3A_325 = arith.index_cast %scan3A_305 : i32 to index
        %get3A_326 = arith.constant 16 : index
        %get3A_327 = tpu.vector_load %arg12[%get3A_324, %get3A_325, %get3A_326] {strides = array<i32>} : memref<2x96x128xf32, #tpu.memory_space<vmem>>, vector<16xf32>,
        %get3A_328 = arith.constant 0 : i32
        %get3A_329 = arith.index_cast %get3A_328 : i32 to index
        %get3A_330 = arith.index_cast %scan3A_305 : i32 to index
        %get3A_331 = arith.constant 16 : index
        %get3A_332 = tpu.vector_load %arg13[%get3A_329, %get3A_330, %get3A_331] {strides = array<i32>} : memref<2x96x128xf32, #tpu.memory_space<vmem>>, vector<16xf32>,
        %mul3A_333 = arith.mulf %get3A_327, %get3A_332 : vector<16xf32>
        %get3A_334 = arith.constant 0 : i32
        %get3A_335 = arith.index_cast %get3A_334 : i32 to index
        %get3A_336 = arith.index_cast %scan3A_305 : i32 to index
        %get3A_337 = arith.constant 16 : index
        %get3A_338 = tpu.vector_load %arg14[%get3A_335, %get3A_336, %get3A_337] {strides = array<i32>} : memref<2x96x128xf32, #tpu.memory_space<vmem>>, vector<16xf32>,
        %mul3A_339 = arith.mulf %mul3A_333, %get3A_338 : vector<16xf32>
        %add3A_340 = arith.addf %mul3A_322, %mul3A_339 : vector<16xf32>
        %get3A_341 = arith.constant 0 : i32
        %get3A_342 = arith.index_cast %get3A_341 : i32 to index
        %get3A_343 = arith.index_cast %scan3A_305 : i32 to index
        %get3A_344 = arith.constant 32 : index
        %get3A_345 = tpu.vector_load %arg12[%get3A_342, %get3A_343, %get3A_344] {strides = array<i32>} : memref<2x96x128xf32, #tpu.memory_space<vmem>>, vector<16xf32>,
        %get3A_346 = arith.constant 0 : i32
        %get3A_347 = arith.index_cast %get3A_346 : i32 to index
        %get3A_348 = arith.index_cast %scan3A_305 : i32 to index
        %get3A_349 = arith.constant 32 : index
        %get3A_350 = tpu.vector_load %arg13[%get3A_347, %get3A_348, %get3A_349] {strides = array<i32>} : memref<2x96x128xf32, #tpu.memory_space<vmem>>, vector<16xf32>,
        %mul3A_351 = arith.mulf %get3A_345, %get3A_350 : vector<16xf32>
        %get3A_352 = arith.constant 0 : i32
        %get3A_353 = arith.index_cast %get3A_352 : i32 to index
        %get3A_354 = arith.index_cast %scan3A_305 : i32 to index
        %get3A_355 = arith.constant 32 : index
        %get3A_356 = tpu.vector_load %arg14[%get3A_353, %get3A_354, %get3A_355] {strides = array<i32>} : memref<2x96x128xf32, #tpu.memory_space<vmem>>, vector<16xf32>,
        %mul3A_357 = arith.mulf %mul3A_351, %get3A_356 : vector<16xf32>
        %add3A_358 = arith.addf %add3A_340, %mul3A_357 : vector<16xf32>
        %get3A_359 = arith.constant 0 : i32
        %get3A_360 = arith.index_cast %get3A_359 : i32 to index
        %get3A_361 = arith.index_cast %scan3A_305 : i32 to index
        %get3A_362 = arith.constant 48 : index
        %get3A_363 = tpu.vector_load %arg12[%get3A_360, %get3A_361, %get3A_362] {strides = array<i32>} : memref<2x96x128xf32, #tpu.memory_space<vmem>>, vector<16xf32>,
        %get3A_364 = arith.constant 0 : i32
        %get3A_365 = arith.index_cast %get3A_364 : i32 to index
        %get3A_366 = arith.index_cast %scan3A_305 : i32 to index
        %get3A_367 = arith.constant 48 : index
        %get3A_368 = tpu.vector_load %arg13[%get3A_365, %get3A_366, %get3A_367] {strides = array<i32>} : memref<2x96x128xf32, #tpu.memory_space<vmem>>, vector<16xf32>,
        %mul3A_369 = arith.mulf %get3A_363, %get3A_368 : vector<16xf32>
        %get3A_370 = arith.constant 0 : i32
        %get3A_371 = arith.index_cast %get3A_370 : i32 to index
        %get3A_372 = arith.index_cast %scan3A_305 : i32 to index
        %get3A_373 = arith.constant 48 : index
        %get3A_374 = tpu.vector_load %arg14[%get3A_371, %get3A_372, %get3A_373] {strides = array<i32>} : memref<2x96x128xf32, #tpu.memory_space<vmem>>, vector<16xf32>,
        %mul3A_375 = arith.mulf %mul3A_369, %get3A_374 : vector<16xf32>
        %add3A_376 = arith.addf %add3A_358, %mul3A_375 : vector<16xf32>
        %get3A_377 = arith.constant 0 : i32
        %get3A_378 = arith.index_cast %get3A_377 : i32 to index
        %get3A_379 = arith.index_cast %scan3A_305 : i32 to index
        %get3A_380 = arith.constant 64 : index
        %get3A_381 = tpu.vector_load %arg12[%get3A_378, %get3A_379, %get3A_380] {strides = array<i32>} : memref<2x96x128xf32, #tpu.memory_space<vmem>>, vector<16xf32>,
        %get3A_382 = arith.constant 0 : i32
        %get3A_383 = arith.index_cast %get3A_382 : i32 to index
        %get3A_384 = arith.index_cast %scan3A_305 : i32 to index
        %get3A_385 = arith.constant 64 : index
        %get3A_386 = tpu.vector_load %arg13[%get3A_383, %get3A_384, %get3A_385] {strides = array<i32>} : memref<2x96x128xf32, #tpu.memory_space<vmem>>, vector<16xf32>,
        %mul3A_387 = arith.mulf %get3A_381, %get3A_386 : vector<16xf32>
        %get3A_388 = arith.constant 0 : i32
        %get3A_389 = arith.index_cast %get3A_388 : i32 to index
        %get3A_390 = arith.index_cast %scan3A_305 : i32 to index
        %get3A_391 = arith.constant 64 : index
        %get3A_392 = tpu.vector_load %arg14[%get3A_389, %get3A_390, %get3A_391] {strides = array<i32>} : memref<2x96x128xf32, #tpu.memory_space<vmem>>, vector<16xf32>,
        %mul3A_393 = arith.mulf %mul3A_387, %get3A_392 : vector<16xf32>
        %add3A_394 = arith.addf %add3A_376, %mul3A_393 : vector<16xf32>
        %get3A_395 = arith.constant 0 : i32
        %get3A_396 = arith.index_cast %get3A_395 : i32 to index
        %get3A_397 = arith.index_cast %scan3A_305 : i32 to index
        %get3A_398 = arith.constant 80 : index
        %get3A_399 = tpu.vector_load %arg12[%get3A_396, %get3A_397, %get3A_398] {strides = array<i32>} : memref<2x96x128xf32, #tpu.memory_space<vmem>>, vector<16xf32>,
        %get3A_400 = arith.constant 0 : i32
        %get3A_401 = arith.index_cast %get3A_400 : i32 to index
        %get3A_402 = arith.index_cast %scan3A_305 : i32 to index
        %get3A_403 = arith.constant 80 : index
        %get3A_404 = tpu.vector_load %arg13[%get3A_401, %get3A_402, %get3A_403] {strides = array<i32>} : memref<2x96x128xf32, #tpu.memory_space<vmem>>, vector<16xf32>,
        %mul3A_405 = arith.mulf %get3A_399, %get3A_404 : vector<16xf32>
        %get3A_406 = arith.constant 0 : i32
        %get3A_407 = arith.index_cast %get3A_406 : i32 to index
        %get3A_408 = arith.index_cast %scan3A_305 : i32 to index
        %get3A_409 = arith.constant 80 : index
        %get3A_410 = tpu.vector_load %arg14[%get3A_407, %get3A_408, %get3A_409] {strides = array<i32>} : memref<2x96x128xf32, #tpu.memory_space<vmem>>, vector<16xf32>,
        %mul3A_411 = arith.mulf %mul3A_405, %get3A_410 : vector<16xf32>
        %add3A_412 = arith.addf %add3A_394, %mul3A_411 : vector<16xf32>
        %get3A_413 = arith.constant 0 : i32
        %get3A_414 = arith.index_cast %get3A_413 : i32 to index
        %get3A_415 = arith.index_cast %scan3A_305 : i32 to index
        %get3A_416 = arith.constant 96 : index
        %get3A_417 = tpu.vector_load %arg12[%get3A_414, %get3A_415, %get3A_416] {strides = array<i32>} : memref<2x96x128xf32, #tpu.memory_space<vmem>>, vector<16xf32>,
        %get3A_418 = arith.constant 0 : i32
        %get3A_419 = arith.index_cast %get3A_418 : i32 to index
        %get3A_420 = arith.index_cast %scan3A_305 : i32 to index
        %get3A_421 = arith.constant 96 : index
        %get3A_422 = tpu.vector_load %arg13[%get3A_419, %get3A_420, %get3A_421] {strides = array<i32>} : memref<2x96x128xf32, #tpu.memory_space<vmem>>, vector<16xf32>,
        %mul3A_423 = arith.mulf %get3A_417, %get3A_422 : vector<16xf32>
        %get3A_424 = arith.constant 0 : i32
        %get3A_425 = arith.index_cast %get3A_424 : i32 to index
        %get3A_426 = arith.index_cast %scan3A_305 : i32 to index
        %get3A_427 = arith.constant 96 : index
        %get3A_428 = tpu.vector_load %arg14[%get3A_425, %get3A_426, %get3A_427] {strides = array<i32>} : memref<2x96x128xf32, #tpu.memory_space<vmem>>, vector<16xf32>,
        %mul3A_429 = arith.mulf %mul3A_423, %get3A_428 : vector<16xf32>
        %add3A_430 = arith.addf %add3A_412, %mul3A_429 : vector<16xf32>
        %get3A_431 = arith.constant 0 : i32
        %get3A_432 = arith.index_cast %get3A_431 : i32 to index
        %get3A_433 = arith.index_cast %scan3A_305 : i32 to index
        %get3A_434 = arith.constant 112 : index
        %get3A_435 = tpu.vector_load %arg12[%get3A_432, %get3A_433, %get3A_434] {strides = array<i32>} : memref<2x96x128xf32, #tpu.memory_space<vmem>>, vector<16xf32>,
        %get3A_436 = arith.constant 0 : i32
        %get3A_437 = arith.index_cast %get3A_436 : i32 to index
        %get3A_438 = arith.index_cast %scan3A_305 : i32 to index
        %get3A_439 = arith.constant 112 : index
        %get3A_440 = tpu.vector_load %arg13[%get3A_437, %get3A_438, %get3A_439] {strides = array<i32>} : memref<2x96x128xf32, #tpu.memory_space<vmem>>, vector<16xf32>,
        %mul3A_441 = arith.mulf %get3A_435, %get3A_440 : vector<16xf32>
        %get3A_442 = arith.constant 0 : i32
        %get3A_443 = arith.index_cast %get3A_442 : i32 to index
        %get3A_444 = arith.index_cast %scan3A_305 : i32 to index
        %get3A_445 = arith.constant 112 : index
        %get3A_446 = tpu.vector_load %arg14[%get3A_443, %get3A_444, %get3A_445] {strides = array<i32>} : memref<2x96x128xf32, #tpu.memory_space<vmem>>, vector<16xf32>,
        %mul3A_447 = arith.mulf %mul3A_441, %get3A_446 : vector<16xf32>
        %add3A_448 = arith.addf %add3A_430, %mul3A_447 : vector<16xf32>
        %reduce_sum3A = arith.constant true
        %reduce_sum3A_449 = vector.broadcast %reduce_sum3A : i1 to vector<16xi1>
        %reduce_sum3A_450 = tpu.scan <sum>, %add3A_448 masked %reduce_sum3A_449 : vector<16xf32>, vector<16xi1> -> vector<16xf32>
        %reduce_sum3A_451 = vector.extract %reduce_sum3A_450[15] : f32 from vector<16xf32>
        %eq3A = vector.broadcast %scan3A_305 : i32 to vector<16xi32>
        %eq3A_452 = arith.cmpi eq, %iota3A, %eq3A : vector<16xi32>
        %broadcast_in_dim3A_453 = vector.broadcast %reduce_sum3A_451 : f32 to vector<16xf32>
        %select_n3A = arith.select %eq3A_452, %broadcast_in_dim3A_453, %scan3A_306 : vector<16xi1>, vector<16xf32>
        scf.yield %select_n3A : vector<16xf32>
      }
      %scan3A_98 = arith.constant 16 : i32
      %broadcast_in_dim3A_99 = arith.constant 0.000000e+00 : f32
      %broadcast_in_dim3A_100 = vector.broadcast %broadcast_in_dim3A_99 : f32 to vector<16xf32>
      %scan3A_101 = arith.constant 0 : i32
      %scan3A_102 = arith.constant 16 : i32
      %scan3A_103 = arith.addi %scan3A_101, %scan3A_102 : i32
      %scan3A_104 = arith.constant 1 : i32
      %scan3A_105 = scf.for %scan3A_305 = %scan3A_101 to %scan3A_103 step %scan3A_104 iter_args(%scan3A_306 = %broadcast_in_dim3A_100) -> (vector<16xf32>)  : i32 {
        %mul3A_307 = arith.constant 5 : i32
        %mul3A_308 = arith.muli %scan3A_305, %mul3A_307 : i32
        %add3A_309 = arith.constant 16 : i32
        %add3A_310 = arith.addi %add3A_309, %mul3A_308 : i32
        %add3A_311 = arith.constant 0 : i32
        %add3A_312 = arith.addi %add3A_310, %add3A_311 : i32
        %get3A = arith.constant 0 : i32
        %get3A_313 = arith.index_cast %get3A : i32 to index
        %get3A_314 = arith.index_cast %add3A_312 : i32 to index
        %get3A_315 = arith.constant 0 : index
        %get3A_316 = tpu.vector_load %arg12[%get3A_313, %get3A_314, %get3A_315] {strides = array<i32>} : memref<2x96x128xf32, #tpu.memory_space<vmem>>, vector<16xf32>,
        %get3A_317 = arith.constant 0 : i32
        %get3A_318 = arith.index_cast %get3A_317 : i32 to index
        %get3A_319 = arith.index_cast %add3A_312 : i32 to index
        %get3A_320 = arith.constant 0 : index
        %get3A_321 = tpu.vector_load %arg13[%get3A_318, %get3A_319, %get3A_320] {strides = array<i32>} : memref<2x96x128xf32, #tpu.memory_space<vmem>>, vector<16xf32>,
        %mul3A_322 = arith.mulf %get3A_316, %get3A_321 : vector<16xf32>
        %get3A_323 = arith.constant 0 : i32
        %get3A_324 = arith.index_cast %get3A_323 : i32 to index
        %get3A_325 = arith.index_cast %add3A_312 : i32 to index
        %get3A_326 = arith.constant 0 : index
        %get3A_327 = tpu.vector_load %arg14[%get3A_324, %get3A_325, %get3A_326] {strides = array<i32>} : memref<2x96x128xf32, #tpu.memory_space<vmem>>, vector<16xf32>,
        %mul3A_328 = arith.mulf %mul3A_322, %get3A_327 : vector<16xf32>
        %get3A_329 = arith.constant 0 : i32
        %get3A_330 = arith.index_cast %get3A_329 : i32 to index
        %get3A_331 = arith.index_cast %add3A_312 : i32 to index
        %get3A_332 = arith.constant 16 : index
        %get3A_333 = tpu.vector_load %arg12[%get3A_330, %get3A_331, %get3A_332] {strides = array<i32>} : memref<2x96x128xf32, #tpu.memory_space<vmem>>, vector<16xf32>,
        %get3A_334 = arith.constant 0 : i32
        %get3A_335 = arith.index_cast %get3A_334 : i32 to index
        %get3A_336 = arith.index_cast %add3A_312 : i32 to index
        %get3A_337 = arith.constant 16 : index
        %get3A_338 = tpu.vector_load %arg13[%get3A_335, %get3A_336, %get3A_337] {strides = array<i32>} : memref<2x96x128xf32, #tpu.memory_space<vmem>>, vector<16xf32>,
        %mul3A_339 = arith.mulf %get3A_333, %get3A_338 : vector<16xf32>
        %get3A_340 = arith.constant 0 : i32
        %get3A_341 = arith.index_cast %get3A_340 : i32 to index
        %get3A_342 = arith.index_cast %add3A_312 : i32 to index
        %get3A_343 = arith.constant 16 : index
        %get3A_344 = tpu.vector_load %arg14[%get3A_341, %get3A_342, %get3A_343] {strides = array<i32>} : memref<2x96x128xf32, #tpu.memory_space<vmem>>, vector<16xf32>,
        %mul3A_345 = arith.mulf %mul3A_339, %get3A_344 : vector<16xf32>
        %add3A_346 = arith.addf %mul3A_328, %mul3A_345 : vector<16xf32>
        %get3A_347 = arith.constant 0 : i32
        %get3A_348 = arith.index_cast %get3A_347 : i32 to index
        %get3A_349 = arith.index_cast %add3A_312 : i32 to index
        %get3A_350 = arith.constant 32 : index
        %get3A_351 = tpu.vector_load %arg12[%get3A_348, %get3A_349, %get3A_350] {strides = array<i32>} : memref<2x96x128xf32, #tpu.memory_space<vmem>>, vector<16xf32>,
        %get3A_352 = arith.constant 0 : i32
        %get3A_353 = arith.index_cast %get3A_352 : i32 to index
        %get3A_354 = arith.index_cast %add3A_312 : i32 to index
        %get3A_355 = arith.constant 32 : index
        %get3A_356 = tpu.vector_load %arg13[%get3A_353, %get3A_354, %get3A_355] {strides = array<i32>} : memref<2x96x128xf32, #tpu.memory_space<vmem>>, vector<16xf32>,
        %mul3A_357 = arith.mulf %get3A_351, %get3A_356 : vector<16xf32>
        %get3A_358 = arith.constant 0 : i32
        %get3A_359 = arith.index_cast %get3A_358 : i32 to index
        %get3A_360 = arith.index_cast %add3A_312 : i32 to index
        %get3A_361 = arith.constant 32 : index
        %get3A_362 = tpu.vector_load %arg14[%get3A_359, %get3A_360, %get3A_361] {strides = array<i32>} : memref<2x96x128xf32, #tpu.memory_space<vmem>>, vector<16xf32>,
        %mul3A_363 = arith.mulf %mul3A_357, %get3A_362 : vector<16xf32>
        %add3A_364 = arith.addf %add3A_346, %mul3A_363 : vector<16xf32>
        %get3A_365 = arith.constant 0 : i32
        %get3A_366 = arith.index_cast %get3A_365 : i32 to index
        %get3A_367 = arith.index_cast %add3A_312 : i32 to index
        %get3A_368 = arith.constant 48 : index
        %get3A_369 = tpu.vector_load %arg12[%get3A_366, %get3A_367, %get3A_368] {strides = array<i32>} : memref<2x96x128xf32, #tpu.memory_space<vmem>>, vector<16xf32>,
        %get3A_370 = arith.constant 0 : i32
        %get3A_371 = arith.index_cast %get3A_370 : i32 to index
        %get3A_372 = arith.index_cast %add3A_312 : i32 to index
        %get3A_373 = arith.constant 48 : index
        %get3A_374 = tpu.vector_load %arg13[%get3A_371, %get3A_372, %get3A_373] {strides = array<i32>} : memref<2x96x128xf32, #tpu.memory_space<vmem>>, vector<16xf32>,
        %mul3A_375 = arith.mulf %get3A_369, %get3A_374 : vector<16xf32>
        %get3A_376 = arith.constant 0 : i32
        %get3A_377 = arith.index_cast %get3A_376 : i32 to index
        %get3A_378 = arith.index_cast %add3A_312 : i32 to index
        %get3A_379 = arith.constant 48 : index
        %get3A_380 = tpu.vector_load %arg14[%get3A_377, %get3A_378, %get3A_379] {strides = array<i32>} : memref<2x96x128xf32, #tpu.memory_space<vmem>>, vector<16xf32>,
        %mul3A_381 = arith.mulf %mul3A_375, %get3A_380 : vector<16xf32>
        %add3A_382 = arith.addf %add3A_364, %mul3A_381 : vector<16xf32>
        %get3A_383 = arith.constant 0 : i32
        %get3A_384 = arith.index_cast %get3A_383 : i32 to index
        %get3A_385 = arith.index_cast %add3A_312 : i32 to index
        %get3A_386 = arith.constant 64 : index
        %get3A_387 = tpu.vector_load %arg12[%get3A_384, %get3A_385, %get3A_386] {strides = array<i32>} : memref<2x96x128xf32, #tpu.memory_space<vmem>>, vector<16xf32>,
        %get3A_388 = arith.constant 0 : i32
        %get3A_389 = arith.index_cast %get3A_388 : i32 to index
        %get3A_390 = arith.index_cast %add3A_312 : i32 to index
        %get3A_391 = arith.constant 64 : index
        %get3A_392 = tpu.vector_load %arg13[%get3A_389, %get3A_390, %get3A_391] {strides = array<i32>} : memref<2x96x128xf32, #tpu.memory_space<vmem>>, vector<16xf32>,
        %mul3A_393 = arith.mulf %get3A_387, %get3A_392 : vector<16xf32>
        %get3A_394 = arith.constant 0 : i32
        %get3A_395 = arith.index_cast %get3A_394 : i32 to index
        %get3A_396 = arith.index_cast %add3A_312 : i32 to index
        %get3A_397 = arith.constant 64 : index
        %get3A_398 = tpu.vector_load %arg14[%get3A_395, %get3A_396, %get3A_397] {strides = array<i32>} : memref<2x96x128xf32, #tpu.memory_space<vmem>>, vector<16xf32>,
        %mul3A_399 = arith.mulf %mul3A_393, %get3A_398 : vector<16xf32>
        %add3A_400 = arith.addf %add3A_382, %mul3A_399 : vector<16xf32>
        %get3A_401 = arith.constant 0 : i32
        %get3A_402 = arith.index_cast %get3A_401 : i32 to index
        %get3A_403 = arith.index_cast %add3A_312 : i32 to index
        %get3A_404 = arith.constant 80 : index
        %get3A_405 = tpu.vector_load %arg12[%get3A_402, %get3A_403, %get3A_404] {strides = array<i32>} : memref<2x96x128xf32, #tpu.memory_space<vmem>>, vector<16xf32>,
        %get3A_406 = arith.constant 0 : i32
        %get3A_407 = arith.index_cast %get3A_406 : i32 to index
        %get3A_408 = arith.index_cast %add3A_312 : i32 to index
        %get3A_409 = arith.constant 80 : index
        %get3A_410 = tpu.vector_load %arg13[%get3A_407, %get3A_408, %get3A_409] {strides = array<i32>} : memref<2x96x128xf32, #tpu.memory_space<vmem>>, vector<16xf32>,
        %mul3A_411 = arith.mulf %get3A_405, %get3A_410 : vector<16xf32>
        %get3A_412 = arith.constant 0 : i32
        %get3A_413 = arith.index_cast %get3A_412 : i32 to index
        %get3A_414 = arith.index_cast %add3A_312 : i32 to index
        %get3A_415 = arith.constant 80 : index
        %get3A_416 = tpu.vector_load %arg14[%get3A_413, %get3A_414, %get3A_415] {strides = array<i32>} : memref<2x96x128xf32, #tpu.memory_space<vmem>>, vector<16xf32>,
        %mul3A_417 = arith.mulf %mul3A_411, %get3A_416 : vector<16xf32>
        %add3A_418 = arith.addf %add3A_400, %mul3A_417 : vector<16xf32>
        %get3A_419 = arith.constant 0 : i32
        %get3A_420 = arith.index_cast %get3A_419 : i32 to index
        %get3A_421 = arith.index_cast %add3A_312 : i32 to index
        %get3A_422 = arith.constant 96 : index
        %get3A_423 = tpu.vector_load %arg12[%get3A_420, %get3A_421, %get3A_422] {strides = array<i32>} : memref<2x96x128xf32, #tpu.memory_space<vmem>>, vector<16xf32>,
        %get3A_424 = arith.constant 0 : i32
        %get3A_425 = arith.index_cast %get3A_424 : i32 to index
        %get3A_426 = arith.index_cast %add3A_312 : i32 to index
        %get3A_427 = arith.constant 96 : index
        %get3A_428 = tpu.vector_load %arg13[%get3A_425, %get3A_426, %get3A_427] {strides = array<i32>} : memref<2x96x128xf32, #tpu.memory_space<vmem>>, vector<16xf32>,
        %mul3A_429 = arith.mulf %get3A_423, %get3A_428 : vector<16xf32>
        %get3A_430 = arith.constant 0 : i32
        %get3A_431 = arith.index_cast %get3A_430 : i32 to index
        %get3A_432 = arith.index_cast %add3A_312 : i32 to index
        %get3A_433 = arith.constant 96 : index
        %get3A_434 = tpu.vector_load %arg14[%get3A_431, %get3A_432, %get3A_433] {strides = array<i32>} : memref<2x96x128xf32, #tpu.memory_space<vmem>>, vector<16xf32>,
        %mul3A_435 = arith.mulf %mul3A_429, %get3A_434 : vector<16xf32>
        %add3A_436 = arith.addf %add3A_418, %mul3A_435 : vector<16xf32>
        %get3A_437 = arith.constant 0 : i32
        %get3A_438 = arith.index_cast %get3A_437 : i32 to index
        %get3A_439 = arith.index_cast %add3A_312 : i32 to index
        %get3A_440 = arith.constant 112 : index
        %get3A_441 = tpu.vector_load %arg12[%get3A_438, %get3A_439, %get3A_440] {strides = array<i32>} : memref<2x96x128xf32, #tpu.memory_space<vmem>>, vector<16xf32>,
        %get3A_442 = arith.constant 0 : i32
        %get3A_443 = arith.index_cast %get3A_442 : i32 to index
        %get3A_444 = arith.index_cast %add3A_312 : i32 to index
        %get3A_445 = arith.constant 112 : index
        %get3A_446 = tpu.vector_load %arg13[%get3A_443, %get3A_444, %get3A_445] {strides = array<i32>} : memref<2x96x128xf32, #tpu.memory_space<vmem>>, vector<16xf32>,
        %mul3A_447 = arith.mulf %get3A_441, %get3A_446 : vector<16xf32>
        %get3A_448 = arith.constant 0 : i32
        %get3A_449 = arith.index_cast %get3A_448 : i32 to index
        %get3A_450 = arith.index_cast %add3A_312 : i32 to index
        %get3A_451 = arith.constant 112 : index
        %get3A_452 = tpu.vector_load %arg14[%get3A_449, %get3A_450, %get3A_451] {strides = array<i32>} : memref<2x96x128xf32, #tpu.memory_space<vmem>>, vector<16xf32>,
        %mul3A_453 = arith.mulf %mul3A_447, %get3A_452 : vector<16xf32>
        %add3A_454 = arith.addf %add3A_436, %mul3A_453 : vector<16xf32>
        %reduce_sum3A = arith.constant true
        %reduce_sum3A_455 = vector.broadcast %reduce_sum3A : i1 to vector<16xi1>
        %reduce_sum3A_456 = tpu.scan <sum>, %add3A_454 masked %reduce_sum3A_455 : vector<16xf32>, vector<16xi1> -> vector<16xf32>
        %reduce_sum3A_457 = vector.extract %reduce_sum3A_456[15] : f32 from vector<16xf32>
        %eq3A = vector.broadcast %scan3A_305 : i32 to vector<16xi32>
        %eq3A_458 = arith.cmpi eq, %iota3A, %eq3A : vector<16xi32>
        %broadcast_in_dim3A_459 = vector.broadcast %reduce_sum3A_457 : f32 to vector<16xf32>
        %select_n3A = arith.select %eq3A_458, %broadcast_in_dim3A_459, %scan3A_306 : vector<16xi1>, vector<16xf32>
        scf.yield %select_n3A : vector<16xf32>
      }
      %scan3A_106 = arith.constant 16 : i32
      %sub3A = arith.constant 1.000000e+00 : f32
      %sub3A_107 = vector.broadcast %sub3A : f32 to vector<16xf32>
      %sub3A_108 = arith.subf %sub3A_107, %scan3A_97 : vector<16xf32>
      %add3A_109 = arith.addf %sub3A_108, %scan3A_105 : vector<16xf32>
      %max3A = arith.constant 0.000000e+00 : f32
      %max3A_110 = vector.broadcast %max3A : f32 to vector<16xf32>
      %max3A_111 = arith.maximumf %add3A_109, %max3A_110 : vector<16xf32>
      %add3A_112 = arith.addf %scan3A_53, %max3A_111 : vector<16xf32>
      %broadcast_in_dim3A_113 = arith.constant 0.000000e+00 : f32
      %broadcast_in_dim3A_114 = vector.broadcast %broadcast_in_dim3A_113 : f32 to vector<16xf32>
      %scan3A_115 = arith.constant 0 : i32
      %scan3A_116 = arith.constant 16 : i32
      %scan3A_117 = arith.addi %scan3A_115, %scan3A_116 : i32
      %scan3A_118 = arith.constant 1 : i32
      %scan3A_119 = scf.for %scan3A_305 = %scan3A_115 to %scan3A_117 step %scan3A_118 iter_args(%scan3A_306 = %broadcast_in_dim3A_114) -> (vector<16xf32>)  : i32 {
        %mul3A_307 = arith.constant 5 : i32
        %mul3A_308 = arith.muli %scan3A_305, %mul3A_307 : i32
        %add3A_309 = arith.constant 16 : i32
        %add3A_310 = arith.addi %add3A_309, %mul3A_308 : i32
        %add3A_311 = arith.constant 1 : i32
        %add3A_312 = arith.addi %add3A_310, %add3A_311 : i32
        %get3A = arith.constant 0 : i32
        %get3A_313 = arith.index_cast %get3A : i32 to index
        %get3A_314 = arith.index_cast %add3A_312 : i32 to index
        %get3A_315 = arith.constant 0 : index
        %get3A_316 = tpu.vector_load %arg12[%get3A_313, %get3A_314, %get3A_315] {strides = array<i32>} : memref<2x96x128xf32, #tpu.memory_space<vmem>>, vector<16xf32>,
        %get3A_317 = arith.constant 0 : i32
        %get3A_318 = arith.index_cast %get3A_317 : i32 to index
        %get3A_319 = arith.index_cast %add3A_312 : i32 to index
        %get3A_320 = arith.constant 0 : index
        %get3A_321 = tpu.vector_load %arg13[%get3A_318, %get3A_319, %get3A_320] {strides = array<i32>} : memref<2x96x128xf32, #tpu.memory_space<vmem>>, vector<16xf32>,
        %mul3A_322 = arith.mulf %get3A_316, %get3A_321 : vector<16xf32>
        %get3A_323 = arith.constant 0 : i32
        %get3A_324 = arith.index_cast %get3A_323 : i32 to index
        %get3A_325 = arith.index_cast %add3A_312 : i32 to index
        %get3A_326 = arith.constant 0 : index
        %get3A_327 = tpu.vector_load %arg14[%get3A_324, %get3A_325, %get3A_326] {strides = array<i32>} : memref<2x96x128xf32, #tpu.memory_space<vmem>>, vector<16xf32>,
        %mul3A_328 = arith.mulf %mul3A_322, %get3A_327 : vector<16xf32>
        %get3A_329 = arith.constant 0 : i32
        %get3A_330 = arith.index_cast %get3A_329 : i32 to index
        %get3A_331 = arith.index_cast %add3A_312 : i32 to index
        %get3A_332 = arith.constant 16 : index
        %get3A_333 = tpu.vector_load %arg12[%get3A_330, %get3A_331, %get3A_332] {strides = array<i32>} : memref<2x96x128xf32, #tpu.memory_space<vmem>>, vector<16xf32>,
        %get3A_334 = arith.constant 0 : i32
        %get3A_335 = arith.index_cast %get3A_334 : i32 to index
        %get3A_336 = arith.index_cast %add3A_312 : i32 to index
        %get3A_337 = arith.constant 16 : index
        %get3A_338 = tpu.vector_load %arg13[%get3A_335, %get3A_336, %get3A_337] {strides = array<i32>} : memref<2x96x128xf32, #tpu.memory_space<vmem>>, vector<16xf32>,
        %mul3A_339 = arith.mulf %get3A_333, %get3A_338 : vector<16xf32>
        %get3A_340 = arith.constant 0 : i32
        %get3A_341 = arith.index_cast %get3A_340 : i32 to index
        %get3A_342 = arith.index_cast %add3A_312 : i32 to index
        %get3A_343 = arith.constant 16 : index
        %get3A_344 = tpu.vector_load %arg14[%get3A_341, %get3A_342, %get3A_343] {strides = array<i32>} : memref<2x96x128xf32, #tpu.memory_space<vmem>>, vector<16xf32>,
        %mul3A_345 = arith.mulf %mul3A_339, %get3A_344 : vector<16xf32>
        %add3A_346 = arith.addf %mul3A_328, %mul3A_345 : vector<16xf32>
        %get3A_347 = arith.constant 0 : i32
        %get3A_348 = arith.index_cast %get3A_347 : i32 to index
        %get3A_349 = arith.index_cast %add3A_312 : i32 to index
        %get3A_350 = arith.constant 32 : index
        %get3A_351 = tpu.vector_load %arg12[%get3A_348, %get3A_349, %get3A_350] {strides = array<i32>} : memref<2x96x128xf32, #tpu.memory_space<vmem>>, vector<16xf32>,
        %get3A_352 = arith.constant 0 : i32
        %get3A_353 = arith.index_cast %get3A_352 : i32 to index
        %get3A_354 = arith.index_cast %add3A_312 : i32 to index
        %get3A_355 = arith.constant 32 : index
        %get3A_356 = tpu.vector_load %arg13[%get3A_353, %get3A_354, %get3A_355] {strides = array<i32>} : memref<2x96x128xf32, #tpu.memory_space<vmem>>, vector<16xf32>,
        %mul3A_357 = arith.mulf %get3A_351, %get3A_356 : vector<16xf32>
        %get3A_358 = arith.constant 0 : i32
        %get3A_359 = arith.index_cast %get3A_358 : i32 to index
        %get3A_360 = arith.index_cast %add3A_312 : i32 to index
        %get3A_361 = arith.constant 32 : index
        %get3A_362 = tpu.vector_load %arg14[%get3A_359, %get3A_360, %get3A_361] {strides = array<i32>} : memref<2x96x128xf32, #tpu.memory_space<vmem>>, vector<16xf32>,
        %mul3A_363 = arith.mulf %mul3A_357, %get3A_362 : vector<16xf32>
        %add3A_364 = arith.addf %add3A_346, %mul3A_363 : vector<16xf32>
        %get3A_365 = arith.constant 0 : i32
        %get3A_366 = arith.index_cast %get3A_365 : i32 to index
        %get3A_367 = arith.index_cast %add3A_312 : i32 to index
        %get3A_368 = arith.constant 48 : index
        %get3A_369 = tpu.vector_load %arg12[%get3A_366, %get3A_367, %get3A_368] {strides = array<i32>} : memref<2x96x128xf32, #tpu.memory_space<vmem>>, vector<16xf32>,
        %get3A_370 = arith.constant 0 : i32
        %get3A_371 = arith.index_cast %get3A_370 : i32 to index
        %get3A_372 = arith.index_cast %add3A_312 : i32 to index
        %get3A_373 = arith.constant 48 : index
        %get3A_374 = tpu.vector_load %arg13[%get3A_371, %get3A_372, %get3A_373] {strides = array<i32>} : memref<2x96x128xf32, #tpu.memory_space<vmem>>, vector<16xf32>,
        %mul3A_375 = arith.mulf %get3A_369, %get3A_374 : vector<16xf32>
        %get3A_376 = arith.constant 0 : i32
        %get3A_377 = arith.index_cast %get3A_376 : i32 to index
        %get3A_378 = arith.index_cast %add3A_312 : i32 to index
        %get3A_379 = arith.constant 48 : index
        %get3A_380 = tpu.vector_load %arg14[%get3A_377, %get3A_378, %get3A_379] {strides = array<i32>} : memref<2x96x128xf32, #tpu.memory_space<vmem>>, vector<16xf32>,
        %mul3A_381 = arith.mulf %mul3A_375, %get3A_380 : vector<16xf32>
        %add3A_382 = arith.addf %add3A_364, %mul3A_381 : vector<16xf32>
        %get3A_383 = arith.constant 0 : i32
        %get3A_384 = arith.index_cast %get3A_383 : i32 to index
        %get3A_385 = arith.index_cast %add3A_312 : i32 to index
        %get3A_386 = arith.constant 64 : index
        %get3A_387 = tpu.vector_load %arg12[%get3A_384, %get3A_385, %get3A_386] {strides = array<i32>} : memref<2x96x128xf32, #tpu.memory_space<vmem>>, vector<16xf32>,
        %get3A_388 = arith.constant 0 : i32
        %get3A_389 = arith.index_cast %get3A_388 : i32 to index
        %get3A_390 = arith.index_cast %add3A_312 : i32 to index
        %get3A_391 = arith.constant 64 : index
        %get3A_392 = tpu.vector_load %arg13[%get3A_389, %get3A_390, %get3A_391] {strides = array<i32>} : memref<2x96x128xf32, #tpu.memory_space<vmem>>, vector<16xf32>,
        %mul3A_393 = arith.mulf %get3A_387, %get3A_392 : vector<16xf32>
        %get3A_394 = arith.constant 0 : i32
        %get3A_395 = arith.index_cast %get3A_394 : i32 to index
        %get3A_396 = arith.index_cast %add3A_312 : i32 to index
        %get3A_397 = arith.constant 64 : index
        %get3A_398 = tpu.vector_load %arg14[%get3A_395, %get3A_396, %get3A_397] {strides = array<i32>} : memref<2x96x128xf32, #tpu.memory_space<vmem>>, vector<16xf32>,
        %mul3A_399 = arith.mulf %mul3A_393, %get3A_398 : vector<16xf32>
        %add3A_400 = arith.addf %add3A_382, %mul3A_399 : vector<16xf32>
        %get3A_401 = arith.constant 0 : i32
        %get3A_402 = arith.index_cast %get3A_401 : i32 to index
        %get3A_403 = arith.index_cast %add3A_312 : i32 to index
        %get3A_404 = arith.constant 80 : index
        %get3A_405 = tpu.vector_load %arg12[%get3A_402, %get3A_403, %get3A_404] {strides = array<i32>} : memref<2x96x128xf32, #tpu.memory_space<vmem>>, vector<16xf32>,
        %get3A_406 = arith.constant 0 : i32
        %get3A_407 = arith.index_cast %get3A_406 : i32 to index
        %get3A_408 = arith.index_cast %add3A_312 : i32 to index
        %get3A_409 = arith.constant 80 : index
        %get3A_410 = tpu.vector_load %arg13[%get3A_407, %get3A_408, %get3A_409] {strides = array<i32>} : memref<2x96x128xf32, #tpu.memory_space<vmem>>, vector<16xf32>,
        %mul3A_411 = arith.mulf %get3A_405, %get3A_410 : vector<16xf32>
        %get3A_412 = arith.constant 0 : i32
        %get3A_413 = arith.index_cast %get3A_412 : i32 to index
        %get3A_414 = arith.index_cast %add3A_312 : i32 to index
        %get3A_415 = arith.constant 80 : index
        %get3A_416 = tpu.vector_load %arg14[%get3A_413, %get3A_414, %get3A_415] {strides = array<i32>} : memref<2x96x128xf32, #tpu.memory_space<vmem>>, vector<16xf32>,
        %mul3A_417 = arith.mulf %mul3A_411, %get3A_416 : vector<16xf32>
        %add3A_418 = arith.addf %add3A_400, %mul3A_417 : vector<16xf32>
        %get3A_419 = arith.constant 0 : i32
        %get3A_420 = arith.index_cast %get3A_419 : i32 to index
        %get3A_421 = arith.index_cast %add3A_312 : i32 to index
        %get3A_422 = arith.constant 96 : index
        %get3A_423 = tpu.vector_load %arg12[%get3A_420, %get3A_421, %get3A_422] {strides = array<i32>} : memref<2x96x128xf32, #tpu.memory_space<vmem>>, vector<16xf32>,
        %get3A_424 = arith.constant 0 : i32
        %get3A_425 = arith.index_cast %get3A_424 : i32 to index
        %get3A_426 = arith.index_cast %add3A_312 : i32 to index
        %get3A_427 = arith.constant 96 : index
        %get3A_428 = tpu.vector_load %arg13[%get3A_425, %get3A_426, %get3A_427] {strides = array<i32>} : memref<2x96x128xf32, #tpu.memory_space<vmem>>, vector<16xf32>,
        %mul3A_429 = arith.mulf %get3A_423, %get3A_428 : vector<16xf32>
        %get3A_430 = arith.constant 0 : i32
        %get3A_431 = arith.index_cast %get3A_430 : i32 to index
        %get3A_432 = arith.index_cast %add3A_312 : i32 to index
        %get3A_433 = arith.constant 96 : index
        %get3A_434 = tpu.vector_load %arg14[%get3A_431, %get3A_432, %get3A_433] {strides = array<i32>} : memref<2x96x128xf32, #tpu.memory_space<vmem>>, vector<16xf32>,
        %mul3A_435 = arith.mulf %mul3A_429, %get3A_434 : vector<16xf32>
        %add3A_436 = arith.addf %add3A_418, %mul3A_435 : vector<16xf32>
        %get3A_437 = arith.constant 0 : i32
        %get3A_438 = arith.index_cast %get3A_437 : i32 to index
        %get3A_439 = arith.index_cast %add3A_312 : i32 to index
        %get3A_440 = arith.constant 112 : index
        %get3A_441 = tpu.vector_load %arg12[%get3A_438, %get3A_439, %get3A_440] {strides = array<i32>} : memref<2x96x128xf32, #tpu.memory_space<vmem>>, vector<16xf32>,
        %get3A_442 = arith.constant 0 : i32
        %get3A_443 = arith.index_cast %get3A_442 : i32 to index
        %get3A_444 = arith.index_cast %add3A_312 : i32 to index
        %get3A_445 = arith.constant 112 : index
        %get3A_446 = tpu.vector_load %arg13[%get3A_443, %get3A_444, %get3A_445] {strides = array<i32>} : memref<2x96x128xf32, #tpu.memory_space<vmem>>, vector<16xf32>,
        %mul3A_447 = arith.mulf %get3A_441, %get3A_446 : vector<16xf32>
        %get3A_448 = arith.constant 0 : i32
        %get3A_449 = arith.index_cast %get3A_448 : i32 to index
        %get3A_450 = arith.index_cast %add3A_312 : i32 to index
        %get3A_451 = arith.constant 112 : index
        %get3A_452 = tpu.vector_load %arg14[%get3A_449, %get3A_450, %get3A_451] {strides = array<i32>} : memref<2x96x128xf32, #tpu.memory_space<vmem>>, vector<16xf32>,
        %mul3A_453 = arith.mulf %mul3A_447, %get3A_452 : vector<16xf32>
        %add3A_454 = arith.addf %add3A_436, %mul3A_453 : vector<16xf32>
        %reduce_sum3A = arith.constant true
        %reduce_sum3A_455 = vector.broadcast %reduce_sum3A : i1 to vector<16xi1>
        %reduce_sum3A_456 = tpu.scan <sum>, %add3A_454 masked %reduce_sum3A_455 : vector<16xf32>, vector<16xi1> -> vector<16xf32>
        %reduce_sum3A_457 = vector.extract %reduce_sum3A_456[15] : f32 from vector<16xf32>
        %eq3A = vector.broadcast %scan3A_305 : i32 to vector<16xi32>
        %eq3A_458 = arith.cmpi eq, %iota3A, %eq3A : vector<16xi32>
        %broadcast_in_dim3A_459 = vector.broadcast %reduce_sum3A_457 : f32 to vector<16xf32>
        %select_n3A = arith.select %eq3A_458, %broadcast_in_dim3A_459, %scan3A_306 : vector<16xi1>, vector<16xf32>
        scf.yield %select_n3A : vector<16xf32>
      }
      %scan3A_120 = arith.constant 16 : i32
      %sub3A_121 = arith.constant 1.000000e+00 : f32
      %sub3A_122 = vector.broadcast %sub3A_121 : f32 to vector<16xf32>
      %sub3A_123 = arith.subf %sub3A_122, %scan3A_97 : vector<16xf32>
      %add3A_124 = arith.addf %sub3A_123, %scan3A_119 : vector<16xf32>
      %max3A_125 = arith.constant 0.000000e+00 : f32
      %max3A_126 = vector.broadcast %max3A_125 : f32 to vector<16xf32>
      %max3A_127 = arith.maximumf %add3A_124, %max3A_126 : vector<16xf32>
      %add3A_128 = arith.addf %add3A_112, %max3A_127 : vector<16xf32>
      %broadcast_in_dim3A_129 = arith.constant 0.000000e+00 : f32
      %broadcast_in_dim3A_130 = vector.broadcast %broadcast_in_dim3A_129 : f32 to vector<16xf32>
      %scan3A_131 = arith.constant 0 : i32
      %scan3A_132 = arith.constant 16 : i32
      %scan3A_133 = arith.addi %scan3A_131, %scan3A_132 : i32
      %scan3A_134 = arith.constant 1 : i32
      %scan3A_135 = scf.for %scan3A_305 = %scan3A_131 to %scan3A_133 step %scan3A_134 iter_args(%scan3A_306 = %broadcast_in_dim3A_130) -> (vector<16xf32>)  : i32 {
        %mul3A_307 = arith.constant 5 : i32
        %mul3A_308 = arith.muli %scan3A_305, %mul3A_307 : i32
        %add3A_309 = arith.constant 16 : i32
        %add3A_310 = arith.addi %add3A_309, %mul3A_308 : i32
        %add3A_311 = arith.constant 2 : i32
        %add3A_312 = arith.addi %add3A_310, %add3A_311 : i32
        %get3A = arith.constant 0 : i32
        %get3A_313 = arith.index_cast %get3A : i32 to index
        %get3A_314 = arith.index_cast %add3A_312 : i32 to index
        %get3A_315 = arith.constant 0 : index
        %get3A_316 = tpu.vector_load %arg12[%get3A_313, %get3A_314, %get3A_315] {strides = array<i32>} : memref<2x96x128xf32, #tpu.memory_space<vmem>>, vector<16xf32>,
        %get3A_317 = arith.constant 0 : i32
        %get3A_318 = arith.index_cast %get3A_317 : i32 to index
        %get3A_319 = arith.index_cast %add3A_312 : i32 to index
        %get3A_320 = arith.constant 0 : index
        %get3A_321 = tpu.vector_load %arg13[%get3A_318, %get3A_319, %get3A_320] {strides = array<i32>} : memref<2x96x128xf32, #tpu.memory_space<vmem>>, vector<16xf32>,
        %mul3A_322 = arith.mulf %get3A_316, %get3A_321 : vector<16xf32>
        %get3A_323 = arith.constant 0 : i32
        %get3A_324 = arith.index_cast %get3A_323 : i32 to index
        %get3A_325 = arith.index_cast %add3A_312 : i32 to index
        %get3A_326 = arith.constant 0 : index
        %get3A_327 = tpu.vector_load %arg14[%get3A_324, %get3A_325, %get3A_326] {strides = array<i32>} : memref<2x96x128xf32, #tpu.memory_space<vmem>>, vector<16xf32>,
        %mul3A_328 = arith.mulf %mul3A_322, %get3A_327 : vector<16xf32>
        %get3A_329 = arith.constant 0 : i32
        %get3A_330 = arith.index_cast %get3A_329 : i32 to index
        %get3A_331 = arith.index_cast %add3A_312 : i32 to index
        %get3A_332 = arith.constant 16 : index
        %get3A_333 = tpu.vector_load %arg12[%get3A_330, %get3A_331, %get3A_332] {strides = array<i32>} : memref<2x96x128xf32, #tpu.memory_space<vmem>>, vector<16xf32>,
        %get3A_334 = arith.constant 0 : i32
        %get3A_335 = arith.index_cast %get3A_334 : i32 to index
        %get3A_336 = arith.index_cast %add3A_312 : i32 to index
        %get3A_337 = arith.constant 16 : index
        %get3A_338 = tpu.vector_load %arg13[%get3A_335, %get3A_336, %get3A_337] {strides = array<i32>} : memref<2x96x128xf32, #tpu.memory_space<vmem>>, vector<16xf32>,
        %mul3A_339 = arith.mulf %get3A_333, %get3A_338 : vector<16xf32>
        %get3A_340 = arith.constant 0 : i32
        %get3A_341 = arith.index_cast %get3A_340 : i32 to index
        %get3A_342 = arith.index_cast %add3A_312 : i32 to index
        %get3A_343 = arith.constant 16 : index
        %get3A_344 = tpu.vector_load %arg14[%get3A_341, %get3A_342, %get3A_343] {strides = array<i32>} : memref<2x96x128xf32, #tpu.memory_space<vmem>>, vector<16xf32>,
        %mul3A_345 = arith.mulf %mul3A_339, %get3A_344 : vector<16xf32>
        %add3A_346 = arith.addf %mul3A_328, %mul3A_345 : vector<16xf32>
        %get3A_347 = arith.constant 0 : i32
        %get3A_348 = arith.index_cast %get3A_347 : i32 to index
        %get3A_349 = arith.index_cast %add3A_312 : i32 to index
        %get3A_350 = arith.constant 32 : index
        %get3A_351 = tpu.vector_load %arg12[%get3A_348, %get3A_349, %get3A_350] {strides = array<i32>} : memref<2x96x128xf32, #tpu.memory_space<vmem>>, vector<16xf32>,
        %get3A_352 = arith.constant 0 : i32
        %get3A_353 = arith.index_cast %get3A_352 : i32 to index
        %get3A_354 = arith.index_cast %add3A_312 : i32 to index
        %get3A_355 = arith.constant 32 : index
        %get3A_356 = tpu.vector_load %arg13[%get3A_353, %get3A_354, %get3A_355] {strides = array<i32>} : memref<2x96x128xf32, #tpu.memory_space<vmem>>, vector<16xf32>,
        %mul3A_357 = arith.mulf %get3A_351, %get3A_356 : vector<16xf32>
        %get3A_358 = arith.constant 0 : i32
        %get3A_359 = arith.index_cast %get3A_358 : i32 to index
        %get3A_360 = arith.index_cast %add3A_312 : i32 to index
        %get3A_361 = arith.constant 32 : index
        %get3A_362 = tpu.vector_load %arg14[%get3A_359, %get3A_360, %get3A_361] {strides = array<i32>} : memref<2x96x128xf32, #tpu.memory_space<vmem>>, vector<16xf32>,
        %mul3A_363 = arith.mulf %mul3A_357, %get3A_362 : vector<16xf32>
        %add3A_364 = arith.addf %add3A_346, %mul3A_363 : vector<16xf32>
        %get3A_365 = arith.constant 0 : i32
        %get3A_366 = arith.index_cast %get3A_365 : i32 to index
        %get3A_367 = arith.index_cast %add3A_312 : i32 to index
        %get3A_368 = arith.constant 48 : index
        %get3A_369 = tpu.vector_load %arg12[%get3A_366, %get3A_367, %get3A_368] {strides = array<i32>} : memref<2x96x128xf32, #tpu.memory_space<vmem>>, vector<16xf32>,
        %get3A_370 = arith.constant 0 : i32
        %get3A_371 = arith.index_cast %get3A_370 : i32 to index
        %get3A_372 = arith.index_cast %add3A_312 : i32 to index
        %get3A_373 = arith.constant 48 : index
        %get3A_374 = tpu.vector_load %arg13[%get3A_371, %get3A_372, %get3A_373] {strides = array<i32>} : memref<2x96x128xf32, #tpu.memory_space<vmem>>, vector<16xf32>,
        %mul3A_375 = arith.mulf %get3A_369, %get3A_374 : vector<16xf32>
        %get3A_376 = arith.constant 0 : i32
        %get3A_377 = arith.index_cast %get3A_376 : i32 to index
        %get3A_378 = arith.index_cast %add3A_312 : i32 to index
        %get3A_379 = arith.constant 48 : index
        %get3A_380 = tpu.vector_load %arg14[%get3A_377, %get3A_378, %get3A_379] {strides = array<i32>} : memref<2x96x128xf32, #tpu.memory_space<vmem>>, vector<16xf32>,
        %mul3A_381 = arith.mulf %mul3A_375, %get3A_380 : vector<16xf32>
        %add3A_382 = arith.addf %add3A_364, %mul3A_381 : vector<16xf32>
        %get3A_383 = arith.constant 0 : i32
        %get3A_384 = arith.index_cast %get3A_383 : i32 to index
        %get3A_385 = arith.index_cast %add3A_312 : i32 to index
        %get3A_386 = arith.constant 64 : index
        %get3A_387 = tpu.vector_load %arg12[%get3A_384, %get3A_385, %get3A_386] {strides = array<i32>} : memref<2x96x128xf32, #tpu.memory_space<vmem>>, vector<16xf32>,
        %get3A_388 = arith.constant 0 : i32
        %get3A_389 = arith.index_cast %get3A_388 : i32 to index
        %get3A_390 = arith.index_cast %add3A_312 : i32 to index
        %get3A_391 = arith.constant 64 : index
        %get3A_392 = tpu.vector_load %arg13[%get3A_389, %get3A_390, %get3A_391] {strides = array<i32>} : memref<2x96x128xf32, #tpu.memory_space<vmem>>, vector<16xf32>,
        %mul3A_393 = arith.mulf %get3A_387, %get3A_392 : vector<16xf32>
        %get3A_394 = arith.constant 0 : i32
        %get3A_395 = arith.index_cast %get3A_394 : i32 to index
        %get3A_396 = arith.index_cast %add3A_312 : i32 to index
        %get3A_397 = arith.constant 64 : index
        %get3A_398 = tpu.vector_load %arg14[%get3A_395, %get3A_396, %get3A_397] {strides = array<i32>} : memref<2x96x128xf32, #tpu.memory_space<vmem>>, vector<16xf32>,
        %mul3A_399 = arith.mulf %mul3A_393, %get3A_398 : vector<16xf32>
        %add3A_400 = arith.addf %add3A_382, %mul3A_399 : vector<16xf32>
        %get3A_401 = arith.constant 0 : i32
        %get3A_402 = arith.index_cast %get3A_401 : i32 to index
        %get3A_403 = arith.index_cast %add3A_312 : i32 to index
        %get3A_404 = arith.constant 80 : index
        %get3A_405 = tpu.vector_load %arg12[%get3A_402, %get3A_403, %get3A_404] {strides = array<i32>} : memref<2x96x128xf32, #tpu.memory_space<vmem>>, vector<16xf32>,
        %get3A_406 = arith.constant 0 : i32
        %get3A_407 = arith.index_cast %get3A_406 : i32 to index
        %get3A_408 = arith.index_cast %add3A_312 : i32 to index
        %get3A_409 = arith.constant 80 : index
        %get3A_410 = tpu.vector_load %arg13[%get3A_407, %get3A_408, %get3A_409] {strides = array<i32>} : memref<2x96x128xf32, #tpu.memory_space<vmem>>, vector<16xf32>,
        %mul3A_411 = arith.mulf %get3A_405, %get3A_410 : vector<16xf32>
        %get3A_412 = arith.constant 0 : i32
        %get3A_413 = arith.index_cast %get3A_412 : i32 to index
        %get3A_414 = arith.index_cast %add3A_312 : i32 to index
        %get3A_415 = arith.constant 80 : index
        %get3A_416 = tpu.vector_load %arg14[%get3A_413, %get3A_414, %get3A_415] {strides = array<i32>} : memref<2x96x128xf32, #tpu.memory_space<vmem>>, vector<16xf32>,
        %mul3A_417 = arith.mulf %mul3A_411, %get3A_416 : vector<16xf32>
        %add3A_418 = arith.addf %add3A_400, %mul3A_417 : vector<16xf32>
        %get3A_419 = arith.constant 0 : i32
        %get3A_420 = arith.index_cast %get3A_419 : i32 to index
        %get3A_421 = arith.index_cast %add3A_312 : i32 to index
        %get3A_422 = arith.constant 96 : index
        %get3A_423 = tpu.vector_load %arg12[%get3A_420, %get3A_421, %get3A_422] {strides = array<i32>} : memref<2x96x128xf32, #tpu.memory_space<vmem>>, vector<16xf32>,
        %get3A_424 = arith.constant 0 : i32
        %get3A_425 = arith.index_cast %get3A_424 : i32 to index
        %get3A_426 = arith.index_cast %add3A_312 : i32 to index
        %get3A_427 = arith.constant 96 : index
        %get3A_428 = tpu.vector_load %arg13[%get3A_425, %get3A_426, %get3A_427] {strides = array<i32>} : memref<2x96x128xf32, #tpu.memory_space<vmem>>, vector<16xf32>,
        %mul3A_429 = arith.mulf %get3A_423, %get3A_428 : vector<16xf32>
        %get3A_430 = arith.constant 0 : i32
        %get3A_431 = arith.index_cast %get3A_430 : i32 to index
        %get3A_432 = arith.index_cast %add3A_312 : i32 to index
        %get3A_433 = arith.constant 96 : index
        %get3A_434 = tpu.vector_load %arg14[%get3A_431, %get3A_432, %get3A_433] {strides = array<i32>} : memref<2x96x128xf32, #tpu.memory_space<vmem>>, vector<16xf32>,
        %mul3A_435 = arith.mulf %mul3A_429, %get3A_434 : vector<16xf32>
        %add3A_436 = arith.addf %add3A_418, %mul3A_435 : vector<16xf32>
        %get3A_437 = arith.constant 0 : i32
        %get3A_438 = arith.index_cast %get3A_437 : i32 to index
        %get3A_439 = arith.index_cast %add3A_312 : i32 to index
        %get3A_440 = arith.constant 112 : index
        %get3A_441 = tpu.vector_load %arg12[%get3A_438, %get3A_439, %get3A_440] {strides = array<i32>} : memref<2x96x128xf32, #tpu.memory_space<vmem>>, vector<16xf32>,
        %get3A_442 = arith.constant 0 : i32
        %get3A_443 = arith.index_cast %get3A_442 : i32 to index
        %get3A_444 = arith.index_cast %add3A_312 : i32 to index
        %get3A_445 = arith.constant 112 : index
        %get3A_446 = tpu.vector_load %arg13[%get3A_443, %get3A_444, %get3A_445] {strides = array<i32>} : memref<2x96x128xf32, #tpu.memory_space<vmem>>, vector<16xf32>,
        %mul3A_447 = arith.mulf %get3A_441, %get3A_446 : vector<16xf32>
        %get3A_448 = arith.constant 0 : i32
        %get3A_449 = arith.index_cast %get3A_448 : i32 to index
        %get3A_450 = arith.index_cast %add3A_312 : i32 to index
        %get3A_451 = arith.constant 112 : index
        %get3A_452 = tpu.vector_load %arg14[%get3A_449, %get3A_450, %get3A_451] {strides = array<i32>} : memref<2x96x128xf32, #tpu.memory_space<vmem>>, vector<16xf32>,
        %mul3A_453 = arith.mulf %mul3A_447, %get3A_452 : vector<16xf32>
        %add3A_454 = arith.addf %add3A_436, %mul3A_453 : vector<16xf32>
        %reduce_sum3A = arith.constant true
        %reduce_sum3A_455 = vector.broadcast %reduce_sum3A : i1 to vector<16xi1>
        %reduce_sum3A_456 = tpu.scan <sum>, %add3A_454 masked %reduce_sum3A_455 : vector<16xf32>, vector<16xi1> -> vector<16xf32>
        %reduce_sum3A_457 = vector.extract %reduce_sum3A_456[15] : f32 from vector<16xf32>
        %eq3A = vector.broadcast %scan3A_305 : i32 to vector<16xi32>
        %eq3A_458 = arith.cmpi eq, %iota3A, %eq3A : vector<16xi32>
        %broadcast_in_dim3A_459 = vector.broadcast %reduce_sum3A_457 : f32 to vector<16xf32>
        %select_n3A = arith.select %eq3A_458, %broadcast_in_dim3A_459, %scan3A_306 : vector<16xi1>, vector<16xf32>
        scf.yield %select_n3A : vector<16xf32>
      }
      %scan3A_136 = arith.constant 16 : i32
      %sub3A_137 = arith.constant 1.000000e+00 : f32
      %sub3A_138 = vector.broadcast %sub3A_137 : f32 to vector<16xf32>
      %sub3A_139 = arith.subf %sub3A_138, %scan3A_97 : vector<16xf32>
      %add3A_140 = arith.addf %sub3A_139, %scan3A_135 : vector<16xf32>
      %max3A_141 = arith.constant 0.000000e+00 : f32
      %max3A_142 = vector.broadcast %max3A_141 : f32 to vector<16xf32>
      %max3A_143 = arith.maximumf %add3A_140, %max3A_142 : vector<16xf32>
      %add3A_144 = arith.addf %add3A_128, %max3A_143 : vector<16xf32>
      %broadcast_in_dim3A_145 = arith.constant 0.000000e+00 : f32
      %broadcast_in_dim3A_146 = vector.broadcast %broadcast_in_dim3A_145 : f32 to vector<16xf32>
      %scan3A_147 = arith.constant 0 : i32
      %scan3A_148 = arith.constant 16 : i32
      %scan3A_149 = arith.addi %scan3A_147, %scan3A_148 : i32
      %scan3A_150 = arith.constant 1 : i32
      %scan3A_151 = scf.for %scan3A_305 = %scan3A_147 to %scan3A_149 step %scan3A_150 iter_args(%scan3A_306 = %broadcast_in_dim3A_146) -> (vector<16xf32>)  : i32 {
        %mul3A_307 = arith.constant 5 : i32
        %mul3A_308 = arith.muli %scan3A_305, %mul3A_307 : i32
        %add3A_309 = arith.constant 16 : i32
        %add3A_310 = arith.addi %add3A_309, %mul3A_308 : i32
        %add3A_311 = arith.constant 3 : i32
        %add3A_312 = arith.addi %add3A_310, %add3A_311 : i32
        %get3A = arith.constant 0 : i32
        %get3A_313 = arith.index_cast %get3A : i32 to index
        %get3A_314 = arith.index_cast %add3A_312 : i32 to index
        %get3A_315 = arith.constant 0 : index
        %get3A_316 = tpu.vector_load %arg12[%get3A_313, %get3A_314, %get3A_315] {strides = array<i32>} : memref<2x96x128xf32, #tpu.memory_space<vmem>>, vector<16xf32>,
        %get3A_317 = arith.constant 0 : i32
        %get3A_318 = arith.index_cast %get3A_317 : i32 to index
        %get3A_319 = arith.index_cast %add3A_312 : i32 to index
        %get3A_320 = arith.constant 0 : index
        %get3A_321 = tpu.vector_load %arg13[%get3A_318, %get3A_319, %get3A_320] {strides = array<i32>} : memref<2x96x128xf32, #tpu.memory_space<vmem>>, vector<16xf32>,
        %mul3A_322 = arith.mulf %get3A_316, %get3A_321 : vector<16xf32>
        %get3A_323 = arith.constant 0 : i32
        %get3A_324 = arith.index_cast %get3A_323 : i32 to index
        %get3A_325 = arith.index_cast %add3A_312 : i32 to index
        %get3A_326 = arith.constant 0 : index
        %get3A_327 = tpu.vector_load %arg14[%get3A_324, %get3A_325, %get3A_326] {strides = array<i32>} : memref<2x96x128xf32, #tpu.memory_space<vmem>>, vector<16xf32>,
        %mul3A_328 = arith.mulf %mul3A_322, %get3A_327 : vector<16xf32>
        %get3A_329 = arith.constant 0 : i32
        %get3A_330 = arith.index_cast %get3A_329 : i32 to index
        %get3A_331 = arith.index_cast %add3A_312 : i32 to index
        %get3A_332 = arith.constant 16 : index
        %get3A_333 = tpu.vector_load %arg12[%get3A_330, %get3A_331, %get3A_332] {strides = array<i32>} : memref<2x96x128xf32, #tpu.memory_space<vmem>>, vector<16xf32>,
        %get3A_334 = arith.constant 0 : i32
        %get3A_335 = arith.index_cast %get3A_334 : i32 to index
        %get3A_336 = arith.index_cast %add3A_312 : i32 to index
        %get3A_337 = arith.constant 16 : index
        %get3A_338 = tpu.vector_load %arg13[%get3A_335, %get3A_336, %get3A_337] {strides = array<i32>} : memref<2x96x128xf32, #tpu.memory_space<vmem>>, vector<16xf32>,
        %mul3A_339 = arith.mulf %get3A_333, %get3A_338 : vector<16xf32>
        %get3A_340 = arith.constant 0 : i32
        %get3A_341 = arith.index_cast %get3A_340 : i32 to index
        %get3A_342 = arith.index_cast %add3A_312 : i32 to index
        %get3A_343 = arith.constant 16 : index
        %get3A_344 = tpu.vector_load %arg14[%get3A_341, %get3A_342, %get3A_343] {strides = array<i32>} : memref<2x96x128xf32, #tpu.memory_space<vmem>>, vector<16xf32>,
        %mul3A_345 = arith.mulf %mul3A_339, %get3A_344 : vector<16xf32>
        %add3A_346 = arith.addf %mul3A_328, %mul3A_345 : vector<16xf32>
        %get3A_347 = arith.constant 0 : i32
        %get3A_348 = arith.index_cast %get3A_347 : i32 to index
        %get3A_349 = arith.index_cast %add3A_312 : i32 to index
        %get3A_350 = arith.constant 32 : index
        %get3A_351 = tpu.vector_load %arg12[%get3A_348, %get3A_349, %get3A_350] {strides = array<i32>} : memref<2x96x128xf32, #tpu.memory_space<vmem>>, vector<16xf32>,
        %get3A_352 = arith.constant 0 : i32
        %get3A_353 = arith.index_cast %get3A_352 : i32 to index
        %get3A_354 = arith.index_cast %add3A_312 : i32 to index
        %get3A_355 = arith.constant 32 : index
        %get3A_356 = tpu.vector_load %arg13[%get3A_353, %get3A_354, %get3A_355] {strides = array<i32>} : memref<2x96x128xf32, #tpu.memory_space<vmem>>, vector<16xf32>,
        %mul3A_357 = arith.mulf %get3A_351, %get3A_356 : vector<16xf32>
        %get3A_358 = arith.constant 0 : i32
        %get3A_359 = arith.index_cast %get3A_358 : i32 to index
        %get3A_360 = arith.index_cast %add3A_312 : i32 to index
        %get3A_361 = arith.constant 32 : index
        %get3A_362 = tpu.vector_load %arg14[%get3A_359, %get3A_360, %get3A_361] {strides = array<i32>} : memref<2x96x128xf32, #tpu.memory_space<vmem>>, vector<16xf32>,
        %mul3A_363 = arith.mulf %mul3A_357, %get3A_362 : vector<16xf32>
        %add3A_364 = arith.addf %add3A_346, %mul3A_363 : vector<16xf32>
        %get3A_365 = arith.constant 0 : i32
        %get3A_366 = arith.index_cast %get3A_365 : i32 to index
        %get3A_367 = arith.index_cast %add3A_312 : i32 to index
        %get3A_368 = arith.constant 48 : index
        %get3A_369 = tpu.vector_load %arg12[%get3A_366, %get3A_367, %get3A_368] {strides = array<i32>} : memref<2x96x128xf32, #tpu.memory_space<vmem>>, vector<16xf32>,
        %get3A_370 = arith.constant 0 : i32
        %get3A_371 = arith.index_cast %get3A_370 : i32 to index
        %get3A_372 = arith.index_cast %add3A_312 : i32 to index
        %get3A_373 = arith.constant 48 : index
        %get3A_374 = tpu.vector_load %arg13[%get3A_371, %get3A_372, %get3A_373] {strides = array<i32>} : memref<2x96x128xf32, #tpu.memory_space<vmem>>, vector<16xf32>,
        %mul3A_375 = arith.mulf %get3A_369, %get3A_374 : vector<16xf32>
        %get3A_376 = arith.constant 0 : i32
        %get3A_377 = arith.index_cast %get3A_376 : i32 to index
        %get3A_378 = arith.index_cast %add3A_312 : i32 to index
        %get3A_379 = arith.constant 48 : index
        %get3A_380 = tpu.vector_load %arg14[%get3A_377, %get3A_378, %get3A_379] {strides = array<i32>} : memref<2x96x128xf32, #tpu.memory_space<vmem>>, vector<16xf32>,
        %mul3A_381 = arith.mulf %mul3A_375, %get3A_380 : vector<16xf32>
        %add3A_382 = arith.addf %add3A_364, %mul3A_381 : vector<16xf32>
        %get3A_383 = arith.constant 0 : i32
        %get3A_384 = arith.index_cast %get3A_383 : i32 to index
        %get3A_385 = arith.index_cast %add3A_312 : i32 to index
        %get3A_386 = arith.constant 64 : index
        %get3A_387 = tpu.vector_load %arg12[%get3A_384, %get3A_385, %get3A_386] {strides = array<i32>} : memref<2x96x128xf32, #tpu.memory_space<vmem>>, vector<16xf32>,
        %get3A_388 = arith.constant 0 : i32
        %get3A_389 = arith.index_cast %get3A_388 : i32 to index
        %get3A_390 = arith.index_cast %add3A_312 : i32 to index
        %get3A_391 = arith.constant 64 : index
        %get3A_392 = tpu.vector_load %arg13[%get3A_389, %get3A_390, %get3A_391] {strides = array<i32>} : memref<2x96x128xf32, #tpu.memory_space<vmem>>, vector<16xf32>,
        %mul3A_393 = arith.mulf %get3A_387, %get3A_392 : vector<16xf32>
        %get3A_394 = arith.constant 0 : i32
        %get3A_395 = arith.index_cast %get3A_394 : i32 to index
        %get3A_396 = arith.index_cast %add3A_312 : i32 to index
        %get3A_397 = arith.constant 64 : index
        %get3A_398 = tpu.vector_load %arg14[%get3A_395, %get3A_396, %get3A_397] {strides = array<i32>} : memref<2x96x128xf32, #tpu.memory_space<vmem>>, vector<16xf32>,
        %mul3A_399 = arith.mulf %mul3A_393, %get3A_398 : vector<16xf32>
        %add3A_400 = arith.addf %add3A_382, %mul3A_399 : vector<16xf32>
        %get3A_401 = arith.constant 0 : i32
        %get3A_402 = arith.index_cast %get3A_401 : i32 to index
        %get3A_403 = arith.index_cast %add3A_312 : i32 to index
        %get3A_404 = arith.constant 80 : index
        %get3A_405 = tpu.vector_load %arg12[%get3A_402, %get3A_403, %get3A_404] {strides = array<i32>} : memref<2x96x128xf32, #tpu.memory_space<vmem>>, vector<16xf32>,
        %get3A_406 = arith.constant 0 : i32
        %get3A_407 = arith.index_cast %get3A_406 : i32 to index
        %get3A_408 = arith.index_cast %add3A_312 : i32 to index
        %get3A_409 = arith.constant 80 : index
        %get3A_410 = tpu.vector_load %arg13[%get3A_407, %get3A_408, %get3A_409] {strides = array<i32>} : memref<2x96x128xf32, #tpu.memory_space<vmem>>, vector<16xf32>,
        %mul3A_411 = arith.mulf %get3A_405, %get3A_410 : vector<16xf32>
        %get3A_412 = arith.constant 0 : i32
        %get3A_413 = arith.index_cast %get3A_412 : i32 to index
        %get3A_414 = arith.index_cast %add3A_312 : i32 to index
        %get3A_415 = arith.constant 80 : index
        %get3A_416 = tpu.vector_load %arg14[%get3A_413, %get3A_414, %get3A_415] {strides = array<i32>} : memref<2x96x128xf32, #tpu.memory_space<vmem>>, vector<16xf32>,
        %mul3A_417 = arith.mulf %mul3A_411, %get3A_416 : vector<16xf32>
        %add3A_418 = arith.addf %add3A_400, %mul3A_417 : vector<16xf32>
        %get3A_419 = arith.constant 0 : i32
        %get3A_420 = arith.index_cast %get3A_419 : i32 to index
        %get3A_421 = arith.index_cast %add3A_312 : i32 to index
        %get3A_422 = arith.constant 96 : index
        %get3A_423 = tpu.vector_load %arg12[%get3A_420, %get3A_421, %get3A_422] {strides = array<i32>} : memref<2x96x128xf32, #tpu.memory_space<vmem>>, vector<16xf32>,
        %get3A_424 = arith.constant 0 : i32
        %get3A_425 = arith.index_cast %get3A_424 : i32 to index
        %get3A_426 = arith.index_cast %add3A_312 : i32 to index
        %get3A_427 = arith.constant 96 : index
        %get3A_428 = tpu.vector_load %arg13[%get3A_425, %get3A_426, %get3A_427] {strides = array<i32>} : memref<2x96x128xf32, #tpu.memory_space<vmem>>, vector<16xf32>,
        %mul3A_429 = arith.mulf %get3A_423, %get3A_428 : vector<16xf32>
        %get3A_430 = arith.constant 0 : i32
        %get3A_431 = arith.index_cast %get3A_430 : i32 to index
        %get3A_432 = arith.index_cast %add3A_312 : i32 to index
        %get3A_433 = arith.constant 96 : index
        %get3A_434 = tpu.vector_load %arg14[%get3A_431, %get3A_432, %get3A_433] {strides = array<i32>} : memref<2x96x128xf32, #tpu.memory_space<vmem>>, vector<16xf32>,
        %mul3A_435 = arith.mulf %mul3A_429, %get3A_434 : vector<16xf32>
        %add3A_436 = arith.addf %add3A_418, %mul3A_435 : vector<16xf32>
        %get3A_437 = arith.constant 0 : i32
        %get3A_438 = arith.index_cast %get3A_437 : i32 to index
        %get3A_439 = arith.index_cast %add3A_312 : i32 to index
        %get3A_440 = arith.constant 112 : index
        %get3A_441 = tpu.vector_load %arg12[%get3A_438, %get3A_439, %get3A_440] {strides = array<i32>} : memref<2x96x128xf32, #tpu.memory_space<vmem>>, vector<16xf32>,
        %get3A_442 = arith.constant 0 : i32
        %get3A_443 = arith.index_cast %get3A_442 : i32 to index
        %get3A_444 = arith.index_cast %add3A_312 : i32 to index
        %get3A_445 = arith.constant 112 : index
        %get3A_446 = tpu.vector_load %arg13[%get3A_443, %get3A_444, %get3A_445] {strides = array<i32>} : memref<2x96x128xf32, #tpu.memory_space<vmem>>, vector<16xf32>,
        %mul3A_447 = arith.mulf %get3A_441, %get3A_446 : vector<16xf32>
        %get3A_448 = arith.constant 0 : i32
        %get3A_449 = arith.index_cast %get3A_448 : i32 to index
        %get3A_450 = arith.index_cast %add3A_312 : i32 to index
        %get3A_451 = arith.constant 112 : index
        %get3A_452 = tpu.vector_load %arg14[%get3A_449, %get3A_450, %get3A_451] {strides = array<i32>} : memref<2x96x128xf32, #tpu.memory_space<vmem>>, vector<16xf32>,
        %mul3A_453 = arith.mulf %mul3A_447, %get3A_452 : vector<16xf32>
        %add3A_454 = arith.addf %add3A_436, %mul3A_453 : vector<16xf32>
        %reduce_sum3A = arith.constant true
        %reduce_sum3A_455 = vector.broadcast %reduce_sum3A : i1 to vector<16xi1>
        %reduce_sum3A_456 = tpu.scan <sum>, %add3A_454 masked %reduce_sum3A_455 : vector<16xf32>, vector<16xi1> -> vector<16xf32>
        %reduce_sum3A_457 = vector.extract %reduce_sum3A_456[15] : f32 from vector<16xf32>
        %eq3A = vector.broadcast %scan3A_305 : i32 to vector<16xi32>
        %eq3A_458 = arith.cmpi eq, %iota3A, %eq3A : vector<16xi32>
        %broadcast_in_dim3A_459 = vector.broadcast %reduce_sum3A_457 : f32 to vector<16xf32>
        %select_n3A = arith.select %eq3A_458, %broadcast_in_dim3A_459, %scan3A_306 : vector<16xi1>, vector<16xf32>
        scf.yield %select_n3A : vector<16xf32>
      }
      %scan3A_152 = arith.constant 16 : i32
      %sub3A_153 = arith.constant 1.000000e+00 : f32
      %sub3A_154 = vector.broadcast %sub3A_153 : f32 to vector<16xf32>
      %sub3A_155 = arith.subf %sub3A_154, %scan3A_97 : vector<16xf32>
      %add3A_156 = arith.addf %sub3A_155, %scan3A_151 : vector<16xf32>
      %max3A_157 = arith.constant 0.000000e+00 : f32
      %max3A_158 = vector.broadcast %max3A_157 : f32 to vector<16xf32>
      %max3A_159 = arith.maximumf %add3A_156, %max3A_158 : vector<16xf32>
      %add3A_160 = arith.addf %add3A_144, %max3A_159 : vector<16xf32>
      %broadcast_in_dim3A_161 = arith.constant 0.000000e+00 : f32
      %broadcast_in_dim3A_162 = vector.broadcast %broadcast_in_dim3A_161 : f32 to vector<16xf32>
      %scan3A_163 = arith.constant 0 : i32
      %scan3A_164 = arith.constant 16 : i32
      %scan3A_165 = arith.addi %scan3A_163, %scan3A_164 : i32
      %scan3A_166 = arith.constant 1 : i32
      %scan3A_167 = scf.for %scan3A_305 = %scan3A_163 to %scan3A_165 step %scan3A_166 iter_args(%scan3A_306 = %broadcast_in_dim3A_162) -> (vector<16xf32>)  : i32 {
        %mul3A_307 = arith.constant 5 : i32
        %mul3A_308 = arith.muli %scan3A_305, %mul3A_307 : i32
        %add3A_309 = arith.constant 16 : i32
        %add3A_310 = arith.addi %add3A_309, %mul3A_308 : i32
        %add3A_311 = arith.constant 4 : i32
        %add3A_312 = arith.addi %add3A_310, %add3A_311 : i32
        %get3A = arith.constant 0 : i32
        %get3A_313 = arith.index_cast %get3A : i32 to index
        %get3A_314 = arith.index_cast %add3A_312 : i32 to index
        %get3A_315 = arith.constant 0 : index
        %get3A_316 = tpu.vector_load %arg12[%get3A_313, %get3A_314, %get3A_315] {strides = array<i32>} : memref<2x96x128xf32, #tpu.memory_space<vmem>>, vector<16xf32>,
        %get3A_317 = arith.constant 0 : i32
        %get3A_318 = arith.index_cast %get3A_317 : i32 to index
        %get3A_319 = arith.index_cast %add3A_312 : i32 to index
        %get3A_320 = arith.constant 0 : index
        %get3A_321 = tpu.vector_load %arg13[%get3A_318, %get3A_319, %get3A_320] {strides = array<i32>} : memref<2x96x128xf32, #tpu.memory_space<vmem>>, vector<16xf32>,
        %mul3A_322 = arith.mulf %get3A_316, %get3A_321 : vector<16xf32>
        %get3A_323 = arith.constant 0 : i32
        %get3A_324 = arith.index_cast %get3A_323 : i32 to index
        %get3A_325 = arith.index_cast %add3A_312 : i32 to index
        %get3A_326 = arith.constant 0 : index
        %get3A_327 = tpu.vector_load %arg14[%get3A_324, %get3A_325, %get3A_326] {strides = array<i32>} : memref<2x96x128xf32, #tpu.memory_space<vmem>>, vector<16xf32>,
        %mul3A_328 = arith.mulf %mul3A_322, %get3A_327 : vector<16xf32>
        %get3A_329 = arith.constant 0 : i32
        %get3A_330 = arith.index_cast %get3A_329 : i32 to index
        %get3A_331 = arith.index_cast %add3A_312 : i32 to index
        %get3A_332 = arith.constant 16 : index
        %get3A_333 = tpu.vector_load %arg12[%get3A_330, %get3A_331, %get3A_332] {strides = array<i32>} : memref<2x96x128xf32, #tpu.memory_space<vmem>>, vector<16xf32>,
        %get3A_334 = arith.constant 0 : i32
        %get3A_335 = arith.index_cast %get3A_334 : i32 to index
        %get3A_336 = arith.index_cast %add3A_312 : i32 to index
        %get3A_337 = arith.constant 16 : index
        %get3A_338 = tpu.vector_load %arg13[%get3A_335, %get3A_336, %get3A_337] {strides = array<i32>} : memref<2x96x128xf32, #tpu.memory_space<vmem>>, vector<16xf32>,
        %mul3A_339 = arith.mulf %get3A_333, %get3A_338 : vector<16xf32>
        %get3A_340 = arith.constant 0 : i32
        %get3A_341 = arith.index_cast %get3A_340 : i32 to index
        %get3A_342 = arith.index_cast %add3A_312 : i32 to index
        %get3A_343 = arith.constant 16 : index
        %get3A_344 = tpu.vector_load %arg14[%get3A_341, %get3A_342, %get3A_343] {strides = array<i32>} : memref<2x96x128xf32, #tpu.memory_space<vmem>>, vector<16xf32>,
        %mul3A_345 = arith.mulf %mul3A_339, %get3A_344 : vector<16xf32>
        %add3A_346 = arith.addf %mul3A_328, %mul3A_345 : vector<16xf32>
        %get3A_347 = arith.constant 0 : i32
        %get3A_348 = arith.index_cast %get3A_347 : i32 to index
        %get3A_349 = arith.index_cast %add3A_312 : i32 to index
        %get3A_350 = arith.constant 32 : index
        %get3A_351 = tpu.vector_load %arg12[%get3A_348, %get3A_349, %get3A_350] {strides = array<i32>} : memref<2x96x128xf32, #tpu.memory_space<vmem>>, vector<16xf32>,
        %get3A_352 = arith.constant 0 : i32
        %get3A_353 = arith.index_cast %get3A_352 : i32 to index
        %get3A_354 = arith.index_cast %add3A_312 : i32 to index
        %get3A_355 = arith.constant 32 : index
        %get3A_356 = tpu.vector_load %arg13[%get3A_353, %get3A_354, %get3A_355] {strides = array<i32>} : memref<2x96x128xf32, #tpu.memory_space<vmem>>, vector<16xf32>,
        %mul3A_357 = arith.mulf %get3A_351, %get3A_356 : vector<16xf32>
        %get3A_358 = arith.constant 0 : i32
        %get3A_359 = arith.index_cast %get3A_358 : i32 to index
        %get3A_360 = arith.index_cast %add3A_312 : i32 to index
        %get3A_361 = arith.constant 32 : index
        %get3A_362 = tpu.vector_load %arg14[%get3A_359, %get3A_360, %get3A_361] {strides = array<i32>} : memref<2x96x128xf32, #tpu.memory_space<vmem>>, vector<16xf32>,
        %mul3A_363 = arith.mulf %mul3A_357, %get3A_362 : vector<16xf32>
        %add3A_364 = arith.addf %add3A_346, %mul3A_363 : vector<16xf32>
        %get3A_365 = arith.constant 0 : i32
        %get3A_366 = arith.index_cast %get3A_365 : i32 to index
        %get3A_367 = arith.index_cast %add3A_312 : i32 to index
        %get3A_368 = arith.constant 48 : index
        %get3A_369 = tpu.vector_load %arg12[%get3A_366, %get3A_367, %get3A_368] {strides = array<i32>} : memref<2x96x128xf32, #tpu.memory_space<vmem>>, vector<16xf32>,
        %get3A_370 = arith.constant 0 : i32
        %get3A_371 = arith.index_cast %get3A_370 : i32 to index
        %get3A_372 = arith.index_cast %add3A_312 : i32 to index
        %get3A_373 = arith.constant 48 : index
        %get3A_374 = tpu.vector_load %arg13[%get3A_371, %get3A_372, %get3A_373] {strides = array<i32>} : memref<2x96x128xf32, #tpu.memory_space<vmem>>, vector<16xf32>,
        %mul3A_375 = arith.mulf %get3A_369, %get3A_374 : vector<16xf32>
        %get3A_376 = arith.constant 0 : i32
        %get3A_377 = arith.index_cast %get3A_376 : i32 to index
        %get3A_378 = arith.index_cast %add3A_312 : i32 to index
        %get3A_379 = arith.constant 48 : index
        %get3A_380 = tpu.vector_load %arg14[%get3A_377, %get3A_378, %get3A_379] {strides = array<i32>} : memref<2x96x128xf32, #tpu.memory_space<vmem>>, vector<16xf32>,
        %mul3A_381 = arith.mulf %mul3A_375, %get3A_380 : vector<16xf32>
        %add3A_382 = arith.addf %add3A_364, %mul3A_381 : vector<16xf32>
        %get3A_383 = arith.constant 0 : i32
        %get3A_384 = arith.index_cast %get3A_383 : i32 to index
        %get3A_385 = arith.index_cast %add3A_312 : i32 to index
        %get3A_386 = arith.constant 64 : index
        %get3A_387 = tpu.vector_load %arg12[%get3A_384, %get3A_385, %get3A_386] {strides = array<i32>} : memref<2x96x128xf32, #tpu.memory_space<vmem>>, vector<16xf32>,
        %get3A_388 = arith.constant 0 : i32
        %get3A_389 = arith.index_cast %get3A_388 : i32 to index
        %get3A_390 = arith.index_cast %add3A_312 : i32 to index
        %get3A_391 = arith.constant 64 : index
        %get3A_392 = tpu.vector_load %arg13[%get3A_389, %get3A_390, %get3A_391] {strides = array<i32>} : memref<2x96x128xf32, #tpu.memory_space<vmem>>, vector<16xf32>,
        %mul3A_393 = arith.mulf %get3A_387, %get3A_392 : vector<16xf32>
        %get3A_394 = arith.constant 0 : i32
        %get3A_395 = arith.index_cast %get3A_394 : i32 to index
        %get3A_396 = arith.index_cast %add3A_312 : i32 to index
        %get3A_397 = arith.constant 64 : index
        %get3A_398 = tpu.vector_load %arg14[%get3A_395, %get3A_396, %get3A_397] {strides = array<i32>} : memref<2x96x128xf32, #tpu.memory_space<vmem>>, vector<16xf32>,
        %mul3A_399 = arith.mulf %mul3A_393, %get3A_398 : vector<16xf32>
        %add3A_400 = arith.addf %add3A_382, %mul3A_399 : vector<16xf32>
        %get3A_401 = arith.constant 0 : i32
        %get3A_402 = arith.index_cast %get3A_401 : i32 to index
        %get3A_403 = arith.index_cast %add3A_312 : i32 to index
        %get3A_404 = arith.constant 80 : index
        %get3A_405 = tpu.vector_load %arg12[%get3A_402, %get3A_403, %get3A_404] {strides = array<i32>} : memref<2x96x128xf32, #tpu.memory_space<vmem>>, vector<16xf32>,
        %get3A_406 = arith.constant 0 : i32
        %get3A_407 = arith.index_cast %get3A_406 : i32 to index
        %get3A_408 = arith.index_cast %add3A_312 : i32 to index
        %get3A_409 = arith.constant 80 : index
        %get3A_410 = tpu.vector_load %arg13[%get3A_407, %get3A_408, %get3A_409] {strides = array<i32>} : memref<2x96x128xf32, #tpu.memory_space<vmem>>, vector<16xf32>,
        %mul3A_411 = arith.mulf %get3A_405, %get3A_410 : vector<16xf32>
        %get3A_412 = arith.constant 0 : i32
        %get3A_413 = arith.index_cast %get3A_412 : i32 to index
        %get3A_414 = arith.index_cast %add3A_312 : i32 to index
        %get3A_415 = arith.constant 80 : index
        %get3A_416 = tpu.vector_load %arg14[%get3A_413, %get3A_414, %get3A_415] {strides = array<i32>} : memref<2x96x128xf32, #tpu.memory_space<vmem>>, vector<16xf32>,
        %mul3A_417 = arith.mulf %mul3A_411, %get3A_416 : vector<16xf32>
        %add3A_418 = arith.addf %add3A_400, %mul3A_417 : vector<16xf32>
        %get3A_419 = arith.constant 0 : i32
        %get3A_420 = arith.index_cast %get3A_419 : i32 to index
        %get3A_421 = arith.index_cast %add3A_312 : i32 to index
        %get3A_422 = arith.constant 96 : index
        %get3A_423 = tpu.vector_load %arg12[%get3A_420, %get3A_421, %get3A_422] {strides = array<i32>} : memref<2x96x128xf32, #tpu.memory_space<vmem>>, vector<16xf32>,
        %get3A_424 = arith.constant 0 : i32
        %get3A_425 = arith.index_cast %get3A_424 : i32 to index
        %get3A_426 = arith.index_cast %add3A_312 : i32 to index
        %get3A_427 = arith.constant 96 : index
        %get3A_428 = tpu.vector_load %arg13[%get3A_425, %get3A_426, %get3A_427] {strides = array<i32>} : memref<2x96x128xf32, #tpu.memory_space<vmem>>, vector<16xf32>,
        %mul3A_429 = arith.mulf %get3A_423, %get3A_428 : vector<16xf32>
        %get3A_430 = arith.constant 0 : i32
        %get3A_431 = arith.index_cast %get3A_430 : i32 to index
        %get3A_432 = arith.index_cast %add3A_312 : i32 to index
        %get3A_433 = arith.constant 96 : index
        %get3A_434 = tpu.vector_load %arg14[%get3A_431, %get3A_432, %get3A_433] {strides = array<i32>} : memref<2x96x128xf32, #tpu.memory_space<vmem>>, vector<16xf32>,
        %mul3A_435 = arith.mulf %mul3A_429, %get3A_434 : vector<16xf32>
        %add3A_436 = arith.addf %add3A_418, %mul3A_435 : vector<16xf32>
        %get3A_437 = arith.constant 0 : i32
        %get3A_438 = arith.index_cast %get3A_437 : i32 to index
        %get3A_439 = arith.index_cast %add3A_312 : i32 to index
        %get3A_440 = arith.constant 112 : index
        %get3A_441 = tpu.vector_load %arg12[%get3A_438, %get3A_439, %get3A_440] {strides = array<i32>} : memref<2x96x128xf32, #tpu.memory_space<vmem>>, vector<16xf32>,
        %get3A_442 = arith.constant 0 : i32
        %get3A_443 = arith.index_cast %get3A_442 : i32 to index
        %get3A_444 = arith.index_cast %add3A_312 : i32 to index
        %get3A_445 = arith.constant 112 : index
        %get3A_446 = tpu.vector_load %arg13[%get3A_443, %get3A_444, %get3A_445] {strides = array<i32>} : memref<2x96x128xf32, #tpu.memory_space<vmem>>, vector<16xf32>,
        %mul3A_447 = arith.mulf %get3A_441, %get3A_446 : vector<16xf32>
        %get3A_448 = arith.constant 0 : i32
        %get3A_449 = arith.index_cast %get3A_448 : i32 to index
        %get3A_450 = arith.index_cast %add3A_312 : i32 to index
        %get3A_451 = arith.constant 112 : index
        %get3A_452 = tpu.vector_load %arg14[%get3A_449, %get3A_450, %get3A_451] {strides = array<i32>} : memref<2x96x128xf32, #tpu.memory_space<vmem>>, vector<16xf32>,
        %mul3A_453 = arith.mulf %mul3A_447, %get3A_452 : vector<16xf32>
        %add3A_454 = arith.addf %add3A_436, %mul3A_453 : vector<16xf32>
        %reduce_sum3A = arith.constant true
        %reduce_sum3A_455 = vector.broadcast %reduce_sum3A : i1 to vector<16xi1>
        %reduce_sum3A_456 = tpu.scan <sum>, %add3A_454 masked %reduce_sum3A_455 : vector<16xf32>, vector<16xi1> -> vector<16xf32>
        %reduce_sum3A_457 = vector.extract %reduce_sum3A_456[15] : f32 from vector<16xf32>
        %eq3A = vector.broadcast %scan3A_305 : i32 to vector<16xi32>
        %eq3A_458 = arith.cmpi eq, %iota3A, %eq3A : vector<16xi32>
        %broadcast_in_dim3A_459 = vector.broadcast %reduce_sum3A_457 : f32 to vector<16xf32>
        %select_n3A = arith.select %eq3A_458, %broadcast_in_dim3A_459, %scan3A_306 : vector<16xi1>, vector<16xf32>
        scf.yield %select_n3A : vector<16xf32>
      }
      %scan3A_168 = arith.constant 16 : i32
      %sub3A_169 = arith.constant 1.000000e+00 : f32
      %sub3A_170 = vector.broadcast %sub3A_169 : f32 to vector<16xf32>
      %sub3A_171 = arith.subf %sub3A_170, %scan3A_97 : vector<16xf32>
      %add3A_172 = arith.addf %sub3A_171, %scan3A_167 : vector<16xf32>
      %max3A_173 = arith.constant 0.000000e+00 : f32
      %max3A_174 = vector.broadcast %max3A_173 : f32 to vector<16xf32>
      %max3A_175 = arith.maximumf %add3A_172, %max3A_174 : vector<16xf32>
      %add3A_176 = arith.addf %add3A_160, %max3A_175 : vector<16xf32>
      %mul3A_177 = arith.constant 2 : i32
      %mul3A_178 = arith.muli %scan3A_52, %mul3A_177 : i32
      %add3A_179 = arith.constant 1 : i32
      %add3A_180 = arith.addi %mul3A_178, %add3A_179 : i32
      %add3A_181 = arith.constant 1 : i32
      %add3A_182 = arith.addi %add3A_180, %add3A_181 : i32
      %lt3A_183 = arith.constant 32 : i32
      %lt3A_184 = arith.cmpi slt, %add3A_182, %lt3A_183 : i32
      %convert_element_type3A_185 = arith.extui %lt3A_184 : i1 to i32
      %cond3A_186 = arith.constant 0 : i32
      %cond3A_187 = arith.cmpi ne, %convert_element_type3A_185, %cond3A_186 : i32
      scf.if %cond3A_187 {
        %add3A_305 = arith.constant 1 : i32
        %add3A_306 = arith.addi %add3A_180, %add3A_305 : i32
        %mul3A_307 = arith.constant 96 : i32
        %mul3A_308 = arith.muli %add3A_306, %mul3A_307 : i32
        %dma_start3A_309 = arith.constant 0 : i32
        %dma_start3A_310 = arith.constant 0 : i32
        %dma_start3A_311 = arith.constant 0 : i32
        %dma_start3A_312 = tpu.memref_slice %arg12[%dma_start3A_309, %dma_start3A_310, %dma_start3A_311] : memref<2x96x128xf32, #tpu.memory_space<vmem>> -> memref<1x96x128xf32, #tpu.memory_space<vmem>>
        %dma_start3A_313 = tpu.memref_squeeze %dma_start3A_312 : memref<1x96x128xf32, #tpu.memory_space<vmem>> -> memref<96x128xf32, #tpu.memory_space<vmem>>
        %dma_start3A_314 = tpu.memref_slice %arg9[%mul3A_308] : memref<3072xi32, #tpu.memory_space<vmem>> -> memref<96xi32, #tpu.memory_space<vmem>>
        %dma_start3A_315 = arith.constant 0 : i32
        %dma_start3A_316 = arith.constant 0 : i32
        %dma_start3A_317 = tpu.memref_slice %arg2[%dma_start3A_315, %dma_start3A_316] : memref<100000x128xf32, #tpu.memory_space<hbm>> -> memref<100000x128xf32, #tpu.memory_space<hbm>>
        tpu.enqueue_indirect_dma source(%dma_start3A_317 : memref<100000x128xf32, #tpu.memory_space<hbm>>) target(%dma_start3A_313 : memref<96x128xf32, #tpu.memory_space<vmem>>) offsets(%dma_start3A_314 : memref<96xi32, #tpu.memory_space<vmem>>) semaphore(%arg16 : memref<!tpu.dma_semaphore, #tpu.memory_space<semaphore_mem>>)
        %dma_start3A_318 = arith.constant 0 : i32
        %dma_start3A_319 = arith.constant 0 : i32
        %dma_start3A_320 = arith.constant 0 : i32
        %dma_start3A_321 = tpu.memref_slice %arg13[%dma_start3A_318, %dma_start3A_319, %dma_start3A_320] : memref<2x96x128xf32, #tpu.memory_space<vmem>> -> memref<1x96x128xf32, #tpu.memory_space<vmem>>
        %dma_start3A_322 = tpu.memref_squeeze %dma_start3A_321 : memref<1x96x128xf32, #tpu.memory_space<vmem>> -> memref<96x128xf32, #tpu.memory_space<vmem>>
        %dma_start3A_323 = tpu.memref_slice %arg10[%mul3A_308] : memref<3072xi32, #tpu.memory_space<vmem>> -> memref<96xi32, #tpu.memory_space<vmem>>
        %dma_start3A_324 = arith.constant 0 : i32
        %dma_start3A_325 = arith.constant 0 : i32
        %dma_start3A_326 = tpu.memref_slice %arg4[%dma_start3A_324, %dma_start3A_325] : memref<100000x128xf32, #tpu.memory_space<hbm>> -> memref<100000x128xf32, #tpu.memory_space<hbm>>
        tpu.enqueue_indirect_dma source(%dma_start3A_326 : memref<100000x128xf32, #tpu.memory_space<hbm>>) target(%dma_start3A_322 : memref<96x128xf32, #tpu.memory_space<vmem>>) offsets(%dma_start3A_323 : memref<96xi32, #tpu.memory_space<vmem>>) semaphore(%arg16 : memref<!tpu.dma_semaphore, #tpu.memory_space<semaphore_mem>>)
        %dma_start3A_327 = arith.constant 0 : i32
        %dma_start3A_328 = arith.constant 0 : i32
        %dma_start3A_329 = arith.constant 0 : i32
        %dma_start3A_330 = tpu.memref_slice %arg14[%dma_start3A_327, %dma_start3A_328, %dma_start3A_329] : memref<2x96x128xf32, #tpu.memory_space<vmem>> -> memref<1x96x128xf32, #tpu.memory_space<vmem>>
        %dma_start3A_331 = tpu.memref_squeeze %dma_start3A_330 : memref<1x96x128xf32, #tpu.memory_space<vmem>> -> memref<96x128xf32, #tpu.memory_space<vmem>>
        %dma_start3A_332 = tpu.memref_slice %arg11[%mul3A_308] : memref<3072xi32, #tpu.memory_space<vmem>> -> memref<96xi32, #tpu.memory_space<vmem>>
        %dma_start3A_333 = arith.constant 0 : i32
        %dma_start3A_334 = arith.constant 0 : i32
        %dma_start3A_335 = tpu.memref_slice %arg3[%dma_start3A_333, %dma_start3A_334] : memref<100000x128xf32, #tpu.memory_space<hbm>> -> memref<100000x128xf32, #tpu.memory_space<hbm>>
        tpu.enqueue_indirect_dma source(%dma_start3A_335 : memref<100000x128xf32, #tpu.memory_space<hbm>>) target(%dma_start3A_331 : memref<96x128xf32, #tpu.memory_space<vmem>>) offsets(%dma_start3A_332 : memref<96xi32, #tpu.memory_space<vmem>>) semaphore(%arg16 : memref<!tpu.dma_semaphore, #tpu.memory_space<semaphore_mem>>)
      } else {
      }
      %mul3A_188 = arith.constant 96 : i32
      %mul3A_189 = arith.muli %add3A_180, %mul3A_188 : i32
      %dma_wait3A_190 = arith.constant 1 : i32
      %dma_wait3A_191 = arith.constant 0 : i32
      %dma_wait3A_192 = arith.constant 0 : i32
      %dma_wait3A_193 = tpu.memref_slice %arg12[%dma_wait3A_190, %dma_wait3A_191, %dma_wait3A_192] : memref<2x96x128xf32, #tpu.memory_space<vmem>> -> memref<1x96x128xf32, #tpu.memory_space<vmem>>
      %dma_wait3A_194 = tpu.memref_squeeze %dma_wait3A_193 : memref<1x96x128xf32, #tpu.memory_space<vmem>> -> memref<96x128xf32, #tpu.memory_space<vmem>>
      %dma_wait3A_195 = tpu.memref_slice %arg9[%mul3A_189] : memref<3072xi32, #tpu.memory_space<vmem>> -> memref<96xi32, #tpu.memory_space<vmem>>
      %dma_wait3A_196 = arith.constant 0 : i32
      %dma_wait3A_197 = arith.constant 0 : i32
      %dma_wait3A_198 = tpu.memref_slice %arg2[%dma_wait3A_196, %dma_wait3A_197] : memref<100000x128xf32, #tpu.memory_space<hbm>> -> memref<100000x128xf32, #tpu.memory_space<hbm>>
      tpu.wait_indirect_dma semaphore(%arg17 : memref<!tpu.dma_semaphore, #tpu.memory_space<semaphore_mem>>) src(%dma_wait3A_198 : memref<100000x128xf32, #tpu.memory_space<hbm>>) dst(%dma_wait3A_194 : memref<96x128xf32, #tpu.memory_space<vmem>>)
      %dma_wait3A_199 = arith.constant 1 : i32
      %dma_wait3A_200 = arith.constant 0 : i32
      %dma_wait3A_201 = arith.constant 0 : i32
      %dma_wait3A_202 = tpu.memref_slice %arg13[%dma_wait3A_199, %dma_wait3A_200, %dma_wait3A_201] : memref<2x96x128xf32, #tpu.memory_space<vmem>> -> memref<1x96x128xf32, #tpu.memory_space<vmem>>
      %dma_wait3A_203 = tpu.memref_squeeze %dma_wait3A_202 : memref<1x96x128xf32, #tpu.memory_space<vmem>> -> memref<96x128xf32, #tpu.memory_space<vmem>>
      %dma_wait3A_204 = tpu.memref_slice %arg10[%mul3A_189] : memref<3072xi32, #tpu.memory_space<vmem>> -> memref<96xi32, #tpu.memory_space<vmem>>
      %dma_wait3A_205 = arith.constant 0 : i32
      %dma_wait3A_206 = arith.constant 0 : i32
      %dma_wait3A_207 = tpu.memref_slice %arg4[%dma_wait3A_205, %dma_wait3A_206] : memref<100000x128xf32, #tpu.memory_space<hbm>> -> memref<100000x128xf32, #tpu.memory_space<hbm>>
      tpu.wait_indirect_dma semaphore(%arg17 : memref<!tpu.dma_semaphore, #tpu.memory_space<semaphore_mem>>) src(%dma_wait3A_207 : memref<100000x128xf32, #tpu.memory_space<hbm>>) dst(%dma_wait3A_203 : memref<96x128xf32, #tpu.memory_space<vmem>>)
      %dma_wait3A_208 = arith.constant 1 : i32
      %dma_wait3A_209 = arith.constant 0 : i32
      %dma_wait3A_210 = arith.constant 0 : i32
      %dma_wait3A_211 = tpu.memref_slice %arg14[%dma_wait3A_208, %dma_wait3A_209, %dma_wait3A_210] : memref<2x96x128xf32, #tpu.memory_space<vmem>> -> memref<1x96x128xf32, #tpu.memory_space<vmem>>
      %dma_wait3A_212 = tpu.memref_squeeze %dma_wait3A_211 : memref<1x96x128xf32, #tpu.memory_space<vmem>> -> memref<96x128xf32, #tpu.memory_space<vmem>>
      %dma_wait3A_213 = tpu.memref_slice %arg11[%mul3A_189] : memref<3072xi32, #tpu.memory_space<vmem>> -> memref<96xi32, #tpu.memory_space<vmem>>
      %dma_wait3A_214 = arith.constant 0 : i32
      %dma_wait3A_215 = arith.constant 0 : i32
      %dma_wait3A_216 = tpu.memref_slice %arg3[%dma_wait3A_214, %dma_wait3A_215] : memref<100000x128xf32, #tpu.memory_space<hbm>> -> memref<100000x128xf32, #tpu.memory_space<hbm>>
      tpu.wait_indirect_dma semaphore(%arg17 : memref<!tpu.dma_semaphore, #tpu.memory_space<semaphore_mem>>) src(%dma_wait3A_216 : memref<100000x128xf32, #tpu.memory_space<hbm>>) dst(%dma_wait3A_212 : memref<96x128xf32, #tpu.memory_space<vmem>>)
      %broadcast_in_dim3A_217 = arith.constant 0.000000e+00 : f32
      %broadcast_in_dim3A_218 = vector.broadcast %broadcast_in_dim3A_217 : f32 to vector<16xf32>
      %scan3A_219 = arith.constant 0 : i32
      %scan3A_220 = arith.constant 16 : i32
      %scan3A_221 = arith.addi %scan3A_219, %scan3A_220 : i32
      %scan3A_222 = arith.constant 1 : i32
      %scan3A_223 = scf.for %scan3A_305 = %scan3A_219 to %scan3A_221 step %scan3A_222 iter_args(%scan3A_306 = %broadcast_in_dim3A_218) -> (vector<16xf32>)  : i32 {
        %get3A = arith.constant 1 : i32
        %get3A_307 = arith.index_cast %get3A : i32 to index
        %get3A_308 = arith.index_cast %scan3A_305 : i32 to index
        %get3A_309 = arith.constant 0 : index
        %get3A_310 = tpu.vector_load %arg12[%get3A_307, %get3A_308, %get3A_309] {strides = array<i32>} : memref<2x96x128xf32, #tpu.memory_space<vmem>>, vector<16xf32>,
        %get3A_311 = arith.constant 1 : i32
        %get3A_312 = arith.index_cast %get3A_311 : i32 to index
        %get3A_313 = arith.index_cast %scan3A_305 : i32 to index
        %get3A_314 = arith.constant 0 : index
        %get3A_315 = tpu.vector_load %arg13[%get3A_312, %get3A_313, %get3A_314] {strides = array<i32>} : memref<2x96x128xf32, #tpu.memory_space<vmem>>, vector<16xf32>,
        %mul3A_316 = arith.mulf %get3A_310, %get3A_315 : vector<16xf32>
        %get3A_317 = arith.constant 1 : i32
        %get3A_318 = arith.index_cast %get3A_317 : i32 to index
        %get3A_319 = arith.index_cast %scan3A_305 : i32 to index
        %get3A_320 = arith.constant 0 : index
        %get3A_321 = tpu.vector_load %arg14[%get3A_318, %get3A_319, %get3A_320] {strides = array<i32>} : memref<2x96x128xf32, #tpu.memory_space<vmem>>, vector<16xf32>,
        %mul3A_322 = arith.mulf %mul3A_316, %get3A_321 : vector<16xf32>
        %get3A_323 = arith.constant 1 : i32
        %get3A_324 = arith.index_cast %get3A_323 : i32 to index
        %get3A_325 = arith.index_cast %scan3A_305 : i32 to index
        %get3A_326 = arith.constant 16 : index
        %get3A_327 = tpu.vector_load %arg12[%get3A_324, %get3A_325, %get3A_326] {strides = array<i32>} : memref<2x96x128xf32, #tpu.memory_space<vmem>>, vector<16xf32>,
        %get3A_328 = arith.constant 1 : i32
        %get3A_329 = arith.index_cast %get3A_328 : i32 to index
        %get3A_330 = arith.index_cast %scan3A_305 : i32 to index
        %get3A_331 = arith.constant 16 : index
        %get3A_332 = tpu.vector_load %arg13[%get3A_329, %get3A_330, %get3A_331] {strides = array<i32>} : memref<2x96x128xf32, #tpu.memory_space<vmem>>, vector<16xf32>,
        %mul3A_333 = arith.mulf %get3A_327, %get3A_332 : vector<16xf32>
        %get3A_334 = arith.constant 1 : i32
        %get3A_335 = arith.index_cast %get3A_334 : i32 to index
        %get3A_336 = arith.index_cast %scan3A_305 : i32 to index
        %get3A_337 = arith.constant 16 : index
        %get3A_338 = tpu.vector_load %arg14[%get3A_335, %get3A_336, %get3A_337] {strides = array<i32>} : memref<2x96x128xf32, #tpu.memory_space<vmem>>, vector<16xf32>,
        %mul3A_339 = arith.mulf %mul3A_333, %get3A_338 : vector<16xf32>
        %add3A_340 = arith.addf %mul3A_322, %mul3A_339 : vector<16xf32>
        %get3A_341 = arith.constant 1 : i32
        %get3A_342 = arith.index_cast %get3A_341 : i32 to index
        %get3A_343 = arith.index_cast %scan3A_305 : i32 to index
        %get3A_344 = arith.constant 32 : index
        %get3A_345 = tpu.vector_load %arg12[%get3A_342, %get3A_343, %get3A_344] {strides = array<i32>} : memref<2x96x128xf32, #tpu.memory_space<vmem>>, vector<16xf32>,
        %get3A_346 = arith.constant 1 : i32
        %get3A_347 = arith.index_cast %get3A_346 : i32 to index
        %get3A_348 = arith.index_cast %scan3A_305 : i32 to index
        %get3A_349 = arith.constant 32 : index
        %get3A_350 = tpu.vector_load %arg13[%get3A_347, %get3A_348, %get3A_349] {strides = array<i32>} : memref<2x96x128xf32, #tpu.memory_space<vmem>>, vector<16xf32>,
        %mul3A_351 = arith.mulf %get3A_345, %get3A_350 : vector<16xf32>
        %get3A_352 = arith.constant 1 : i32
        %get3A_353 = arith.index_cast %get3A_352 : i32 to index
        %get3A_354 = arith.index_cast %scan3A_305 : i32 to index
        %get3A_355 = arith.constant 32 : index
        %get3A_356 = tpu.vector_load %arg14[%get3A_353, %get3A_354, %get3A_355] {strides = array<i32>} : memref<2x96x128xf32, #tpu.memory_space<vmem>>, vector<16xf32>,
        %mul3A_357 = arith.mulf %mul3A_351, %get3A_356 : vector<16xf32>
        %add3A_358 = arith.addf %add3A_340, %mul3A_357 : vector<16xf32>
        %get3A_359 = arith.constant 1 : i32
        %get3A_360 = arith.index_cast %get3A_359 : i32 to index
        %get3A_361 = arith.index_cast %scan3A_305 : i32 to index
        %get3A_362 = arith.constant 48 : index
        %get3A_363 = tpu.vector_load %arg12[%get3A_360, %get3A_361, %get3A_362] {strides = array<i32>} : memref<2x96x128xf32, #tpu.memory_space<vmem>>, vector<16xf32>,
        %get3A_364 = arith.constant 1 : i32
        %get3A_365 = arith.index_cast %get3A_364 : i32 to index
        %get3A_366 = arith.index_cast %scan3A_305 : i32 to index
        %get3A_367 = arith.constant 48 : index
        %get3A_368 = tpu.vector_load %arg13[%get3A_365, %get3A_366, %get3A_367] {strides = array<i32>} : memref<2x96x128xf32, #tpu.memory_space<vmem>>, vector<16xf32>,
        %mul3A_369 = arith.mulf %get3A_363, %get3A_368 : vector<16xf32>
        %get3A_370 = arith.constant 1 : i32
        %get3A_371 = arith.index_cast %get3A_370 : i32 to index
        %get3A_372 = arith.index_cast %scan3A_305 : i32 to index
        %get3A_373 = arith.constant 48 : index
        %get3A_374 = tpu.vector_load %arg14[%get3A_371, %get3A_372, %get3A_373] {strides = array<i32>} : memref<2x96x128xf32, #tpu.memory_space<vmem>>, vector<16xf32>,
        %mul3A_375 = arith.mulf %mul3A_369, %get3A_374 : vector<16xf32>
        %add3A_376 = arith.addf %add3A_358, %mul3A_375 : vector<16xf32>
        %get3A_377 = arith.constant 1 : i32
        %get3A_378 = arith.index_cast %get3A_377 : i32 to index
        %get3A_379 = arith.index_cast %scan3A_305 : i32 to index
        %get3A_380 = arith.constant 64 : index
        %get3A_381 = tpu.vector_load %arg12[%get3A_378, %get3A_379, %get3A_380] {strides = array<i32>} : memref<2x96x128xf32, #tpu.memory_space<vmem>>, vector<16xf32>,
        %get3A_382 = arith.constant 1 : i32
        %get3A_383 = arith.index_cast %get3A_382 : i32 to index
        %get3A_384 = arith.index_cast %scan3A_305 : i32 to index
        %get3A_385 = arith.constant 64 : index
        %get3A_386 = tpu.vector_load %arg13[%get3A_383, %get3A_384, %get3A_385] {strides = array<i32>} : memref<2x96x128xf32, #tpu.memory_space<vmem>>, vector<16xf32>,
        %mul3A_387 = arith.mulf %get3A_381, %get3A_386 : vector<16xf32>
        %get3A_388 = arith.constant 1 : i32
        %get3A_389 = arith.index_cast %get3A_388 : i32 to index
        %get3A_390 = arith.index_cast %scan3A_305 : i32 to index
        %get3A_391 = arith.constant 64 : index
        %get3A_392 = tpu.vector_load %arg14[%get3A_389, %get3A_390, %get3A_391] {strides = array<i32>} : memref<2x96x128xf32, #tpu.memory_space<vmem>>, vector<16xf32>,
        %mul3A_393 = arith.mulf %mul3A_387, %get3A_392 : vector<16xf32>
        %add3A_394 = arith.addf %add3A_376, %mul3A_393 : vector<16xf32>
        %get3A_395 = arith.constant 1 : i32
        %get3A_396 = arith.index_cast %get3A_395 : i32 to index
        %get3A_397 = arith.index_cast %scan3A_305 : i32 to index
        %get3A_398 = arith.constant 80 : index
        %get3A_399 = tpu.vector_load %arg12[%get3A_396, %get3A_397, %get3A_398] {strides = array<i32>} : memref<2x96x128xf32, #tpu.memory_space<vmem>>, vector<16xf32>,
        %get3A_400 = arith.constant 1 : i32
        %get3A_401 = arith.index_cast %get3A_400 : i32 to index
        %get3A_402 = arith.index_cast %scan3A_305 : i32 to index
        %get3A_403 = arith.constant 80 : index
        %get3A_404 = tpu.vector_load %arg13[%get3A_401, %get3A_402, %get3A_403] {strides = array<i32>} : memref<2x96x128xf32, #tpu.memory_space<vmem>>, vector<16xf32>,
        %mul3A_405 = arith.mulf %get3A_399, %get3A_404 : vector<16xf32>
        %get3A_406 = arith.constant 1 : i32
        %get3A_407 = arith.index_cast %get3A_406 : i32 to index
        %get3A_408 = arith.index_cast %scan3A_305 : i32 to index
        %get3A_409 = arith.constant 80 : index
        %get3A_410 = tpu.vector_load %arg14[%get3A_407, %get3A_408, %get3A_409] {strides = array<i32>} : memref<2x96x128xf32, #tpu.memory_space<vmem>>, vector<16xf32>,
        %mul3A_411 = arith.mulf %mul3A_405, %get3A_410 : vector<16xf32>
        %add3A_412 = arith.addf %add3A_394, %mul3A_411 : vector<16xf32>
        %get3A_413 = arith.constant 1 : i32
        %get3A_414 = arith.index_cast %get3A_413 : i32 to index
        %get3A_415 = arith.index_cast %scan3A_305 : i32 to index
        %get3A_416 = arith.constant 96 : index
        %get3A_417 = tpu.vector_load %arg12[%get3A_414, %get3A_415, %get3A_416] {strides = array<i32>} : memref<2x96x128xf32, #tpu.memory_space<vmem>>, vector<16xf32>,
        %get3A_418 = arith.constant 1 : i32
        %get3A_419 = arith.index_cast %get3A_418 : i32 to index
        %get3A_420 = arith.index_cast %scan3A_305 : i32 to index
        %get3A_421 = arith.constant 96 : index
        %get3A_422 = tpu.vector_load %arg13[%get3A_419, %get3A_420, %get3A_421] {strides = array<i32>} : memref<2x96x128xf32, #tpu.memory_space<vmem>>, vector<16xf32>,
        %mul3A_423 = arith.mulf %get3A_417, %get3A_422 : vector<16xf32>
        %get3A_424 = arith.constant 1 : i32
        %get3A_425 = arith.index_cast %get3A_424 : i32 to index
        %get3A_426 = arith.index_cast %scan3A_305 : i32 to index
        %get3A_427 = arith.constant 96 : index
        %get3A_428 = tpu.vector_load %arg14[%get3A_425, %get3A_426, %get3A_427] {strides = array<i32>} : memref<2x96x128xf32, #tpu.memory_space<vmem>>, vector<16xf32>,
        %mul3A_429 = arith.mulf %mul3A_423, %get3A_428 : vector<16xf32>
        %add3A_430 = arith.addf %add3A_412, %mul3A_429 : vector<16xf32>
        %get3A_431 = arith.constant 1 : i32
        %get3A_432 = arith.index_cast %get3A_431 : i32 to index
        %get3A_433 = arith.index_cast %scan3A_305 : i32 to index
        %get3A_434 = arith.constant 112 : index
        %get3A_435 = tpu.vector_load %arg12[%get3A_432, %get3A_433, %get3A_434] {strides = array<i32>} : memref<2x96x128xf32, #tpu.memory_space<vmem>>, vector<16xf32>,
        %get3A_436 = arith.constant 1 : i32
        %get3A_437 = arith.index_cast %get3A_436 : i32 to index
        %get3A_438 = arith.index_cast %scan3A_305 : i32 to index
        %get3A_439 = arith.constant 112 : index
        %get3A_440 = tpu.vector_load %arg13[%get3A_437, %get3A_438, %get3A_439] {strides = array<i32>} : memref<2x96x128xf32, #tpu.memory_space<vmem>>, vector<16xf32>,
        %mul3A_441 = arith.mulf %get3A_435, %get3A_440 : vector<16xf32>
        %get3A_442 = arith.constant 1 : i32
        %get3A_443 = arith.index_cast %get3A_442 : i32 to index
        %get3A_444 = arith.index_cast %scan3A_305 : i32 to index
        %get3A_445 = arith.constant 112 : index
        %get3A_446 = tpu.vector_load %arg14[%get3A_443, %get3A_444, %get3A_445] {strides = array<i32>} : memref<2x96x128xf32, #tpu.memory_space<vmem>>, vector<16xf32>,
        %mul3A_447 = arith.mulf %mul3A_441, %get3A_446 : vector<16xf32>
        %add3A_448 = arith.addf %add3A_430, %mul3A_447 : vector<16xf32>
        %reduce_sum3A = arith.constant true
        %reduce_sum3A_449 = vector.broadcast %reduce_sum3A : i1 to vector<16xi1>
        %reduce_sum3A_450 = tpu.scan <sum>, %add3A_448 masked %reduce_sum3A_449 : vector<16xf32>, vector<16xi1> -> vector<16xf32>
        %reduce_sum3A_451 = vector.extract %reduce_sum3A_450[15] : f32 from vector<16xf32>
        %eq3A = vector.broadcast %scan3A_305 : i32 to vector<16xi32>
        %eq3A_452 = arith.cmpi eq, %iota3A, %eq3A : vector<16xi32>
        %broadcast_in_dim3A_453 = vector.broadcast %reduce_sum3A_451 : f32 to vector<16xf32>
        %select_n3A = arith.select %eq3A_452, %broadcast_in_dim3A_453, %scan3A_306 : vector<16xi1>, vector<16xf32>
        scf.yield %select_n3A : vector<16xf32>
      }
      %scan3A_224 = arith.constant 16 : i32
      %broadcast_in_dim3A_225 = arith.constant 0.000000e+00 : f32
      %broadcast_in_dim3A_226 = vector.broadcast %broadcast_in_dim3A_225 : f32 to vector<16xf32>
      %scan3A_227 = arith.constant 0 : i32
      %scan3A_228 = arith.constant 16 : i32
      %scan3A_229 = arith.addi %scan3A_227, %scan3A_228 : i32
      %scan3A_230 = arith.constant 1 : i32
      %scan3A_231 = scf.for %scan3A_305 = %scan3A_227 to %scan3A_229 step %scan3A_230 iter_args(%scan3A_306 = %broadcast_in_dim3A_226) -> (vector<16xf32>)  : i32 {
        %mul3A_307 = arith.constant 5 : i32
        %mul3A_308 = arith.muli %scan3A_305, %mul3A_307 : i32
        %add3A_309 = arith.constant 16 : i32
        %add3A_310 = arith.addi %add3A_309, %mul3A_308 : i32
        %add3A_311 = arith.constant 0 : i32
        %add3A_312 = arith.addi %add3A_310, %add3A_311 : i32
        %get3A = arith.constant 1 : i32
        %get3A_313 = arith.index_cast %get3A : i32 to index
        %get3A_314 = arith.index_cast %add3A_312 : i32 to index
        %get3A_315 = arith.constant 0 : index
        %get3A_316 = tpu.vector_load %arg12[%get3A_313, %get3A_314, %get3A_315] {strides = array<i32>} : memref<2x96x128xf32, #tpu.memory_space<vmem>>, vector<16xf32>,
        %get3A_317 = arith.constant 1 : i32
        %get3A_318 = arith.index_cast %get3A_317 : i32 to index
        %get3A_319 = arith.index_cast %add3A_312 : i32 to index
        %get3A_320 = arith.constant 0 : index
        %get3A_321 = tpu.vector_load %arg13[%get3A_318, %get3A_319, %get3A_320] {strides = array<i32>} : memref<2x96x128xf32, #tpu.memory_space<vmem>>, vector<16xf32>,
        %mul3A_322 = arith.mulf %get3A_316, %get3A_321 : vector<16xf32>
        %get3A_323 = arith.constant 1 : i32
        %get3A_324 = arith.index_cast %get3A_323 : i32 to index
        %get3A_325 = arith.index_cast %add3A_312 : i32 to index
        %get3A_326 = arith.constant 0 : index
        %get3A_327 = tpu.vector_load %arg14[%get3A_324, %get3A_325, %get3A_326] {strides = array<i32>} : memref<2x96x128xf32, #tpu.memory_space<vmem>>, vector<16xf32>,
        %mul3A_328 = arith.mulf %mul3A_322, %get3A_327 : vector<16xf32>
        %get3A_329 = arith.constant 1 : i32
        %get3A_330 = arith.index_cast %get3A_329 : i32 to index
        %get3A_331 = arith.index_cast %add3A_312 : i32 to index
        %get3A_332 = arith.constant 16 : index
        %get3A_333 = tpu.vector_load %arg12[%get3A_330, %get3A_331, %get3A_332] {strides = array<i32>} : memref<2x96x128xf32, #tpu.memory_space<vmem>>, vector<16xf32>,
        %get3A_334 = arith.constant 1 : i32
        %get3A_335 = arith.index_cast %get3A_334 : i32 to index
        %get3A_336 = arith.index_cast %add3A_312 : i32 to index
        %get3A_337 = arith.constant 16 : index
        %get3A_338 = tpu.vector_load %arg13[%get3A_335, %get3A_336, %get3A_337] {strides = array<i32>} : memref<2x96x128xf32, #tpu.memory_space<vmem>>, vector<16xf32>,
        %mul3A_339 = arith.mulf %get3A_333, %get3A_338 : vector<16xf32>
        %get3A_340 = arith.constant 1 : i32
        %get3A_341 = arith.index_cast %get3A_340 : i32 to index
        %get3A_342 = arith.index_cast %add3A_312 : i32 to index
        %get3A_343 = arith.constant 16 : index
        %get3A_344 = tpu.vector_load %arg14[%get3A_341, %get3A_342, %get3A_343] {strides = array<i32>} : memref<2x96x128xf32, #tpu.memory_space<vmem>>, vector<16xf32>,
        %mul3A_345 = arith.mulf %mul3A_339, %get3A_344 : vector<16xf32>
        %add3A_346 = arith.addf %mul3A_328, %mul3A_345 : vector<16xf32>
        %get3A_347 = arith.constant 1 : i32
        %get3A_348 = arith.index_cast %get3A_347 : i32 to index
        %get3A_349 = arith.index_cast %add3A_312 : i32 to index
        %get3A_350 = arith.constant 32 : index
        %get3A_351 = tpu.vector_load %arg12[%get3A_348, %get3A_349, %get3A_350] {strides = array<i32>} : memref<2x96x128xf32, #tpu.memory_space<vmem>>, vector<16xf32>,
        %get3A_352 = arith.constant 1 : i32
        %get3A_353 = arith.index_cast %get3A_352 : i32 to index
        %get3A_354 = arith.index_cast %add3A_312 : i32 to index
        %get3A_355 = arith.constant 32 : index
        %get3A_356 = tpu.vector_load %arg13[%get3A_353, %get3A_354, %get3A_355] {strides = array<i32>} : memref<2x96x128xf32, #tpu.memory_space<vmem>>, vector<16xf32>,
        %mul3A_357 = arith.mulf %get3A_351, %get3A_356 : vector<16xf32>
        %get3A_358 = arith.constant 1 : i32
        %get3A_359 = arith.index_cast %get3A_358 : i32 to index
        %get3A_360 = arith.index_cast %add3A_312 : i32 to index
        %get3A_361 = arith.constant 32 : index
        %get3A_362 = tpu.vector_load %arg14[%get3A_359, %get3A_360, %get3A_361] {strides = array<i32>} : memref<2x96x128xf32, #tpu.memory_space<vmem>>, vector<16xf32>,
        %mul3A_363 = arith.mulf %mul3A_357, %get3A_362 : vector<16xf32>
        %add3A_364 = arith.addf %add3A_346, %mul3A_363 : vector<16xf32>
        %get3A_365 = arith.constant 1 : i32
        %get3A_366 = arith.index_cast %get3A_365 : i32 to index
        %get3A_367 = arith.index_cast %add3A_312 : i32 to index
        %get3A_368 = arith.constant 48 : index
        %get3A_369 = tpu.vector_load %arg12[%get3A_366, %get3A_367, %get3A_368] {strides = array<i32>} : memref<2x96x128xf32, #tpu.memory_space<vmem>>, vector<16xf32>,
        %get3A_370 = arith.constant 1 : i32
        %get3A_371 = arith.index_cast %get3A_370 : i32 to index
        %get3A_372 = arith.index_cast %add3A_312 : i32 to index
        %get3A_373 = arith.constant 48 : index
        %get3A_374 = tpu.vector_load %arg13[%get3A_371, %get3A_372, %get3A_373] {strides = array<i32>} : memref<2x96x128xf32, #tpu.memory_space<vmem>>, vector<16xf32>,
        %mul3A_375 = arith.mulf %get3A_369, %get3A_374 : vector<16xf32>
        %get3A_376 = arith.constant 1 : i32
        %get3A_377 = arith.index_cast %get3A_376 : i32 to index
        %get3A_378 = arith.index_cast %add3A_312 : i32 to index
        %get3A_379 = arith.constant 48 : index
        %get3A_380 = tpu.vector_load %arg14[%get3A_377, %get3A_378, %get3A_379] {strides = array<i32>} : memref<2x96x128xf32, #tpu.memory_space<vmem>>, vector<16xf32>,
        %mul3A_381 = arith.mulf %mul3A_375, %get3A_380 : vector<16xf32>
        %add3A_382 = arith.addf %add3A_364, %mul3A_381 : vector<16xf32>
        %get3A_383 = arith.constant 1 : i32
        %get3A_384 = arith.index_cast %get3A_383 : i32 to index
        %get3A_385 = arith.index_cast %add3A_312 : i32 to index
        %get3A_386 = arith.constant 64 : index
        %get3A_387 = tpu.vector_load %arg12[%get3A_384, %get3A_385, %get3A_386] {strides = array<i32>} : memref<2x96x128xf32, #tpu.memory_space<vmem>>, vector<16xf32>,
        %get3A_388 = arith.constant 1 : i32
        %get3A_389 = arith.index_cast %get3A_388 : i32 to index
        %get3A_390 = arith.index_cast %add3A_312 : i32 to index
        %get3A_391 = arith.constant 64 : index
        %get3A_392 = tpu.vector_load %arg13[%get3A_389, %get3A_390, %get3A_391] {strides = array<i32>} : memref<2x96x128xf32, #tpu.memory_space<vmem>>, vector<16xf32>,
        %mul3A_393 = arith.mulf %get3A_387, %get3A_392 : vector<16xf32>
        %get3A_394 = arith.constant 1 : i32
        %get3A_395 = arith.index_cast %get3A_394 : i32 to index
        %get3A_396 = arith.index_cast %add3A_312 : i32 to index
        %get3A_397 = arith.constant 64 : index
        %get3A_398 = tpu.vector_load %arg14[%get3A_395, %get3A_396, %get3A_397] {strides = array<i32>} : memref<2x96x128xf32, #tpu.memory_space<vmem>>, vector<16xf32>,
        %mul3A_399 = arith.mulf %mul3A_393, %get3A_398 : vector<16xf32>
        %add3A_400 = arith.addf %add3A_382, %mul3A_399 : vector<16xf32>
        %get3A_401 = arith.constant 1 : i32
        %get3A_402 = arith.index_cast %get3A_401 : i32 to index
        %get3A_403 = arith.index_cast %add3A_312 : i32 to index
        %get3A_404 = arith.constant 80 : index
        %get3A_405 = tpu.vector_load %arg12[%get3A_402, %get3A_403, %get3A_404] {strides = array<i32>} : memref<2x96x128xf32, #tpu.memory_space<vmem>>, vector<16xf32>,
        %get3A_406 = arith.constant 1 : i32
        %get3A_407 = arith.index_cast %get3A_406 : i32 to index
        %get3A_408 = arith.index_cast %add3A_312 : i32 to index
        %get3A_409 = arith.constant 80 : index
        %get3A_410 = tpu.vector_load %arg13[%get3A_407, %get3A_408, %get3A_409] {strides = array<i32>} : memref<2x96x128xf32, #tpu.memory_space<vmem>>, vector<16xf32>,
        %mul3A_411 = arith.mulf %get3A_405, %get3A_410 : vector<16xf32>
        %get3A_412 = arith.constant 1 : i32
        %get3A_413 = arith.index_cast %get3A_412 : i32 to index
        %get3A_414 = arith.index_cast %add3A_312 : i32 to index
        %get3A_415 = arith.constant 80 : index
        %get3A_416 = tpu.vector_load %arg14[%get3A_413, %get3A_414, %get3A_415] {strides = array<i32>} : memref<2x96x128xf32, #tpu.memory_space<vmem>>, vector<16xf32>,
        %mul3A_417 = arith.mulf %mul3A_411, %get3A_416 : vector<16xf32>
        %add3A_418 = arith.addf %add3A_400, %mul3A_417 : vector<16xf32>
        %get3A_419 = arith.constant 1 : i32
        %get3A_420 = arith.index_cast %get3A_419 : i32 to index
        %get3A_421 = arith.index_cast %add3A_312 : i32 to index
        %get3A_422 = arith.constant 96 : index
        %get3A_423 = tpu.vector_load %arg12[%get3A_420, %get3A_421, %get3A_422] {strides = array<i32>} : memref<2x96x128xf32, #tpu.memory_space<vmem>>, vector<16xf32>,
        %get3A_424 = arith.constant 1 : i32
        %get3A_425 = arith.index_cast %get3A_424 : i32 to index
        %get3A_426 = arith.index_cast %add3A_312 : i32 to index
        %get3A_427 = arith.constant 96 : index
        %get3A_428 = tpu.vector_load %arg13[%get3A_425, %get3A_426, %get3A_427] {strides = array<i32>} : memref<2x96x128xf32, #tpu.memory_space<vmem>>, vector<16xf32>,
        %mul3A_429 = arith.mulf %get3A_423, %get3A_428 : vector<16xf32>
        %get3A_430 = arith.constant 1 : i32
        %get3A_431 = arith.index_cast %get3A_430 : i32 to index
        %get3A_432 = arith.index_cast %add3A_312 : i32 to index
        %get3A_433 = arith.constant 96 : index
        %get3A_434 = tpu.vector_load %arg14[%get3A_431, %get3A_432, %get3A_433] {strides = array<i32>} : memref<2x96x128xf32, #tpu.memory_space<vmem>>, vector<16xf32>,
        %mul3A_435 = arith.mulf %mul3A_429, %get3A_434 : vector<16xf32>
        %add3A_436 = arith.addf %add3A_418, %mul3A_435 : vector<16xf32>
        %get3A_437 = arith.constant 1 : i32
        %get3A_438 = arith.index_cast %get3A_437 : i32 to index
        %get3A_439 = arith.index_cast %add3A_312 : i32 to index
        %get3A_440 = arith.constant 112 : index
        %get3A_441 = tpu.vector_load %arg12[%get3A_438, %get3A_439, %get3A_440] {strides = array<i32>} : memref<2x96x128xf32, #tpu.memory_space<vmem>>, vector<16xf32>,
        %get3A_442 = arith.constant 1 : i32
        %get3A_443 = arith.index_cast %get3A_442 : i32 to index
        %get3A_444 = arith.index_cast %add3A_312 : i32 to index
        %get3A_445 = arith.constant 112 : index
        %get3A_446 = tpu.vector_load %arg13[%get3A_443, %get3A_444, %get3A_445] {strides = array<i32>} : memref<2x96x128xf32, #tpu.memory_space<vmem>>, vector<16xf32>,
        %mul3A_447 = arith.mulf %get3A_441, %get3A_446 : vector<16xf32>
        %get3A_448 = arith.constant 1 : i32
        %get3A_449 = arith.index_cast %get3A_448 : i32 to index
        %get3A_450 = arith.index_cast %add3A_312 : i32 to index
        %get3A_451 = arith.constant 112 : index
        %get3A_452 = tpu.vector_load %arg14[%get3A_449, %get3A_450, %get3A_451] {strides = array<i32>} : memref<2x96x128xf32, #tpu.memory_space<vmem>>, vector<16xf32>,
        %mul3A_453 = arith.mulf %mul3A_447, %get3A_452 : vector<16xf32>
        %add3A_454 = arith.addf %add3A_436, %mul3A_453 : vector<16xf32>
        %reduce_sum3A = arith.constant true
        %reduce_sum3A_455 = vector.broadcast %reduce_sum3A : i1 to vector<16xi1>
        %reduce_sum3A_456 = tpu.scan <sum>, %add3A_454 masked %reduce_sum3A_455 : vector<16xf32>, vector<16xi1> -> vector<16xf32>
        %reduce_sum3A_457 = vector.extract %reduce_sum3A_456[15] : f32 from vector<16xf32>
        %eq3A = vector.broadcast %scan3A_305 : i32 to vector<16xi32>
        %eq3A_458 = arith.cmpi eq, %iota3A, %eq3A : vector<16xi32>
        %broadcast_in_dim3A_459 = vector.broadcast %reduce_sum3A_457 : f32 to vector<16xf32>
        %select_n3A = arith.select %eq3A_458, %broadcast_in_dim3A_459, %scan3A_306 : vector<16xi1>, vector<16xf32>
        scf.yield %select_n3A : vector<16xf32>
      }
      %scan3A_232 = arith.constant 16 : i32
      %sub3A_233 = arith.constant 1.000000e+00 : f32
      %sub3A_234 = vector.broadcast %sub3A_233 : f32 to vector<16xf32>
      %sub3A_235 = arith.subf %sub3A_234, %scan3A_223 : vector<16xf32>
      %add3A_236 = arith.addf %sub3A_235, %scan3A_231 : vector<16xf32>
      %max3A_237 = arith.constant 0.000000e+00 : f32
      %max3A_238 = vector.broadcast %max3A_237 : f32 to vector<16xf32>
      %max3A_239 = arith.maximumf %add3A_236, %max3A_238 : vector<16xf32>
      %add3A_240 = arith.addf %add3A_176, %max3A_239 : vector<16xf32>
      %broadcast_in_dim3A_241 = arith.constant 0.000000e+00 : f32
      %broadcast_in_dim3A_242 = vector.broadcast %broadcast_in_dim3A_241 : f32 to vector<16xf32>
      %scan3A_243 = arith.constant 0 : i32
      %scan3A_244 = arith.constant 16 : i32
      %scan3A_245 = arith.addi %scan3A_243, %scan3A_244 : i32
      %scan3A_246 = arith.constant 1 : i32
      %scan3A_247 = scf.for %scan3A_305 = %scan3A_243 to %scan3A_245 step %scan3A_246 iter_args(%scan3A_306 = %broadcast_in_dim3A_242) -> (vector<16xf32>)  : i32 {
        %mul3A_307 = arith.constant 5 : i32
        %mul3A_308 = arith.muli %scan3A_305, %mul3A_307 : i32
        %add3A_309 = arith.constant 16 : i32
        %add3A_310 = arith.addi %add3A_309, %mul3A_308 : i32
        %add3A_311 = arith.constant 1 : i32
        %add3A_312 = arith.addi %add3A_310, %add3A_311 : i32
        %get3A = arith.constant 1 : i32
        %get3A_313 = arith.index_cast %get3A : i32 to index
        %get3A_314 = arith.index_cast %add3A_312 : i32 to index
        %get3A_315 = arith.constant 0 : index
        %get3A_316 = tpu.vector_load %arg12[%get3A_313, %get3A_314, %get3A_315] {strides = array<i32>} : memref<2x96x128xf32, #tpu.memory_space<vmem>>, vector<16xf32>,
        %get3A_317 = arith.constant 1 : i32
        %get3A_318 = arith.index_cast %get3A_317 : i32 to index
        %get3A_319 = arith.index_cast %add3A_312 : i32 to index
        %get3A_320 = arith.constant 0 : index
        %get3A_321 = tpu.vector_load %arg13[%get3A_318, %get3A_319, %get3A_320] {strides = array<i32>} : memref<2x96x128xf32, #tpu.memory_space<vmem>>, vector<16xf32>,
        %mul3A_322 = arith.mulf %get3A_316, %get3A_321 : vector<16xf32>
        %get3A_323 = arith.constant 1 : i32
        %get3A_324 = arith.index_cast %get3A_323 : i32 to index
        %get3A_325 = arith.index_cast %add3A_312 : i32 to index
        %get3A_326 = arith.constant 0 : index
        %get3A_327 = tpu.vector_load %arg14[%get3A_324, %get3A_325, %get3A_326] {strides = array<i32>} : memref<2x96x128xf32, #tpu.memory_space<vmem>>, vector<16xf32>,
        %mul3A_328 = arith.mulf %mul3A_322, %get3A_327 : vector<16xf32>
        %get3A_329 = arith.constant 1 : i32
        %get3A_330 = arith.index_cast %get3A_329 : i32 to index
        %get3A_331 = arith.index_cast %add3A_312 : i32 to index
        %get3A_332 = arith.constant 16 : index
        %get3A_333 = tpu.vector_load %arg12[%get3A_330, %get3A_331, %get3A_332] {strides = array<i32>} : memref<2x96x128xf32, #tpu.memory_space<vmem>>, vector<16xf32>,
        %get3A_334 = arith.constant 1 : i32
        %get3A_335 = arith.index_cast %get3A_334 : i32 to index
        %get3A_336 = arith.index_cast %add3A_312 : i32 to index
        %get3A_337 = arith.constant 16 : index
        %get3A_338 = tpu.vector_load %arg13[%get3A_335, %get3A_336, %get3A_337] {strides = array<i32>} : memref<2x96x128xf32, #tpu.memory_space<vmem>>, vector<16xf32>,
        %mul3A_339 = arith.mulf %get3A_333, %get3A_338 : vector<16xf32>
        %get3A_340 = arith.constant 1 : i32
        %get3A_341 = arith.index_cast %get3A_340 : i32 to index
        %get3A_342 = arith.index_cast %add3A_312 : i32 to index
        %get3A_343 = arith.constant 16 : index
        %get3A_344 = tpu.vector_load %arg14[%get3A_341, %get3A_342, %get3A_343] {strides = array<i32>} : memref<2x96x128xf32, #tpu.memory_space<vmem>>, vector<16xf32>,
        %mul3A_345 = arith.mulf %mul3A_339, %get3A_344 : vector<16xf32>
        %add3A_346 = arith.addf %mul3A_328, %mul3A_345 : vector<16xf32>
        %get3A_347 = arith.constant 1 : i32
        %get3A_348 = arith.index_cast %get3A_347 : i32 to index
        %get3A_349 = arith.index_cast %add3A_312 : i32 to index
        %get3A_350 = arith.constant 32 : index
        %get3A_351 = tpu.vector_load %arg12[%get3A_348, %get3A_349, %get3A_350] {strides = array<i32>} : memref<2x96x128xf32, #tpu.memory_space<vmem>>, vector<16xf32>,
        %get3A_352 = arith.constant 1 : i32
        %get3A_353 = arith.index_cast %get3A_352 : i32 to index
        %get3A_354 = arith.index_cast %add3A_312 : i32 to index
        %get3A_355 = arith.constant 32 : index
        %get3A_356 = tpu.vector_load %arg13[%get3A_353, %get3A_354, %get3A_355] {strides = array<i32>} : memref<2x96x128xf32, #tpu.memory_space<vmem>>, vector<16xf32>,
        %mul3A_357 = arith.mulf %get3A_351, %get3A_356 : vector<16xf32>
        %get3A_358 = arith.constant 1 : i32
        %get3A_359 = arith.index_cast %get3A_358 : i32 to index
        %get3A_360 = arith.index_cast %add3A_312 : i32 to index
        %get3A_361 = arith.constant 32 : index
        %get3A_362 = tpu.vector_load %arg14[%get3A_359, %get3A_360, %get3A_361] {strides = array<i32>} : memref<2x96x128xf32, #tpu.memory_space<vmem>>, vector<16xf32>,
        %mul3A_363 = arith.mulf %mul3A_357, %get3A_362 : vector<16xf32>
        %add3A_364 = arith.addf %add3A_346, %mul3A_363 : vector<16xf32>
        %get3A_365 = arith.constant 1 : i32
        %get3A_366 = arith.index_cast %get3A_365 : i32 to index
        %get3A_367 = arith.index_cast %add3A_312 : i32 to index
        %get3A_368 = arith.constant 48 : index
        %get3A_369 = tpu.vector_load %arg12[%get3A_366, %get3A_367, %get3A_368] {strides = array<i32>} : memref<2x96x128xf32, #tpu.memory_space<vmem>>, vector<16xf32>,
        %get3A_370 = arith.constant 1 : i32
        %get3A_371 = arith.index_cast %get3A_370 : i32 to index
        %get3A_372 = arith.index_cast %add3A_312 : i32 to index
        %get3A_373 = arith.constant 48 : index
        %get3A_374 = tpu.vector_load %arg13[%get3A_371, %get3A_372, %get3A_373] {strides = array<i32>} : memref<2x96x128xf32, #tpu.memory_space<vmem>>, vector<16xf32>,
        %mul3A_375 = arith.mulf %get3A_369, %get3A_374 : vector<16xf32>
        %get3A_376 = arith.constant 1 : i32
        %get3A_377 = arith.index_cast %get3A_376 : i32 to index
        %get3A_378 = arith.index_cast %add3A_312 : i32 to index
        %get3A_379 = arith.constant 48 : index
        %get3A_380 = tpu.vector_load %arg14[%get3A_377, %get3A_378, %get3A_379] {strides = array<i32>} : memref<2x96x128xf32, #tpu.memory_space<vmem>>, vector<16xf32>,
        %mul3A_381 = arith.mulf %mul3A_375, %get3A_380 : vector<16xf32>
        %add3A_382 = arith.addf %add3A_364, %mul3A_381 : vector<16xf32>
        %get3A_383 = arith.constant 1 : i32
        %get3A_384 = arith.index_cast %get3A_383 : i32 to index
        %get3A_385 = arith.index_cast %add3A_312 : i32 to index
        %get3A_386 = arith.constant 64 : index
        %get3A_387 = tpu.vector_load %arg12[%get3A_384, %get3A_385, %get3A_386] {strides = array<i32>} : memref<2x96x128xf32, #tpu.memory_space<vmem>>, vector<16xf32>,
        %get3A_388 = arith.constant 1 : i32
        %get3A_389 = arith.index_cast %get3A_388 : i32 to index
        %get3A_390 = arith.index_cast %add3A_312 : i32 to index
        %get3A_391 = arith.constant 64 : index
        %get3A_392 = tpu.vector_load %arg13[%get3A_389, %get3A_390, %get3A_391] {strides = array<i32>} : memref<2x96x128xf32, #tpu.memory_space<vmem>>, vector<16xf32>,
        %mul3A_393 = arith.mulf %get3A_387, %get3A_392 : vector<16xf32>
        %get3A_394 = arith.constant 1 : i32
        %get3A_395 = arith.index_cast %get3A_394 : i32 to index
        %get3A_396 = arith.index_cast %add3A_312 : i32 to index
        %get3A_397 = arith.constant 64 : index
        %get3A_398 = tpu.vector_load %arg14[%get3A_395, %get3A_396, %get3A_397] {strides = array<i32>} : memref<2x96x128xf32, #tpu.memory_space<vmem>>, vector<16xf32>,
        %mul3A_399 = arith.mulf %mul3A_393, %get3A_398 : vector<16xf32>
        %add3A_400 = arith.addf %add3A_382, %mul3A_399 : vector<16xf32>
        %get3A_401 = arith.constant 1 : i32
        %get3A_402 = arith.index_cast %get3A_401 : i32 to index
        %get3A_403 = arith.index_cast %add3A_312 : i32 to index
        %get3A_404 = arith.constant 80 : index
        %get3A_405 = tpu.vector_load %arg12[%get3A_402, %get3A_403, %get3A_404] {strides = array<i32>} : memref<2x96x128xf32, #tpu.memory_space<vmem>>, vector<16xf32>,
        %get3A_406 = arith.constant 1 : i32
        %get3A_407 = arith.index_cast %get3A_406 : i32 to index
        %get3A_408 = arith.index_cast %add3A_312 : i32 to index
        %get3A_409 = arith.constant 80 : index
        %get3A_410 = tpu.vector_load %arg13[%get3A_407, %get3A_408, %get3A_409] {strides = array<i32>} : memref<2x96x128xf32, #tpu.memory_space<vmem>>, vector<16xf32>,
        %mul3A_411 = arith.mulf %get3A_405, %get3A_410 : vector<16xf32>
        %get3A_412 = arith.constant 1 : i32
        %get3A_413 = arith.index_cast %get3A_412 : i32 to index
        %get3A_414 = arith.index_cast %add3A_312 : i32 to index
        %get3A_415 = arith.constant 80 : index
        %get3A_416 = tpu.vector_load %arg14[%get3A_413, %get3A_414, %get3A_415] {strides = array<i32>} : memref<2x96x128xf32, #tpu.memory_space<vmem>>, vector<16xf32>,
        %mul3A_417 = arith.mulf %mul3A_411, %get3A_416 : vector<16xf32>
        %add3A_418 = arith.addf %add3A_400, %mul3A_417 : vector<16xf32>
        %get3A_419 = arith.constant 1 : i32
        %get3A_420 = arith.index_cast %get3A_419 : i32 to index
        %get3A_421 = arith.index_cast %add3A_312 : i32 to index
        %get3A_422 = arith.constant 96 : index
        %get3A_423 = tpu.vector_load %arg12[%get3A_420, %get3A_421, %get3A_422] {strides = array<i32>} : memref<2x96x128xf32, #tpu.memory_space<vmem>>, vector<16xf32>,
        %get3A_424 = arith.constant 1 : i32
        %get3A_425 = arith.index_cast %get3A_424 : i32 to index
        %get3A_426 = arith.index_cast %add3A_312 : i32 to index
        %get3A_427 = arith.constant 96 : index
        %get3A_428 = tpu.vector_load %arg13[%get3A_425, %get3A_426, %get3A_427] {strides = array<i32>} : memref<2x96x128xf32, #tpu.memory_space<vmem>>, vector<16xf32>,
        %mul3A_429 = arith.mulf %get3A_423, %get3A_428 : vector<16xf32>
        %get3A_430 = arith.constant 1 : i32
        %get3A_431 = arith.index_cast %get3A_430 : i32 to index
        %get3A_432 = arith.index_cast %add3A_312 : i32 to index
        %get3A_433 = arith.constant 96 : index
        %get3A_434 = tpu.vector_load %arg14[%get3A_431, %get3A_432, %get3A_433] {strides = array<i32>} : memref<2x96x128xf32, #tpu.memory_space<vmem>>, vector<16xf32>,
        %mul3A_435 = arith.mulf %mul3A_429, %get3A_434 : vector<16xf32>
        %add3A_436 = arith.addf %add3A_418, %mul3A_435 : vector<16xf32>
        %get3A_437 = arith.constant 1 : i32
        %get3A_438 = arith.index_cast %get3A_437 : i32 to index
        %get3A_439 = arith.index_cast %add3A_312 : i32 to index
        %get3A_440 = arith.constant 112 : index
        %get3A_441 = tpu.vector_load %arg12[%get3A_438, %get3A_439, %get3A_440] {strides = array<i32>} : memref<2x96x128xf32, #tpu.memory_space<vmem>>, vector<16xf32>,
        %get3A_442 = arith.constant 1 : i32
        %get3A_443 = arith.index_cast %get3A_442 : i32 to index
        %get3A_444 = arith.index_cast %add3A_312 : i32 to index
        %get3A_445 = arith.constant 112 : index
        %get3A_446 = tpu.vector_load %arg13[%get3A_443, %get3A_444, %get3A_445] {strides = array<i32>} : memref<2x96x128xf32, #tpu.memory_space<vmem>>, vector<16xf32>,
        %mul3A_447 = arith.mulf %get3A_441, %get3A_446 : vector<16xf32>
        %get3A_448 = arith.constant 1 : i32
        %get3A_449 = arith.index_cast %get3A_448 : i32 to index
        %get3A_450 = arith.index_cast %add3A_312 : i32 to index
        %get3A_451 = arith.constant 112 : index
        %get3A_452 = tpu.vector_load %arg14[%get3A_449, %get3A_450, %get3A_451] {strides = array<i32>} : memref<2x96x128xf32, #tpu.memory_space<vmem>>, vector<16xf32>,
        %mul3A_453 = arith.mulf %mul3A_447, %get3A_452 : vector<16xf32>
        %add3A_454 = arith.addf %add3A_436, %mul3A_453 : vector<16xf32>
        %reduce_sum3A = arith.constant true
        %reduce_sum3A_455 = vector.broadcast %reduce_sum3A : i1 to vector<16xi1>
        %reduce_sum3A_456 = tpu.scan <sum>, %add3A_454 masked %reduce_sum3A_455 : vector<16xf32>, vector<16xi1> -> vector<16xf32>
        %reduce_sum3A_457 = vector.extract %reduce_sum3A_456[15] : f32 from vector<16xf32>
        %eq3A = vector.broadcast %scan3A_305 : i32 to vector<16xi32>
        %eq3A_458 = arith.cmpi eq, %iota3A, %eq3A : vector<16xi32>
        %broadcast_in_dim3A_459 = vector.broadcast %reduce_sum3A_457 : f32 to vector<16xf32>
        %select_n3A = arith.select %eq3A_458, %broadcast_in_dim3A_459, %scan3A_306 : vector<16xi1>, vector<16xf32>
        scf.yield %select_n3A : vector<16xf32>
      }
      %scan3A_248 = arith.constant 16 : i32
      %sub3A_249 = arith.constant 1.000000e+00 : f32
      %sub3A_250 = vector.broadcast %sub3A_249 : f32 to vector<16xf32>
      %sub3A_251 = arith.subf %sub3A_250, %scan3A_223 : vector<16xf32>
      %add3A_252 = arith.addf %sub3A_251, %scan3A_247 : vector<16xf32>
      %max3A_253 = arith.constant 0.000000e+00 : f32
      %max3A_254 = vector.broadcast %max3A_253 : f32 to vector<16xf32>
      %max3A_255 = arith.maximumf %add3A_252, %max3A_254 : vector<16xf32>
      %add3A_256 = arith.addf %add3A_240, %max3A_255 : vector<16xf32>
      %broadcast_in_dim3A_257 = arith.constant 0.000000e+00 : f32
      %broadcast_in_dim3A_258 = vector.broadcast %broadcast_in_dim3A_257 : f32 to vector<16xf32>
      %scan3A_259 = arith.constant 0 : i32
      %scan3A_260 = arith.constant 16 : i32
      %scan3A_261 = arith.addi %scan3A_259, %scan3A_260 : i32
      %scan3A_262 = arith.constant 1 : i32
      %scan3A_263 = scf.for %scan3A_305 = %scan3A_259 to %scan3A_261 step %scan3A_262 iter_args(%scan3A_306 = %broadcast_in_dim3A_258) -> (vector<16xf32>)  : i32 {
        %mul3A_307 = arith.constant 5 : i32
        %mul3A_308 = arith.muli %scan3A_305, %mul3A_307 : i32
        %add3A_309 = arith.constant 16 : i32
        %add3A_310 = arith.addi %add3A_309, %mul3A_308 : i32
        %add3A_311 = arith.constant 2 : i32
        %add3A_312 = arith.addi %add3A_310, %add3A_311 : i32
        %get3A = arith.constant 1 : i32
        %get3A_313 = arith.index_cast %get3A : i32 to index
        %get3A_314 = arith.index_cast %add3A_312 : i32 to index
        %get3A_315 = arith.constant 0 : index
        %get3A_316 = tpu.vector_load %arg12[%get3A_313, %get3A_314, %get3A_315] {strides = array<i32>} : memref<2x96x128xf32, #tpu.memory_space<vmem>>, vector<16xf32>,
        %get3A_317 = arith.constant 1 : i32
        %get3A_318 = arith.index_cast %get3A_317 : i32 to index
        %get3A_319 = arith.index_cast %add3A_312 : i32 to index
        %get3A_320 = arith.constant 0 : index
        %get3A_321 = tpu.vector_load %arg13[%get3A_318, %get3A_319, %get3A_320] {strides = array<i32>} : memref<2x96x128xf32, #tpu.memory_space<vmem>>, vector<16xf32>,
        %mul3A_322 = arith.mulf %get3A_316, %get3A_321 : vector<16xf32>
        %get3A_323 = arith.constant 1 : i32
        %get3A_324 = arith.index_cast %get3A_323 : i32 to index
        %get3A_325 = arith.index_cast %add3A_312 : i32 to index
        %get3A_326 = arith.constant 0 : index
        %get3A_327 = tpu.vector_load %arg14[%get3A_324, %get3A_325, %get3A_326] {strides = array<i32>} : memref<2x96x128xf32, #tpu.memory_space<vmem>>, vector<16xf32>,
        %mul3A_328 = arith.mulf %mul3A_322, %get3A_327 : vector<16xf32>
        %get3A_329 = arith.constant 1 : i32
        %get3A_330 = arith.index_cast %get3A_329 : i32 to index
        %get3A_331 = arith.index_cast %add3A_312 : i32 to index
        %get3A_332 = arith.constant 16 : index
        %get3A_333 = tpu.vector_load %arg12[%get3A_330, %get3A_331, %get3A_332] {strides = array<i32>} : memref<2x96x128xf32, #tpu.memory_space<vmem>>, vector<16xf32>,
        %get3A_334 = arith.constant 1 : i32
        %get3A_335 = arith.index_cast %get3A_334 : i32 to index
        %get3A_336 = arith.index_cast %add3A_312 : i32 to index
        %get3A_337 = arith.constant 16 : index
        %get3A_338 = tpu.vector_load %arg13[%get3A_335, %get3A_336, %get3A_337] {strides = array<i32>} : memref<2x96x128xf32, #tpu.memory_space<vmem>>, vector<16xf32>,
        %mul3A_339 = arith.mulf %get3A_333, %get3A_338 : vector<16xf32>
        %get3A_340 = arith.constant 1 : i32
        %get3A_341 = arith.index_cast %get3A_340 : i32 to index
        %get3A_342 = arith.index_cast %add3A_312 : i32 to index
        %get3A_343 = arith.constant 16 : index
        %get3A_344 = tpu.vector_load %arg14[%get3A_341, %get3A_342, %get3A_343] {strides = array<i32>} : memref<2x96x128xf32, #tpu.memory_space<vmem>>, vector<16xf32>,
        %mul3A_345 = arith.mulf %mul3A_339, %get3A_344 : vector<16xf32>
        %add3A_346 = arith.addf %mul3A_328, %mul3A_345 : vector<16xf32>
        %get3A_347 = arith.constant 1 : i32
        %get3A_348 = arith.index_cast %get3A_347 : i32 to index
        %get3A_349 = arith.index_cast %add3A_312 : i32 to index
        %get3A_350 = arith.constant 32 : index
        %get3A_351 = tpu.vector_load %arg12[%get3A_348, %get3A_349, %get3A_350] {strides = array<i32>} : memref<2x96x128xf32, #tpu.memory_space<vmem>>, vector<16xf32>,
        %get3A_352 = arith.constant 1 : i32
        %get3A_353 = arith.index_cast %get3A_352 : i32 to index
        %get3A_354 = arith.index_cast %add3A_312 : i32 to index
        %get3A_355 = arith.constant 32 : index
        %get3A_356 = tpu.vector_load %arg13[%get3A_353, %get3A_354, %get3A_355] {strides = array<i32>} : memref<2x96x128xf32, #tpu.memory_space<vmem>>, vector<16xf32>,
        %mul3A_357 = arith.mulf %get3A_351, %get3A_356 : vector<16xf32>
        %get3A_358 = arith.constant 1 : i32
        %get3A_359 = arith.index_cast %get3A_358 : i32 to index
        %get3A_360 = arith.index_cast %add3A_312 : i32 to index
        %get3A_361 = arith.constant 32 : index
        %get3A_362 = tpu.vector_load %arg14[%get3A_359, %get3A_360, %get3A_361] {strides = array<i32>} : memref<2x96x128xf32, #tpu.memory_space<vmem>>, vector<16xf32>,
        %mul3A_363 = arith.mulf %mul3A_357, %get3A_362 : vector<16xf32>
        %add3A_364 = arith.addf %add3A_346, %mul3A_363 : vector<16xf32>
        %get3A_365 = arith.constant 1 : i32
        %get3A_366 = arith.index_cast %get3A_365 : i32 to index
        %get3A_367 = arith.index_cast %add3A_312 : i32 to index
        %get3A_368 = arith.constant 48 : index
        %get3A_369 = tpu.vector_load %arg12[%get3A_366, %get3A_367, %get3A_368] {strides = array<i32>} : memref<2x96x128xf32, #tpu.memory_space<vmem>>, vector<16xf32>,
        %get3A_370 = arith.constant 1 : i32
        %get3A_371 = arith.index_cast %get3A_370 : i32 to index
        %get3A_372 = arith.index_cast %add3A_312 : i32 to index
        %get3A_373 = arith.constant 48 : index
        %get3A_374 = tpu.vector_load %arg13[%get3A_371, %get3A_372, %get3A_373] {strides = array<i32>} : memref<2x96x128xf32, #tpu.memory_space<vmem>>, vector<16xf32>,
        %mul3A_375 = arith.mulf %get3A_369, %get3A_374 : vector<16xf32>
        %get3A_376 = arith.constant 1 : i32
        %get3A_377 = arith.index_cast %get3A_376 : i32 to index
        %get3A_378 = arith.index_cast %add3A_312 : i32 to index
        %get3A_379 = arith.constant 48 : index
        %get3A_380 = tpu.vector_load %arg14[%get3A_377, %get3A_378, %get3A_379] {strides = array<i32>} : memref<2x96x128xf32, #tpu.memory_space<vmem>>, vector<16xf32>,
        %mul3A_381 = arith.mulf %mul3A_375, %get3A_380 : vector<16xf32>
        %add3A_382 = arith.addf %add3A_364, %mul3A_381 : vector<16xf32>
        %get3A_383 = arith.constant 1 : i32
        %get3A_384 = arith.index_cast %get3A_383 : i32 to index
        %get3A_385 = arith.index_cast %add3A_312 : i32 to index
        %get3A_386 = arith.constant 64 : index
        %get3A_387 = tpu.vector_load %arg12[%get3A_384, %get3A_385, %get3A_386] {strides = array<i32>} : memref<2x96x128xf32, #tpu.memory_space<vmem>>, vector<16xf32>,
        %get3A_388 = arith.constant 1 : i32
        %get3A_389 = arith.index_cast %get3A_388 : i32 to index
        %get3A_390 = arith.index_cast %add3A_312 : i32 to index
        %get3A_391 = arith.constant 64 : index
        %get3A_392 = tpu.vector_load %arg13[%get3A_389, %get3A_390, %get3A_391] {strides = array<i32>} : memref<2x96x128xf32, #tpu.memory_space<vmem>>, vector<16xf32>,
        %mul3A_393 = arith.mulf %get3A_387, %get3A_392 : vector<16xf32>
        %get3A_394 = arith.constant 1 : i32
        %get3A_395 = arith.index_cast %get3A_394 : i32 to index
        %get3A_396 = arith.index_cast %add3A_312 : i32 to index
        %get3A_397 = arith.constant 64 : index
        %get3A_398 = tpu.vector_load %arg14[%get3A_395, %get3A_396, %get3A_397] {strides = array<i32>} : memref<2x96x128xf32, #tpu.memory_space<vmem>>, vector<16xf32>,
        %mul3A_399 = arith.mulf %mul3A_393, %get3A_398 : vector<16xf32>
        %add3A_400 = arith.addf %add3A_382, %mul3A_399 : vector<16xf32>
        %get3A_401 = arith.constant 1 : i32
        %get3A_402 = arith.index_cast %get3A_401 : i32 to index
        %get3A_403 = arith.index_cast %add3A_312 : i32 to index
        %get3A_404 = arith.constant 80 : index
        %get3A_405 = tpu.vector_load %arg12[%get3A_402, %get3A_403, %get3A_404] {strides = array<i32>} : memref<2x96x128xf32, #tpu.memory_space<vmem>>, vector<16xf32>,
        %get3A_406 = arith.constant 1 : i32
        %get3A_407 = arith.index_cast %get3A_406 : i32 to index
        %get3A_408 = arith.index_cast %add3A_312 : i32 to index
        %get3A_409 = arith.constant 80 : index
        %get3A_410 = tpu.vector_load %arg13[%get3A_407, %get3A_408, %get3A_409] {strides = array<i32>} : memref<2x96x128xf32, #tpu.memory_space<vmem>>, vector<16xf32>,
        %mul3A_411 = arith.mulf %get3A_405, %get3A_410 : vector<16xf32>
        %get3A_412 = arith.constant 1 : i32
        %get3A_413 = arith.index_cast %get3A_412 : i32 to index
        %get3A_414 = arith.index_cast %add3A_312 : i32 to index
        %get3A_415 = arith.constant 80 : index
        %get3A_416 = tpu.vector_load %arg14[%get3A_413, %get3A_414, %get3A_415] {strides = array<i32>} : memref<2x96x128xf32, #tpu.memory_space<vmem>>, vector<16xf32>,
        %mul3A_417 = arith.mulf %mul3A_411, %get3A_416 : vector<16xf32>
        %add3A_418 = arith.addf %add3A_400, %mul3A_417 : vector<16xf32>
        %get3A_419 = arith.constant 1 : i32
        %get3A_420 = arith.index_cast %get3A_419 : i32 to index
        %get3A_421 = arith.index_cast %add3A_312 : i32 to index
        %get3A_422 = arith.constant 96 : index
        %get3A_423 = tpu.vector_load %arg12[%get3A_420, %get3A_421, %get3A_422] {strides = array<i32>} : memref<2x96x128xf32, #tpu.memory_space<vmem>>, vector<16xf32>,
        %get3A_424 = arith.constant 1 : i32
        %get3A_425 = arith.index_cast %get3A_424 : i32 to index
        %get3A_426 = arith.index_cast %add3A_312 : i32 to index
        %get3A_427 = arith.constant 96 : index
        %get3A_428 = tpu.vector_load %arg13[%get3A_425, %get3A_426, %get3A_427] {strides = array<i32>} : memref<2x96x128xf32, #tpu.memory_space<vmem>>, vector<16xf32>,
        %mul3A_429 = arith.mulf %get3A_423, %get3A_428 : vector<16xf32>
        %get3A_430 = arith.constant 1 : i32
        %get3A_431 = arith.index_cast %get3A_430 : i32 to index
        %get3A_432 = arith.index_cast %add3A_312 : i32 to index
        %get3A_433 = arith.constant 96 : index
        %get3A_434 = tpu.vector_load %arg14[%get3A_431, %get3A_432, %get3A_433] {strides = array<i32>} : memref<2x96x128xf32, #tpu.memory_space<vmem>>, vector<16xf32>,
        %mul3A_435 = arith.mulf %mul3A_429, %get3A_434 : vector<16xf32>
        %add3A_436 = arith.addf %add3A_418, %mul3A_435 : vector<16xf32>
        %get3A_437 = arith.constant 1 : i32
        %get3A_438 = arith.index_cast %get3A_437 : i32 to index
        %get3A_439 = arith.index_cast %add3A_312 : i32 to index
        %get3A_440 = arith.constant 112 : index
        %get3A_441 = tpu.vector_load %arg12[%get3A_438, %get3A_439, %get3A_440] {strides = array<i32>} : memref<2x96x128xf32, #tpu.memory_space<vmem>>, vector<16xf32>,
        %get3A_442 = arith.constant 1 : i32
        %get3A_443 = arith.index_cast %get3A_442 : i32 to index
        %get3A_444 = arith.index_cast %add3A_312 : i32 to index
        %get3A_445 = arith.constant 112 : index
        %get3A_446 = tpu.vector_load %arg13[%get3A_443, %get3A_444, %get3A_445] {strides = array<i32>} : memref<2x96x128xf32, #tpu.memory_space<vmem>>, vector<16xf32>,
        %mul3A_447 = arith.mulf %get3A_441, %get3A_446 : vector<16xf32>
        %get3A_448 = arith.constant 1 : i32
        %get3A_449 = arith.index_cast %get3A_448 : i32 to index
        %get3A_450 = arith.index_cast %add3A_312 : i32 to index
        %get3A_451 = arith.constant 112 : index
        %get3A_452 = tpu.vector_load %arg14[%get3A_449, %get3A_450, %get3A_451] {strides = array<i32>} : memref<2x96x128xf32, #tpu.memory_space<vmem>>, vector<16xf32>,
        %mul3A_453 = arith.mulf %mul3A_447, %get3A_452 : vector<16xf32>
        %add3A_454 = arith.addf %add3A_436, %mul3A_453 : vector<16xf32>
        %reduce_sum3A = arith.constant true
        %reduce_sum3A_455 = vector.broadcast %reduce_sum3A : i1 to vector<16xi1>
        %reduce_sum3A_456 = tpu.scan <sum>, %add3A_454 masked %reduce_sum3A_455 : vector<16xf32>, vector<16xi1> -> vector<16xf32>
        %reduce_sum3A_457 = vector.extract %reduce_sum3A_456[15] : f32 from vector<16xf32>
        %eq3A = vector.broadcast %scan3A_305 : i32 to vector<16xi32>
        %eq3A_458 = arith.cmpi eq, %iota3A, %eq3A : vector<16xi32>
        %broadcast_in_dim3A_459 = vector.broadcast %reduce_sum3A_457 : f32 to vector<16xf32>
        %select_n3A = arith.select %eq3A_458, %broadcast_in_dim3A_459, %scan3A_306 : vector<16xi1>, vector<16xf32>
        scf.yield %select_n3A : vector<16xf32>
      }
      %scan3A_264 = arith.constant 16 : i32
      %sub3A_265 = arith.constant 1.000000e+00 : f32
      %sub3A_266 = vector.broadcast %sub3A_265 : f32 to vector<16xf32>
      %sub3A_267 = arith.subf %sub3A_266, %scan3A_223 : vector<16xf32>
      %add3A_268 = arith.addf %sub3A_267, %scan3A_263 : vector<16xf32>
      %max3A_269 = arith.constant 0.000000e+00 : f32
      %max3A_270 = vector.broadcast %max3A_269 : f32 to vector<16xf32>
      %max3A_271 = arith.maximumf %add3A_268, %max3A_270 : vector<16xf32>
      %add3A_272 = arith.addf %add3A_256, %max3A_271 : vector<16xf32>
      %broadcast_in_dim3A_273 = arith.constant 0.000000e+00 : f32
      %broadcast_in_dim3A_274 = vector.broadcast %broadcast_in_dim3A_273 : f32 to vector<16xf32>
      %scan3A_275 = arith.constant 0 : i32
      %scan3A_276 = arith.constant 16 : i32
      %scan3A_277 = arith.addi %scan3A_275, %scan3A_276 : i32
      %scan3A_278 = arith.constant 1 : i32
      %scan3A_279 = scf.for %scan3A_305 = %scan3A_275 to %scan3A_277 step %scan3A_278 iter_args(%scan3A_306 = %broadcast_in_dim3A_274) -> (vector<16xf32>)  : i32 {
        %mul3A_307 = arith.constant 5 : i32
        %mul3A_308 = arith.muli %scan3A_305, %mul3A_307 : i32
        %add3A_309 = arith.constant 16 : i32
        %add3A_310 = arith.addi %add3A_309, %mul3A_308 : i32
        %add3A_311 = arith.constant 3 : i32
        %add3A_312 = arith.addi %add3A_310, %add3A_311 : i32
        %get3A = arith.constant 1 : i32
        %get3A_313 = arith.index_cast %get3A : i32 to index
        %get3A_314 = arith.index_cast %add3A_312 : i32 to index
        %get3A_315 = arith.constant 0 : index
        %get3A_316 = tpu.vector_load %arg12[%get3A_313, %get3A_314, %get3A_315] {strides = array<i32>} : memref<2x96x128xf32, #tpu.memory_space<vmem>>, vector<16xf32>,
        %get3A_317 = arith.constant 1 : i32
        %get3A_318 = arith.index_cast %get3A_317 : i32 to index
        %get3A_319 = arith.index_cast %add3A_312 : i32 to index
        %get3A_320 = arith.constant 0 : index
        %get3A_321 = tpu.vector_load %arg13[%get3A_318, %get3A_319, %get3A_320] {strides = array<i32>} : memref<2x96x128xf32, #tpu.memory_space<vmem>>, vector<16xf32>,
        %mul3A_322 = arith.mulf %get3A_316, %get3A_321 : vector<16xf32>
        %get3A_323 = arith.constant 1 : i32
        %get3A_324 = arith.index_cast %get3A_323 : i32 to index
        %get3A_325 = arith.index_cast %add3A_312 : i32 to index
        %get3A_326 = arith.constant 0 : index
        %get3A_327 = tpu.vector_load %arg14[%get3A_324, %get3A_325, %get3A_326] {strides = array<i32>} : memref<2x96x128xf32, #tpu.memory_space<vmem>>, vector<16xf32>,
        %mul3A_328 = arith.mulf %mul3A_322, %get3A_327 : vector<16xf32>
        %get3A_329 = arith.constant 1 : i32
        %get3A_330 = arith.index_cast %get3A_329 : i32 to index
        %get3A_331 = arith.index_cast %add3A_312 : i32 to index
        %get3A_332 = arith.constant 16 : index
        %get3A_333 = tpu.vector_load %arg12[%get3A_330, %get3A_331, %get3A_332] {strides = array<i32>} : memref<2x96x128xf32, #tpu.memory_space<vmem>>, vector<16xf32>,
        %get3A_334 = arith.constant 1 : i32
        %get3A_335 = arith.index_cast %get3A_334 : i32 to index
        %get3A_336 = arith.index_cast %add3A_312 : i32 to index
        %get3A_337 = arith.constant 16 : index
        %get3A_338 = tpu.vector_load %arg13[%get3A_335, %get3A_336, %get3A_337] {strides = array<i32>} : memref<2x96x128xf32, #tpu.memory_space<vmem>>, vector<16xf32>,
        %mul3A_339 = arith.mulf %get3A_333, %get3A_338 : vector<16xf32>
        %get3A_340 = arith.constant 1 : i32
        %get3A_341 = arith.index_cast %get3A_340 : i32 to index
        %get3A_342 = arith.index_cast %add3A_312 : i32 to index
        %get3A_343 = arith.constant 16 : index
        %get3A_344 = tpu.vector_load %arg14[%get3A_341, %get3A_342, %get3A_343] {strides = array<i32>} : memref<2x96x128xf32, #tpu.memory_space<vmem>>, vector<16xf32>,
        %mul3A_345 = arith.mulf %mul3A_339, %get3A_344 : vector<16xf32>
        %add3A_346 = arith.addf %mul3A_328, %mul3A_345 : vector<16xf32>
        %get3A_347 = arith.constant 1 : i32
        %get3A_348 = arith.index_cast %get3A_347 : i32 to index
        %get3A_349 = arith.index_cast %add3A_312 : i32 to index
        %get3A_350 = arith.constant 32 : index
        %get3A_351 = tpu.vector_load %arg12[%get3A_348, %get3A_349, %get3A_350] {strides = array<i32>} : memref<2x96x128xf32, #tpu.memory_space<vmem>>, vector<16xf32>,
        %get3A_352 = arith.constant 1 : i32
        %get3A_353 = arith.index_cast %get3A_352 : i32 to index
        %get3A_354 = arith.index_cast %add3A_312 : i32 to index
        %get3A_355 = arith.constant 32 : index
        %get3A_356 = tpu.vector_load %arg13[%get3A_353, %get3A_354, %get3A_355] {strides = array<i32>} : memref<2x96x128xf32, #tpu.memory_space<vmem>>, vector<16xf32>,
        %mul3A_357 = arith.mulf %get3A_351, %get3A_356 : vector<16xf32>
        %get3A_358 = arith.constant 1 : i32
        %get3A_359 = arith.index_cast %get3A_358 : i32 to index
        %get3A_360 = arith.index_cast %add3A_312 : i32 to index
        %get3A_361 = arith.constant 32 : index
        %get3A_362 = tpu.vector_load %arg14[%get3A_359, %get3A_360, %get3A_361] {strides = array<i32>} : memref<2x96x128xf32, #tpu.memory_space<vmem>>, vector<16xf32>,
        %mul3A_363 = arith.mulf %mul3A_357, %get3A_362 : vector<16xf32>
        %add3A_364 = arith.addf %add3A_346, %mul3A_363 : vector<16xf32>
        %get3A_365 = arith.constant 1 : i32
        %get3A_366 = arith.index_cast %get3A_365 : i32 to index
        %get3A_367 = arith.index_cast %add3A_312 : i32 to index
        %get3A_368 = arith.constant 48 : index
        %get3A_369 = tpu.vector_load %arg12[%get3A_366, %get3A_367, %get3A_368] {strides = array<i32>} : memref<2x96x128xf32, #tpu.memory_space<vmem>>, vector<16xf32>,
        %get3A_370 = arith.constant 1 : i32
        %get3A_371 = arith.index_cast %get3A_370 : i32 to index
        %get3A_372 = arith.index_cast %add3A_312 : i32 to index
        %get3A_373 = arith.constant 48 : index
        %get3A_374 = tpu.vector_load %arg13[%get3A_371, %get3A_372, %get3A_373] {strides = array<i32>} : memref<2x96x128xf32, #tpu.memory_space<vmem>>, vector<16xf32>,
        %mul3A_375 = arith.mulf %get3A_369, %get3A_374 : vector<16xf32>
        %get3A_376 = arith.constant 1 : i32
        %get3A_377 = arith.index_cast %get3A_376 : i32 to index
        %get3A_378 = arith.index_cast %add3A_312 : i32 to index
        %get3A_379 = arith.constant 48 : index
        %get3A_380 = tpu.vector_load %arg14[%get3A_377, %get3A_378, %get3A_379] {strides = array<i32>} : memref<2x96x128xf32, #tpu.memory_space<vmem>>, vector<16xf32>,
        %mul3A_381 = arith.mulf %mul3A_375, %get3A_380 : vector<16xf32>
        %add3A_382 = arith.addf %add3A_364, %mul3A_381 : vector<16xf32>
        %get3A_383 = arith.constant 1 : i32
        %get3A_384 = arith.index_cast %get3A_383 : i32 to index
        %get3A_385 = arith.index_cast %add3A_312 : i32 to index
        %get3A_386 = arith.constant 64 : index
        %get3A_387 = tpu.vector_load %arg12[%get3A_384, %get3A_385, %get3A_386] {strides = array<i32>} : memref<2x96x128xf32, #tpu.memory_space<vmem>>, vector<16xf32>,
        %get3A_388 = arith.constant 1 : i32
        %get3A_389 = arith.index_cast %get3A_388 : i32 to index
        %get3A_390 = arith.index_cast %add3A_312 : i32 to index
        %get3A_391 = arith.constant 64 : index
        %get3A_392 = tpu.vector_load %arg13[%get3A_389, %get3A_390, %get3A_391] {strides = array<i32>} : memref<2x96x128xf32, #tpu.memory_space<vmem>>, vector<16xf32>,
        %mul3A_393 = arith.mulf %get3A_387, %get3A_392 : vector<16xf32>
        %get3A_394 = arith.constant 1 : i32
        %get3A_395 = arith.index_cast %get3A_394 : i32 to index
        %get3A_396 = arith.index_cast %add3A_312 : i32 to index
        %get3A_397 = arith.constant 64 : index
        %get3A_398 = tpu.vector_load %arg14[%get3A_395, %get3A_396, %get3A_397] {strides = array<i32>} : memref<2x96x128xf32, #tpu.memory_space<vmem>>, vector<16xf32>,
        %mul3A_399 = arith.mulf %mul3A_393, %get3A_398 : vector<16xf32>
        %add3A_400 = arith.addf %add3A_382, %mul3A_399 : vector<16xf32>
        %get3A_401 = arith.constant 1 : i32
        %get3A_402 = arith.index_cast %get3A_401 : i32 to index
        %get3A_403 = arith.index_cast %add3A_312 : i32 to index
        %get3A_404 = arith.constant 80 : index
        %get3A_405 = tpu.vector_load %arg12[%get3A_402, %get3A_403, %get3A_404] {strides = array<i32>} : memref<2x96x128xf32, #tpu.memory_space<vmem>>, vector<16xf32>,
        %get3A_406 = arith.constant 1 : i32
        %get3A_407 = arith.index_cast %get3A_406 : i32 to index
        %get3A_408 = arith.index_cast %add3A_312 : i32 to index
        %get3A_409 = arith.constant 80 : index
        %get3A_410 = tpu.vector_load %arg13[%get3A_407, %get3A_408, %get3A_409] {strides = array<i32>} : memref<2x96x128xf32, #tpu.memory_space<vmem>>, vector<16xf32>,
        %mul3A_411 = arith.mulf %get3A_405, %get3A_410 : vector<16xf32>
        %get3A_412 = arith.constant 1 : i32
        %get3A_413 = arith.index_cast %get3A_412 : i32 to index
        %get3A_414 = arith.index_cast %add3A_312 : i32 to index
        %get3A_415 = arith.constant 80 : index
        %get3A_416 = tpu.vector_load %arg14[%get3A_413, %get3A_414, %get3A_415] {strides = array<i32>} : memref<2x96x128xf32, #tpu.memory_space<vmem>>, vector<16xf32>,
        %mul3A_417 = arith.mulf %mul3A_411, %get3A_416 : vector<16xf32>
        %add3A_418 = arith.addf %add3A_400, %mul3A_417 : vector<16xf32>
        %get3A_419 = arith.constant 1 : i32
        %get3A_420 = arith.index_cast %get3A_419 : i32 to index
        %get3A_421 = arith.index_cast %add3A_312 : i32 to index
        %get3A_422 = arith.constant 96 : index
        %get3A_423 = tpu.vector_load %arg12[%get3A_420, %get3A_421, %get3A_422] {strides = array<i32>} : memref<2x96x128xf32, #tpu.memory_space<vmem>>, vector<16xf32>,
        %get3A_424 = arith.constant 1 : i32
        %get3A_425 = arith.index_cast %get3A_424 : i32 to index
        %get3A_426 = arith.index_cast %add3A_312 : i32 to index
        %get3A_427 = arith.constant 96 : index
        %get3A_428 = tpu.vector_load %arg13[%get3A_425, %get3A_426, %get3A_427] {strides = array<i32>} : memref<2x96x128xf32, #tpu.memory_space<vmem>>, vector<16xf32>,
        %mul3A_429 = arith.mulf %get3A_423, %get3A_428 : vector<16xf32>
        %get3A_430 = arith.constant 1 : i32
        %get3A_431 = arith.index_cast %get3A_430 : i32 to index
        %get3A_432 = arith.index_cast %add3A_312 : i32 to index
        %get3A_433 = arith.constant 96 : index
        %get3A_434 = tpu.vector_load %arg14[%get3A_431, %get3A_432, %get3A_433] {strides = array<i32>} : memref<2x96x128xf32, #tpu.memory_space<vmem>>, vector<16xf32>,
        %mul3A_435 = arith.mulf %mul3A_429, %get3A_434 : vector<16xf32>
        %add3A_436 = arith.addf %add3A_418, %mul3A_435 : vector<16xf32>
        %get3A_437 = arith.constant 1 : i32
        %get3A_438 = arith.index_cast %get3A_437 : i32 to index
        %get3A_439 = arith.index_cast %add3A_312 : i32 to index
        %get3A_440 = arith.constant 112 : index
        %get3A_441 = tpu.vector_load %arg12[%get3A_438, %get3A_439, %get3A_440] {strides = array<i32>} : memref<2x96x128xf32, #tpu.memory_space<vmem>>, vector<16xf32>,
        %get3A_442 = arith.constant 1 : i32
        %get3A_443 = arith.index_cast %get3A_442 : i32 to index
        %get3A_444 = arith.index_cast %add3A_312 : i32 to index
        %get3A_445 = arith.constant 112 : index
        %get3A_446 = tpu.vector_load %arg13[%get3A_443, %get3A_444, %get3A_445] {strides = array<i32>} : memref<2x96x128xf32, #tpu.memory_space<vmem>>, vector<16xf32>,
        %mul3A_447 = arith.mulf %get3A_441, %get3A_446 : vector<16xf32>
        %get3A_448 = arith.constant 1 : i32
        %get3A_449 = arith.index_cast %get3A_448 : i32 to index
        %get3A_450 = arith.index_cast %add3A_312 : i32 to index
        %get3A_451 = arith.constant 112 : index
        %get3A_452 = tpu.vector_load %arg14[%get3A_449, %get3A_450, %get3A_451] {strides = array<i32>} : memref<2x96x128xf32, #tpu.memory_space<vmem>>, vector<16xf32>,
        %mul3A_453 = arith.mulf %mul3A_447, %get3A_452 : vector<16xf32>
        %add3A_454 = arith.addf %add3A_436, %mul3A_453 : vector<16xf32>
        %reduce_sum3A = arith.constant true
        %reduce_sum3A_455 = vector.broadcast %reduce_sum3A : i1 to vector<16xi1>
        %reduce_sum3A_456 = tpu.scan <sum>, %add3A_454 masked %reduce_sum3A_455 : vector<16xf32>, vector<16xi1> -> vector<16xf32>
        %reduce_sum3A_457 = vector.extract %reduce_sum3A_456[15] : f32 from vector<16xf32>
        %eq3A = vector.broadcast %scan3A_305 : i32 to vector<16xi32>
        %eq3A_458 = arith.cmpi eq, %iota3A, %eq3A : vector<16xi32>
        %broadcast_in_dim3A_459 = vector.broadcast %reduce_sum3A_457 : f32 to vector<16xf32>
        %select_n3A = arith.select %eq3A_458, %broadcast_in_dim3A_459, %scan3A_306 : vector<16xi1>, vector<16xf32>
        scf.yield %select_n3A : vector<16xf32>
      }
      %scan3A_280 = arith.constant 16 : i32
      %sub3A_281 = arith.constant 1.000000e+00 : f32
      %sub3A_282 = vector.broadcast %sub3A_281 : f32 to vector<16xf32>
      %sub3A_283 = arith.subf %sub3A_282, %scan3A_223 : vector<16xf32>
      %add3A_284 = arith.addf %sub3A_283, %scan3A_279 : vector<16xf32>
      %max3A_285 = arith.constant 0.000000e+00 : f32
      %max3A_286 = vector.broadcast %max3A_285 : f32 to vector<16xf32>
      %max3A_287 = arith.maximumf %add3A_284, %max3A_286 : vector<16xf32>
      %add3A_288 = arith.addf %add3A_272, %max3A_287 : vector<16xf32>
      %broadcast_in_dim3A_289 = arith.constant 0.000000e+00 : f32
      %broadcast_in_dim3A_290 = vector.broadcast %broadcast_in_dim3A_289 : f32 to vector<16xf32>
      %scan3A_291 = arith.constant 0 : i32
      %scan3A_292 = arith.constant 16 : i32
      %scan3A_293 = arith.addi %scan3A_291, %scan3A_292 : i32
      %scan3A_294 = arith.constant 1 : i32
      %scan3A_295 = scf.for %scan3A_305 = %scan3A_291 to %scan3A_293 step %scan3A_294 iter_args(%scan3A_306 = %broadcast_in_dim3A_290) -> (vector<16xf32>)  : i32 {
        %mul3A_307 = arith.constant 5 : i32
        %mul3A_308 = arith.muli %scan3A_305, %mul3A_307 : i32
        %add3A_309 = arith.constant 16 : i32
        %add3A_310 = arith.addi %add3A_309, %mul3A_308 : i32
        %add3A_311 = arith.constant 4 : i32
        %add3A_312 = arith.addi %add3A_310, %add3A_311 : i32
        %get3A = arith.constant 1 : i32
        %get3A_313 = arith.index_cast %get3A : i32 to index
        %get3A_314 = arith.index_cast %add3A_312 : i32 to index
        %get3A_315 = arith.constant 0 : index
        %get3A_316 = tpu.vector_load %arg12[%get3A_313, %get3A_314, %get3A_315] {strides = array<i32>} : memref<2x96x128xf32, #tpu.memory_space<vmem>>, vector<16xf32>,
        %get3A_317 = arith.constant 1 : i32
        %get3A_318 = arith.index_cast %get3A_317 : i32 to index
        %get3A_319 = arith.index_cast %add3A_312 : i32 to index
        %get3A_320 = arith.constant 0 : index
        %get3A_321 = tpu.vector_load %arg13[%get3A_318, %get3A_319, %get3A_320] {strides = array<i32>} : memref<2x96x128xf32, #tpu.memory_space<vmem>>, vector<16xf32>,
        %mul3A_322 = arith.mulf %get3A_316, %get3A_321 : vector<16xf32>
        %get3A_323 = arith.constant 1 : i32
        %get3A_324 = arith.index_cast %get3A_323 : i32 to index
        %get3A_325 = arith.index_cast %add3A_312 : i32 to index
        %get3A_326 = arith.constant 0 : index
        %get3A_327 = tpu.vector_load %arg14[%get3A_324, %get3A_325, %get3A_326] {strides = array<i32>} : memref<2x96x128xf32, #tpu.memory_space<vmem>>, vector<16xf32>,
        %mul3A_328 = arith.mulf %mul3A_322, %get3A_327 : vector<16xf32>
        %get3A_329 = arith.constant 1 : i32
        %get3A_330 = arith.index_cast %get3A_329 : i32 to index
        %get3A_331 = arith.index_cast %add3A_312 : i32 to index
        %get3A_332 = arith.constant 16 : index
        %get3A_333 = tpu.vector_load %arg12[%get3A_330, %get3A_331, %get3A_332] {strides = array<i32>} : memref<2x96x128xf32, #tpu.memory_space<vmem>>, vector<16xf32>,
        %get3A_334 = arith.constant 1 : i32
        %get3A_335 = arith.index_cast %get3A_334 : i32 to index
        %get3A_336 = arith.index_cast %add3A_312 : i32 to index
        %get3A_337 = arith.constant 16 : index
        %get3A_338 = tpu.vector_load %arg13[%get3A_335, %get3A_336, %get3A_337] {strides = array<i32>} : memref<2x96x128xf32, #tpu.memory_space<vmem>>, vector<16xf32>,
        %mul3A_339 = arith.mulf %get3A_333, %get3A_338 : vector<16xf32>
        %get3A_340 = arith.constant 1 : i32
        %get3A_341 = arith.index_cast %get3A_340 : i32 to index
        %get3A_342 = arith.index_cast %add3A_312 : i32 to index
        %get3A_343 = arith.constant 16 : index
        %get3A_344 = tpu.vector_load %arg14[%get3A_341, %get3A_342, %get3A_343] {strides = array<i32>} : memref<2x96x128xf32, #tpu.memory_space<vmem>>, vector<16xf32>,
        %mul3A_345 = arith.mulf %mul3A_339, %get3A_344 : vector<16xf32>
        %add3A_346 = arith.addf %mul3A_328, %mul3A_345 : vector<16xf32>
        %get3A_347 = arith.constant 1 : i32
        %get3A_348 = arith.index_cast %get3A_347 : i32 to index
        %get3A_349 = arith.index_cast %add3A_312 : i32 to index
        %get3A_350 = arith.constant 32 : index
        %get3A_351 = tpu.vector_load %arg12[%get3A_348, %get3A_349, %get3A_350] {strides = array<i32>} : memref<2x96x128xf32, #tpu.memory_space<vmem>>, vector<16xf32>,
        %get3A_352 = arith.constant 1 : i32
        %get3A_353 = arith.index_cast %get3A_352 : i32 to index
        %get3A_354 = arith.index_cast %add3A_312 : i32 to index
        %get3A_355 = arith.constant 32 : index
        %get3A_356 = tpu.vector_load %arg13[%get3A_353, %get3A_354, %get3A_355] {strides = array<i32>} : memref<2x96x128xf32, #tpu.memory_space<vmem>>, vector<16xf32>,
        %mul3A_357 = arith.mulf %get3A_351, %get3A_356 : vector<16xf32>
        %get3A_358 = arith.constant 1 : i32
        %get3A_359 = arith.index_cast %get3A_358 : i32 to index
        %get3A_360 = arith.index_cast %add3A_312 : i32 to index
        %get3A_361 = arith.constant 32 : index
        %get3A_362 = tpu.vector_load %arg14[%get3A_359, %get3A_360, %get3A_361] {strides = array<i32>} : memref<2x96x128xf32, #tpu.memory_space<vmem>>, vector<16xf32>,
        %mul3A_363 = arith.mulf %mul3A_357, %get3A_362 : vector<16xf32>
        %add3A_364 = arith.addf %add3A_346, %mul3A_363 : vector<16xf32>
        %get3A_365 = arith.constant 1 : i32
        %get3A_366 = arith.index_cast %get3A_365 : i32 to index
        %get3A_367 = arith.index_cast %add3A_312 : i32 to index
        %get3A_368 = arith.constant 48 : index
        %get3A_369 = tpu.vector_load %arg12[%get3A_366, %get3A_367, %get3A_368] {strides = array<i32>} : memref<2x96x128xf32, #tpu.memory_space<vmem>>, vector<16xf32>,
        %get3A_370 = arith.constant 1 : i32
        %get3A_371 = arith.index_cast %get3A_370 : i32 to index
        %get3A_372 = arith.index_cast %add3A_312 : i32 to index
        %get3A_373 = arith.constant 48 : index
        %get3A_374 = tpu.vector_load %arg13[%get3A_371, %get3A_372, %get3A_373] {strides = array<i32>} : memref<2x96x128xf32, #tpu.memory_space<vmem>>, vector<16xf32>,
        %mul3A_375 = arith.mulf %get3A_369, %get3A_374 : vector<16xf32>
        %get3A_376 = arith.constant 1 : i32
        %get3A_377 = arith.index_cast %get3A_376 : i32 to index
        %get3A_378 = arith.index_cast %add3A_312 : i32 to index
        %get3A_379 = arith.constant 48 : index
        %get3A_380 = tpu.vector_load %arg14[%get3A_377, %get3A_378, %get3A_379] {strides = array<i32>} : memref<2x96x128xf32, #tpu.memory_space<vmem>>, vector<16xf32>,
        %mul3A_381 = arith.mulf %mul3A_375, %get3A_380 : vector<16xf32>
        %add3A_382 = arith.addf %add3A_364, %mul3A_381 : vector<16xf32>
        %get3A_383 = arith.constant 1 : i32
        %get3A_384 = arith.index_cast %get3A_383 : i32 to index
        %get3A_385 = arith.index_cast %add3A_312 : i32 to index
        %get3A_386 = arith.constant 64 : index
        %get3A_387 = tpu.vector_load %arg12[%get3A_384, %get3A_385, %get3A_386] {strides = array<i32>} : memref<2x96x128xf32, #tpu.memory_space<vmem>>, vector<16xf32>,
        %get3A_388 = arith.constant 1 : i32
        %get3A_389 = arith.index_cast %get3A_388 : i32 to index
        %get3A_390 = arith.index_cast %add3A_312 : i32 to index
        %get3A_391 = arith.constant 64 : index
        %get3A_392 = tpu.vector_load %arg13[%get3A_389, %get3A_390, %get3A_391] {strides = array<i32>} : memref<2x96x128xf32, #tpu.memory_space<vmem>>, vector<16xf32>,
        %mul3A_393 = arith.mulf %get3A_387, %get3A_392 : vector<16xf32>
        %get3A_394 = arith.constant 1 : i32
        %get3A_395 = arith.index_cast %get3A_394 : i32 to index
        %get3A_396 = arith.index_cast %add3A_312 : i32 to index
        %get3A_397 = arith.constant 64 : index
        %get3A_398 = tpu.vector_load %arg14[%get3A_395, %get3A_396, %get3A_397] {strides = array<i32>} : memref<2x96x128xf32, #tpu.memory_space<vmem>>, vector<16xf32>,
        %mul3A_399 = arith.mulf %mul3A_393, %get3A_398 : vector<16xf32>
        %add3A_400 = arith.addf %add3A_382, %mul3A_399 : vector<16xf32>
        %get3A_401 = arith.constant 1 : i32
        %get3A_402 = arith.index_cast %get3A_401 : i32 to index
        %get3A_403 = arith.index_cast %add3A_312 : i32 to index
        %get3A_404 = arith.constant 80 : index
        %get3A_405 = tpu.vector_load %arg12[%get3A_402, %get3A_403, %get3A_404] {strides = array<i32>} : memref<2x96x128xf32, #tpu.memory_space<vmem>>, vector<16xf32>,
        %get3A_406 = arith.constant 1 : i32
        %get3A_407 = arith.index_cast %get3A_406 : i32 to index
        %get3A_408 = arith.index_cast %add3A_312 : i32 to index
        %get3A_409 = arith.constant 80 : index
        %get3A_410 = tpu.vector_load %arg13[%get3A_407, %get3A_408, %get3A_409] {strides = array<i32>} : memref<2x96x128xf32, #tpu.memory_space<vmem>>, vector<16xf32>,
        %mul3A_411 = arith.mulf %get3A_405, %get3A_410 : vector<16xf32>
        %get3A_412 = arith.constant 1 : i32
        %get3A_413 = arith.index_cast %get3A_412 : i32 to index
        %get3A_414 = arith.index_cast %add3A_312 : i32 to index
        %get3A_415 = arith.constant 80 : index
        %get3A_416 = tpu.vector_load %arg14[%get3A_413, %get3A_414, %get3A_415] {strides = array<i32>} : memref<2x96x128xf32, #tpu.memory_space<vmem>>, vector<16xf32>,
        %mul3A_417 = arith.mulf %mul3A_411, %get3A_416 : vector<16xf32>
        %add3A_418 = arith.addf %add3A_400, %mul3A_417 : vector<16xf32>
        %get3A_419 = arith.constant 1 : i32
        %get3A_420 = arith.index_cast %get3A_419 : i32 to index
        %get3A_421 = arith.index_cast %add3A_312 : i32 to index
        %get3A_422 = arith.constant 96 : index
        %get3A_423 = tpu.vector_load %arg12[%get3A_420, %get3A_421, %get3A_422] {strides = array<i32>} : memref<2x96x128xf32, #tpu.memory_space<vmem>>, vector<16xf32>,
        %get3A_424 = arith.constant 1 : i32
        %get3A_425 = arith.index_cast %get3A_424 : i32 to index
        %get3A_426 = arith.index_cast %add3A_312 : i32 to index
        %get3A_427 = arith.constant 96 : index
        %get3A_428 = tpu.vector_load %arg13[%get3A_425, %get3A_426, %get3A_427] {strides = array<i32>} : memref<2x96x128xf32, #tpu.memory_space<vmem>>, vector<16xf32>,
        %mul3A_429 = arith.mulf %get3A_423, %get3A_428 : vector<16xf32>
        %get3A_430 = arith.constant 1 : i32
        %get3A_431 = arith.index_cast %get3A_430 : i32 to index
        %get3A_432 = arith.index_cast %add3A_312 : i32 to index
        %get3A_433 = arith.constant 96 : index
        %get3A_434 = tpu.vector_load %arg14[%get3A_431, %get3A_432, %get3A_433] {strides = array<i32>} : memref<2x96x128xf32, #tpu.memory_space<vmem>>, vector<16xf32>,
        %mul3A_435 = arith.mulf %mul3A_429, %get3A_434 : vector<16xf32>
        %add3A_436 = arith.addf %add3A_418, %mul3A_435 : vector<16xf32>
        %get3A_437 = arith.constant 1 : i32
        %get3A_438 = arith.index_cast %get3A_437 : i32 to index
        %get3A_439 = arith.index_cast %add3A_312 : i32 to index
        %get3A_440 = arith.constant 112 : index
        %get3A_441 = tpu.vector_load %arg12[%get3A_438, %get3A_439, %get3A_440] {strides = array<i32>} : memref<2x96x128xf32, #tpu.memory_space<vmem>>, vector<16xf32>,
        %get3A_442 = arith.constant 1 : i32
        %get3A_443 = arith.index_cast %get3A_442 : i32 to index
        %get3A_444 = arith.index_cast %add3A_312 : i32 to index
        %get3A_445 = arith.constant 112 : index
        %get3A_446 = tpu.vector_load %arg13[%get3A_443, %get3A_444, %get3A_445] {strides = array<i32>} : memref<2x96x128xf32, #tpu.memory_space<vmem>>, vector<16xf32>,
        %mul3A_447 = arith.mulf %get3A_441, %get3A_446 : vector<16xf32>
        %get3A_448 = arith.constant 1 : i32
        %get3A_449 = arith.index_cast %get3A_448 : i32 to index
        %get3A_450 = arith.index_cast %add3A_312 : i32 to index
        %get3A_451 = arith.constant 112 : index
        %get3A_452 = tpu.vector_load %arg14[%get3A_449, %get3A_450, %get3A_451] {strides = array<i32>} : memref<2x96x128xf32, #tpu.memory_space<vmem>>, vector<16xf32>,
        %mul3A_453 = arith.mulf %mul3A_447, %get3A_452 : vector<16xf32>
        %add3A_454 = arith.addf %add3A_436, %mul3A_453 : vector<16xf32>
        %reduce_sum3A = arith.constant true
        %reduce_sum3A_455 = vector.broadcast %reduce_sum3A : i1 to vector<16xi1>
        %reduce_sum3A_456 = tpu.scan <sum>, %add3A_454 masked %reduce_sum3A_455 : vector<16xf32>, vector<16xi1> -> vector<16xf32>
        %reduce_sum3A_457 = vector.extract %reduce_sum3A_456[15] : f32 from vector<16xf32>
        %eq3A = vector.broadcast %scan3A_305 : i32 to vector<16xi32>
        %eq3A_458 = arith.cmpi eq, %iota3A, %eq3A : vector<16xi32>
        %broadcast_in_dim3A_459 = vector.broadcast %reduce_sum3A_457 : f32 to vector<16xf32>
        %select_n3A = arith.select %eq3A_458, %broadcast_in_dim3A_459, %scan3A_306 : vector<16xi1>, vector<16xf32>
        scf.yield %select_n3A : vector<16xf32>
      }
      %scan3A_296 = arith.constant 16 : i32
      %sub3A_297 = arith.constant 1.000000e+00 : f32
      %sub3A_298 = vector.broadcast %sub3A_297 : f32 to vector<16xf32>
      %sub3A_299 = arith.subf %sub3A_298, %scan3A_223 : vector<16xf32>
      %add3A_300 = arith.addf %sub3A_299, %scan3A_295 : vector<16xf32>
      %max3A_301 = arith.constant 0.000000e+00 : f32
      %max3A_302 = vector.broadcast %max3A_301 : f32 to vector<16xf32>
      %max3A_303 = arith.maximumf %add3A_300, %max3A_302 : vector<16xf32>
      %add3A_304 = arith.addf %add3A_288, %max3A_303 : vector<16xf32>
      scf.yield %add3A_304 : vector<16xf32>
    }
    %scan3A_48 = arith.constant 16 : i32
    %swap3A = arith.constant 0 : index
    %swap3A_49 = tpu.vector_load %arg15[%swap3A] {strides = array<i32>} : memref<16xf32, #tpu.memory_space<vmem>>, vector<16xf32>,
    tpu.vector_store %arg15[%swap3A], %scan3A_47 {strides = array<i32>} : memref<16xf32, #tpu.memory_space<vmem>>, vector<16xf32>,
    %mul3A_50 = arith.constant 16 : i32
    %mul3A_51 = arith.muli %add3A, %mul3A_50 : i32
    "tpu.region"() ({
      %run_scoped3A = tpu.sem_alloc : memref<!tpu.dma_semaphore, #tpu.memory_space<semaphore_mem>>
      %dma_start3A_52 = tpu.memref_slice %arg8[%mul3A_51] : memref<512xf32, #tpu.memory_space<hbm>> -> memref<16xf32, #tpu.memory_space<hbm>>
      %dma_start3A_53 = tpu.memref_slice %arg8[%mul3A_51] : memref<512xf32, #tpu.memory_space<hbm>> -> memref<16xf32, #tpu.memory_space<hbm>>
      tpu.enqueue_dma source(%arg15 : memref<16xf32, #tpu.memory_space<vmem>>) target(%dma_start3A_53 : memref<16xf32, #tpu.memory_space<hbm>>) target_semaphore(%run_scoped3A : memref<!tpu.dma_semaphore, #tpu.memory_space<semaphore_mem>>)
      %dma_wait3A_54 = tpu.memref_slice %arg8[%mul3A_51] : memref<512xf32, #tpu.memory_space<hbm>> -> memref<16xf32, #tpu.memory_space<hbm>>
      %dma_wait3A_55 = tpu.memref_slice %arg8[%mul3A_51] : memref<512xf32, #tpu.memory_space<hbm>> -> memref<16xf32, #tpu.memory_space<hbm>>
      tpu.wait_dma2 semaphore(%run_scoped3A : memref<!tpu.dma_semaphore, #tpu.memory_space<semaphore_mem>>) src(%arg15 : memref<16xf32, #tpu.memory_space<vmem>>) dst(%dma_wait3A_55 : memref<16xf32, #tpu.memory_space<hbm>>)
      tpu.yield
    }) : () -> ()
    return
  }
}

</mosaic_0001>

<sc_bundles>
// kernel: kernel.3.cloned.1.call-start
scs
__scs_entry_jumppad:
0x0: {  	(pc) =	sbr.rel $0x88, $3  }
0x1: {  	(tag) =	ssettag $0x0;
	lr =	simm.s32 $0x1  }
0x2: {  	[smem:$0x3F9C] =	sst lr;
	_ =	strace $0xD0000000  }
0x3: {  	_ = 	snop  }
0x4: {  	_ = 	snop  }
0x5: {  	_ = 	snop  }
0x6: {  	_ = 	snop  }
0x7: {  	_ = 	snop  }
__scs_overlays_trampoline_lowered:
0x8: {  	[smem:$0x3FAB] =	sst s0  }
0x9: {  	[smem:$0x3FAC] =	sst s1  }
0xa: {  	[smem:$0x3FAD] =	sst s2  }
0xb: {  	[smem:$0x3FAE] =	sst s3  }
0xc: {  	[smem:$0x3FAF] =	sst s4  }
0xd: {  	[smem:$0x3FB0] =	sst s5  }
0xe: {  	[smem:$0x3FB1] =	sst s6  }
0xf: {  	[smem:$0x3FB2] =	sst s7  }
0x10: {  	[smem:$0x3FB3] =	sst s8  }
0x11: {  	[smem:$0x3FB4] =	sst s9;
	s0 =	simm.s32 @!p0 $0x0  }
0x12: {  	s1 =	sld [smem:$0x3F9A];
	s0 =	simm.s32 @p0 $0x1  }
0x13: {  	[smem:$0x3FB5] =	sst s0;
	s0 =	simm.s32 @!p1 $0x0  }
0x14: {  	s2 =	sld [smem:$0x3F99];
	s0 =	simm.s32 @p1 $0x1  }
0x15: {  	[smem:$0x3FB6] =	sst s0;
	s0 =	simm.s32 @!p2 $0x0  }
0x16: {  	s3 =	sld [smem:$0x3FDB];
	s0 =	simm.s32 @p2 $0x1  }
0x17: {  	s4 =	simm.s32 $0x1BF5;
	[smem:$0x3FB8] =	sst s0  }
0x18: {  	s0 =	sld [smem:$0x3F9B];
	_ =	swait.ge [sflag:s4], $0x0  }
0x19: {  	s7 =	sld [smem:$0x3F9C]  }
0x1a: {  	s8 =	sadd.s32 $0xFFFFE003, lr  }
0x1b: {  	s9 =	sadd.s32 $0xFFFFFEF7, lr;
	s5 =	simm.s32 $0xFFFFFFFF;
	p2 =	slt.u32 s8, $0xFFFFF086  }
0x1c: {  	p1 =	slt.u32 s9, $0xF7A;
	s5 =	simm.s32 @!p2 $0x0  }
0x1d: {  	s5 =	simm.s32 @p1 $0x1;
	p0 =	seq.s32 s7, s2  }
0x1e: {  	s7 =	smul.u32 @!p0 $0xF7A, s2;
	p2 =	seq.s32 @!p0 s5, $0x0  }
0x1f: {  	s9 =	smul.u32 $0xF7A, s1;
	s8 =	simm.s32 @!p0 $0x1BF5;
	p2 =	por !p2, p0  }
0x20: {  	[sflag:s8] =	ssyncset.s32 @!p0 $0xFFFFF086;
	s6 =	sadd.s32 @!p0 s3, s7;
	s7 =	simm.s32 @!p0 $0x108  }
0x21: {  	s3 =	sadd.s32 s3, s9;
	s6 =	sadd.s32 @!p0 $0x88, s6;
	s7 =	simm.s32 @p2 $0x1082  }
0x22: {  	[simem:s7], [sflag:s8] =	dma.local @!p0 [hbm:s6], $0xF7A  }
0x23: {  	s9 =	sor.u32 $0xD0000000, s2;
	s6 =	simm.s32 $0x108;
	_ =	swait.ge @!p0 [sflag:s8], $0x0  }
0x24: {  	s3 =	sadd.s32 $0x88, s3;
	s6 =	simm.s32 @!p1 $0x1082;
	[sflag:s4] =	ssyncset.s32 $0xFFFFF086  }
0x25: {  	[simem:s6], [sflag:s4] =	dma.local [hbm:s3], $0xF7A  }
0x26: {  	[smem:$0x3F9C] =	sst s1;
	(tag) =	ssettag s2;
	_ =	strace s9  }
0x27: {  	s1 =	sld [smem:$0x3FAC]  }
0x28: {  	s2 =	sld [smem:$0x3FAD]  }
0x29: {  	s4 =	sld [smem:$0x3FAF]  }
0x2a: {  	p0 =	seq.s32 s5, $0x0;
	s5 =	sld [smem:$0x3FB0]  }
0x2b: {  	s6 =	sld [smem:$0x3FB1]  }
0x2c: {  	s7 =	sld [smem:$0x3FB2]  }
0x2d: {  	s3 =	simm.s32 $0x108;
	s8 =	sld [smem:$0x3FB3]  }
0x2e: {  	s3 =	simm.s32 @!p0 $0x1082;
	s9 =	sld [smem:$0x3FB4]  }
0x2f: {  	lr =	sadd.s32 s0, s3;
	s0 =	sld [smem:$0x3FAB]  }
0x30: {  	s3 =	sld [smem:$0x3FAE]  }
0x31: {  	[smem:$0x3FB7] =	sst s10  }
0x32: {  	s10 =	sld [smem:$0x3FB5];
	_ =	sdelay $0x3  }
0x33: {  	p0 =	seq.s32 s10, $0x1;
	s10 =	sld [smem:$0x3FB7];
	_ =	sdelay $0x3  }
0x34: {  	[smem:$0x3FB7] =	sst s10  }
0x35: {  	s10 =	sld [smem:$0x3FB6];
	_ =	sdelay $0x3  }
0x36: {  	p1 =	seq.s32 s10, $0x1;
	s10 =	sld [smem:$0x3FB7];
	_ =	sdelay $0x3  }
0x37: {  	[smem:$0x3FB7] =	sst s10  }
0x38: {  	s10 =	sld [smem:$0x3FB8]  }
0x39: {  	_ = 	snop;
	(pc) =	sbr.ind lr, $3  }
0x3a: {  	_ = 	snop  }
0x3b: {  	_ = 	snop  }
0x3c: {  	p2 =	seq.s32 s10, $0x1;
	s10 =	sld [smem:$0x3FB7]  }
0x3d: {  	_ =	shalt  }
0x3e: {  	_ =	shalt  }
0x3f: {  	_ =	shalt  }
0x40: {  	_ =	shalt  }
0x41: {  	_ =	shalt  }
0x42: {  	_ =	shalt  }
0x43: {  	_ =	shalt  }
0x44: {  	_ =	shalt  }
0x45: {  	_ =	shalt  }
0x46: {  	_ =	shalt  }
0x47: {  	_ =	shalt  }
0x48: {  	_ =	shalt  }
0x49: {  	_ =	shalt  }
0x4a: {  	_ =	shalt  }
0x4b: {  	_ =	shalt  }
0x4c: {  	_ =	shalt  }
0x4d: {  	_ =	shalt  }
0x4e: {  	_ =	shalt  }
0x4f: {  	_ =	shalt  }
0x50: {  	_ =	shalt  }
0x51: {  	_ =	shalt  }
0x52: {  	_ =	shalt  }
0x53: {  	_ =	shalt  }
0x54: {  	_ =	shalt  }
0x55: {  	_ =	shalt  }
0x56: {  	_ =	shalt  }
0x57: {  	_ =	shalt  }
0x58: {  	_ =	shalt  }
0x59: {  	_ =	shalt  }
0x5a: {  	_ =	shalt  }
0x5b: {  	_ =	shalt  }
0x5c: {  	_ =	shalt  }
0x5d: {  	_ =	shalt  }
0x5e: {  	_ =	shalt  }
0x5f: {  	_ =	shalt  }
0x60: {  	_ =	shalt  }
0x61: {  	_ =	shalt  }
0x62: {  	_ =	shalt  }
0x63: {  	_ =	shalt  }
0x64: {  	_ =	shalt  }
0x65: {  	_ =	shalt  }
0x66: {  	_ =	shalt  }
0x67: {  	_ =	shalt  }
0x68: {  	_ =	shalt  }
0x69: {  	_ =	shalt  }
0x6a: {  	_ =	shalt  }
0x6b: {  	_ =	shalt  }
0x6c: {  	_ =	shalt  }
0x6d: {  	_ =	shalt  }
0x6e: {  	_ =	shalt  }
0x6f: {  	_ =	shalt  }
0x70: {  	_ =	shalt  }
0x71: {  	_ =	shalt  }
0x72: {  	_ =	shalt  }
0x73: {  	_ =	shalt  }
0x74: {  	_ =	shalt  }
0x75: {  	_ =	shalt  }
0x76: {  	_ =	shalt  }
0x77: {  	_ =	shalt  }
0x78: {  	_ =	shalt  }
0x79: {  	_ =	shalt  }
0x7a: {  	_ =	shalt  }
0x7b: {  	_ =	shalt  }
0x7c: {  	_ =	shalt  }
0x7d: {  	_ =	shalt  }
0x7e: {  	_ =	shalt  }
0x7f: {  	_ =	shalt  }
0x80: {  	_ =	shalt  }
0x81: {  	_ =	shalt  }
0x82: {  	_ =	shalt  }
0x83: {  	_ =	shalt  }
0x84: {  	_ =	shalt  }
0x85: {  	_ =	shalt  }
0x86: {  	_ =	shalt  }
0x87: {  	_ =	shalt  }
.Lfunc_end0:
.L_simem_size_0:
called_computation_lowered:
.L_overlay_start_0:
0x88: {  	s2 =	sld [smem:$0x3FD9]  }
0x89: {  	s3 =	sld [smem:$0x3FFE];
	_ =	sdelay $0x1  }
0x8a: {  	s1 =	srdreg.scid  }
0x8b: {  	s0 =	sand.u32 $0x1, s1  }
0x8c: {  	s17 =	sshll.u32 s0, $0xA;
	s2 =	sadd.s32 s3, s2  }
0x8d: {  	s2 =	sadd.s32 s2, s17  }
0x8e: {  	[smem:$0x3FC3] =	sst s2  }
0x8f: {  	_ = 	snop  }
0x90: {  	s2 =	sld [smem:$0x3FC9]  }
0x91: {  	s18 =	sld [smem:$0x3FC8]  }
0x92: {  	s4 =	sld [smem:$0x3FC7];
	(tm) =	ssettm $0x1  }
0x93: {  	s5 =	sld [smem:$0x3FFB];
	_ =	sdelay $0x3  }
0x94: {  	_ =	strace s5  }
0x95: {  	s5 =	sld [smem:$0x3FFC];
	_ =	sdelay $0x3  }
0x96: {  	_ =	strace s5  }
0x97: {  	s5 =	sld [smem:$0x3FFD];
	_ =	sdelay $0x3  }
0x98: {  	_ =	strace s5  }
0x99: {  	_ =	strace $0x8FFFFFFF  }
0x9a: {  	s19 =	sld [smem:$0x3FDB];
	_ =	sdelay $0x1  }
0x9b: {  	s6 =	simm.s32 $_scs_section_size  }
0x9c: {  	s7 =	simm.s32 $_size__tile_overlayer_lowered;
	s8 =	simm.s32 $_tile_overlayer_lowered  }
0x9d: {  	s22 =	simm.s32 $0x1BFF;
	s21 =	sshll.u32 s8, $0x1;
	s5 =	sadd.s32 s6, s19  }
0x9e: {  	s9 =	simm.s32 $0x0;
	s20 =	sshll.u32 s7, $0x1;
	s7 =	sadd.s32 s21, s5  }
0x9f: {  	[timem:s9], [sflag:s22] =	dma.local [hbm:s7], s20  }
0xa0: {  	_ =	swait.ge [sflag:s22], s20  }
0xa1: {  	s6 =	ssub.s32 $0x0, s20;
	[sflag:s22] =	ssyncset.done $0x0  }
0xa2: {  	[sflag:s22] =	ssyncadd.s32 s6;
	_ =	sdelay $0x1  }
0xa3: {  	s23 =	simm.s32 $0x1B8B  }
0xa4: {  	_ =	swait.ge [sflag:s23], $0x1  }
0xa5: {  	[sflag:s23] =	ssyncset.done $0x0  }
0xa6: {  	s25 =	simm.s32 $0x1B8E;
	s24 =	sld [smem:$0x3FFE];
	[sflag:s23] =	ssyncadd.s32 $0xFFFFFFFF  }
0xa7: {  	s26 =	simm.s32 $execute0_lowered;
	[smem:$0x3FD2] =	sst s25  }
0xa8: {  	s7 =	sshll.u32 s26, $0x1;
	_ =	strace $0x80000046;
	[dreg:$0x1] =	wrdreg $0xFFFFFFFF  }
0xa9: {  	s28 =	simm.s32 $_size_execute0_lowered;
	s5 =	sadd.s32 s5, s7;
	[dreg:$0x0] =	wrdreg $0x0  }
0xaa: {  	s7 =	sshll.u32 s28, $0x1;
	[dreg:$0x2] =	wrdreg s5  }
0xab: {  	[dreg:$0x3] =	wrdreg s7  }
0xac: {  	[dreg:$0x4] =	wrdreg $0xC0  }
0xad: {  	_ =	task [dreg:s9], $0x5FFFF  }
0xae: {  	[dreg:$0x1] =	wrdreg $0xFFFFFFFF  }
0xaf: {  	[dreg:$0x0] =	wrdreg $0x60  }
0xb0: {  	[dreg:$0x2] =	wrdreg s2  }
0xb1: {  	[dreg:$0x3] =	wrdreg s18  }
0xb2: {  	[dreg:$0x4] =	wrdreg s4  }
0xb3: {  	[dreg:$0x5] =	wrdreg s24  }
0xb4: {  	[dreg:$0x6] =	wrdreg $0x9  }
0xb5: {  	_ =	task.clear_ibuf [dreg:s9], $0x7FFFF;
	_ =	strace $0x90000046  }
0xb6: {  	s29 =	simm.s32 $0x9;
	_ =	strace $0x80000048  }
0xb7: {  	_ =	swait.ge [sflag:s29], $0x1  }
0xb8: {  	[sflag:s29] =	ssyncadd.s32 $0xFFFFFFFF  }
0xb9: {  	_ =	strace $0x90000048  }
0xba: {  	_ =	sfence  }
0xbb: {  	s30 =	sld [smem:$0x0];
	_ =	sdelay $0x2  }
0xbc: {  	s31 =	sshll.u32 s1, $0xD;
	s1 =	sshrl.u32 s1, $0x2  }
0xbd: {  	s3 =	sand.u32 $0x4000, s31;
	s1 =	sadd.s32 s1, s30  }
0xbe: {  	s0 =	sor.u32 s3, s0;
	s1 =	sshll.u32 s1, $0x11  }
0xbf: {  	s0 =	sor.u32 s1, s0  }
0xc0: {  	s0 =	sadd.s32 $0x8F2B, s0  }
0xc1: {  	[sflag:s0] =	ssyncadd.remote.s32 $0x1  }
0xc2: {  	_ =	sfence.sel $0xFFFF  }
0xc3: {  	[dreg:$0x0] =	wrdreg $0xFFFFFFFF;
	(pc) =	sbr.abs _section_cstart, $3  }
0xc4: {  	[dreg:$0x1] =	wrdreg $0xFFFFFFFF  }
0xc5: {  	_ =	task.clear_ibuf [dreg:s9], $0x2FFFF;
	_ =	strace $0x9FFFFFFF  }
0xc6: {  	(tm) =	ssettm $0x7FFFFFFF  }
0xc7: {  	_ =	shalt  }
tec
execute0_lowered:
.L_overlay_start_1:
0x0: {  	(tag) =	ssettag $0x1  }
0x1: {  	s1 =	rddreg [dreg:$0x0]  }
0x2: {  	s2 =	rddreg [dreg:$0x1]  }
0x3: {  	s4 =	rddreg [dreg:$0x2]  }
0x4: {  	s0 =	srdreg.scid;
	s5 =	stileid.u32  }
0x5: {  	s3 =	rddreg [dreg:$0x3];
	s11 =	simm.s32 $0xC00;
	s12 =	simm.s32 $0x1800  }
0x6: {  	s13 =	simm.s32 $0x1;
	s14 =	simm.s32 $0x60;
	s17 =	simm.s32 $0xE400  }
0x7: {  	s18 =	simm.s32 $0x5400;
	s19 =	simm.s32 $0xB400;
	s20 =	simm.s32 $0x11400  }
0x8: {  	s21 =	simm.s32 $0x2;
	s22 =	simm.s32 $0x14400;
	s23 =	simm.s32 $0x3  }
0x9: {  	s0 =	sand.u32 $0x1, s0;
	s6 =	sshll.u32 s5, $0x1;
	s5 =	simm.s32 $0x0  }
0xa: {  	s24 =	simm.s32 $0x0;
	s6 =	sor.u32 s0, s6;
	[smem:$0x7FF] =	sst s5  }
0xb: {  	s0 =	ssub.s32 $0x2, s0;
	s7 =	smul.u32 $0x180, s6;
	s6 =	sshll.u32 s6, $0x1  }
0xc: {  	_ =	strace $0x80000047;
	s8 =	sshrl.u32 s0, $0x1;
	s9 =	sadd.s32 s6, s3  }
0xd: {  	s0 =	ssub.s32 s0, s8;
	s6 =	sadd.s32 s3, s7;
	s9 =	sadd.s32 $0x9000, s9  }
0xe: {  	v0 =	vlaneseq.u32;
	s10 =	smax.u32 s0, $0x1;
	s7 =	sadd.s32 $0x3000, s6;
	s8 =	sadd.s32 $0x6000, s6  }
.LBB2_1:
0xf: {  	[tilespmem:s5], [sflag:$0x1] =	stream.linear.gather [hbm4b:s6+s5], $0xC00, $0x38;
	[tilespmem:$0x14480] =	vst v63  }
0x10: {  	_ = 	snop  }
0x11: {  	[tilespmem:s11], [sflag:$0x1] =	stream.linear.gather [hbm4b:s7+s5], $0xC00, $0x38;
	[tilespmem:$0x14480] =	vst v63  }
0x12: {  	_ = 	snop  }
0x13: {  	[tilespmem:s12], [sflag:$0x1] =	stream.linear.gather [hbm4b:s8+s5], $0xC00, $0x38;
	[tilespmem:$0x14480] =	vst v63  }
0x14: {  	_ =	swait.ge [sflag:s13], $0xC00  }
0x15: {  	[sflag:s13] =	ssyncset.done $0x0  }
0x16: {  	[sflag:s13] =	ssyncadd.s32 $0xFFFFF400  }
0x17: {  	_ =	swait.ge [sflag:s13], $0xC00  }
0x18: {  	[sflag:s13] =	ssyncset.done $0x0  }
0x19: {  	[sflag:s13] =	ssyncadd.s32 $0xFFFFF400  }
0x1a: {  	_ =	swait.ge [sflag:s13], $0xC00  }
0x1b: {  	[sflag:s13] =	ssyncset.done $0x0  }
0x1c: {  	s0 =	simm.s32 $0x2400;
	[sflag:s13] =	ssyncadd.s32 $0xFFFFF400  }
0x1d: {  	[tilespmem:s0], [sflag:$0x1] =	stream.indirect.gather [hbm4b:s1+s14], $0x80, s5, s14, $0xb8;
	[tilespmem:$0x14480] =	vst v63  }
0x1e: {  	s31 =	simm.s32 $0x8400  }
0x1f: {  	[tilespmem:s31], [sflag:$0x1] =	stream.indirect.gather [hbm4b:s4+s14], $0x80, s11, s14, $0xb8;
	[tilespmem:$0x14480] =	vst v63  }
0x20: {  	s25 =	simm.s32 $0x0  }
0x21: {  	v1 =	vimm.f32 $0.0e+00;
	[tilespmem:s17], [sflag:$0x1] =	stream.indirect.gather [hbm4b:s2+s14], $0x80, s12, s14, $0xb8;
	[tilespmem:$0x14480] =	vst v63  }
.LBB2_2:
0x22: {  	s26 =	smul.u32 $0xC0, s25;
	_ =	sdelay $0x1  }
0x23: {  	s0 =	sadd.s32 $0x60, s26  }
0x24: {  	[tilespmem:s18], [sflag:$0x2] =	stream.indirect.gather [hbm4b:s1+s14], $0x80, s0, s14, $0xb8;
	[tilespmem:$0x14480] =	vst v63  }
0x25: {  	s3 =	sadd.s32 $0xC60, s26  }
0x26: {  	[tilespmem:s19], [sflag:$0x2] =	stream.indirect.gather [hbm4b:s4+s14], $0x80, s3, s14, $0xb8;
	[tilespmem:$0x14480] =	vst v63  }
0x27: {  	s15 =	sadd.s32 $0x1860, s26  }
0x28: {  	[tilespmem:s20], [sflag:$0x2] =	stream.indirect.gather [hbm4b:s2+s14], $0x80, s15, s14, $0xb8;
	[tilespmem:$0x14480] =	vst v63  }
0x29: {  	_ =	swait.ge [sflag:s13], $0x3000  }
0x2a: {  	[sflag:s13] =	ssyncset.done $0x0  }
0x2b: {  	[sflag:s13] =	ssyncadd.s32 $0xFFFFD000  }
0x2c: {  	_ =	swait.ge [sflag:s13], $0x3000  }
0x2d: {  	[sflag:s13] =	ssyncset.done $0x0  }
0x2e: {  	[sflag:s13] =	ssyncadd.s32 $0xFFFFD000  }
0x2f: {  	_ =	swait.ge [sflag:s13], $0x3000  }
0x30: {  	[sflag:s13] =	ssyncset.done $0x0  }
0x31: {  	s16 =	simm.s32 $0xE440;
	[sflag:s13] =	ssyncadd.s32 $0xFFFFD000  }
0x32: {  	v2 =	vld [tilespmem:s16+$0x20]  }
0x33: {  	v5 =	vld [tilespmem:s16+$0x10]  }
0x34: {  	v3 =	vld [tilespmem:s16+$0x0]  }
0x35: {  	v4 =	vld [tilespmem:s16+$0xFFFFFFF0]  }
0x36: {  	v6 =	vld [tilespmem:s16+$0xFFFFFFE0]  }
0x37: {  	s3 =	simm.s32 $0x2440;
	v7 =	vld [tilespmem:s16+$0xFFFFFFC0]  }
0x38: {  	v8 =	vld [tilespmem:s3+$0xFFFFFFE0]  }
0x39: {  	s15 =	simm.s32 $0x8440;
	v9 =	vld [tilespmem:s3+$0xFFFFFFC0]  }
0x3a: {  	v10 =	vld [tilespmem:s15+$0xFFFFFFC0]  }
0x3b: {  	v11 =	vld [tilespmem:s3+$0xFFFFFFD0]  }
0x3c: {  	v12 =	vld [tilespmem:s15+$0xFFFFFFD0]  }
0x3d: {  	v13 =	vld [tilespmem:s15+$0xFFFFFFE0]  }
0x3e: {  	v14 =	vld [tilespmem:s16+$0xFFFFFFD0]  }
0x3f: {  	v15 =	vld [tilespmem:s3+$0xFFFFFFF0]  }
0x40: {  	v16 =	vld [tilespmem:s15+$0xFFFFFFF0]  }
0x41: {  	v17 =	vld [tilespmem:s3+$0x0];
	v9 =	vmul.f32 v10, v9;
	v10 =	vmul.f32 v12, v11  }
0x42: {  	v11 =	vld [tilespmem:s15+$0x0];
	v8 =	vmul.f32 v13, v8  }
0x43: {  	v12 =	vld [tilespmem:s3+$0x10];
	v7 =	vmul.f32 v7, v9;
	v9 =	vmul.f32 v14, v10  }
0x44: {  	v10 =	vld [tilespmem:s15+$0x10]  }
0x45: {  	v13 =	vld [tilespmem:s3+$0x20];
	v6 =	vmul.f32 v6, v8;
	v8 =	vmul.f32 v16, v15;
	v7 =	vadd.f32 v9, v7  }
0x46: {  	v9 =	vld [tilespmem:s15+$0x20]  }
0x47: {  	v14 =	vld [tilespmem:s3+$0x30];
	v4 =	vmul.f32 v4, v8;
	v6 =	vadd.f32 v6, v7;
	v7 =	vmul.f32 v11, v17  }
0x48: {  	v8 =	vld [tilespmem:s15+$0x30]  }
0x49: {  	s0 =	simm.s32 $0x24C0;
	v11 =	vld [tilespmem:s16+$0x30];
	v10 =	vmul.f32 v10, v12;
	v6 =	vadd.f32 v4, v6;
	v7 =	vmul.f32 v3, v7  }
0x4a: {  	s3 =	simm.s32 $0xE4C0;
	v12 =	vld [tilespmem:s0+$0xFFFFFFD0]  }
0x4b: {  	v4 =	vld [tilespmem:s3+$0x20];
	v10 =	vmul.f32 v5, v10;
	v9 =	vmul.f32 v9, v13;
	v7 =	vadd.f32 v7, v6  }
0x4c: {  	v3 =	vld [tilespmem:s3+$0x10]  }
0x4d: {  	s15 =	simm.s32 $0x84C0;
	v5 =	vld [tilespmem:s3+$0x0];
	v2 =	vmul.f32 v2, v9;
	v9 =	vmul.f32 v8, v14;
	v10 =	vadd.f32 v10, v7  }
0x4e: {  	v13 =	vld [tilespmem:s15+$0xFFFFFFD0]  }
0x4f: {  	v6 =	vld [tilespmem:s3+$0xFFFFFFF0];
	v11 =	vmul.f32 v11, v9;
	v2 =	vadd.f32 v2, v10  }
0x50: {  	v8 =	vld [tilespmem:s3+$0xFFFFFFC0]  }
0x51: {  	v7 =	vld [tilespmem:s3+$0xFFFFFFE0];
	v2 =	vadd.f32 v11, v2  }
0x52: {  	v9 =	vld [tilespmem:s0+$0xFFFFFFE0]  }
0x53: {  	s29 =	simm.s32 $0x0;
	s28 =	simm.s32 $0x1;
	v10 =	vld [tilespmem:s0+$0xFFFFFFC0];
	(xrf2) =	vadd.scan.msk.f32 $0xffff, v2  }
0x54: {  	s31 =	simm.s32 $0x0;
	s30 =	simm.s32 $0x1;
	s16 =	simm.s32 $0x2;
	v11 =	vld [tilespmem:s15+$0xFFFFFFC0];
	v2 =	vimm.f32 $0.0e+00  }
.LBB2_3:
0x55: {  	p0 =	sne.s32 s16, $0xF;
	v14 =	vld [tilespmem:s15+$0xFFFFFFE0]  }
0x56: {  	v15 =	vld [tilespmem:s3+$0xFFFFFFD0]  }
0x57: {  	v16 =	vld [tilespmem:s0+$0xFFFFFFF0]  }
0x58: {  	v17 =	vld [tilespmem:s15+$0xFFFFFFF0]  }
0x59: {  	v10 =	vmul.f32 v11, v10;
	v11 =	vmul.f32 v13, v12;
	v12 =	vld [tilespmem:s0+$0x0]  }
0x5a: {  	v9 =	vmul.f32 v14, v9;
	v13 =	vld [tilespmem:s15+$0x0]  }
0x5b: {  	v8 =	vmul.f32 v8, v10;
	v10 =	vmul.f32 v15, v11;
	v11 =	vld [tilespmem:s0+$0x10]  }
0x5c: {  	v15 =	vmov s31;
	s31 =	smov.u32 s30;
	s30 =	smov.u32 s16;
	v14 =	vld [tilespmem:s15+$0x10]  }
0x5d: {  	v7 =	vmul.f32 v7, v9;
	v8 =	vadd.f32 v10, v8;
	v9 =	vmul.f32 v17, v16;
	v10 =	vld [tilespmem:s0+$0x20];
	v16, _, _ =	vpop (xrf2)  }
0x5e: {  	vm0 =	veq.s32 v15, v0;
	v17 =	vld [tilespmem:s15+$0x20];
	v15 =	vbroadcast v16, $0xF  }
0x5f: {  	v7 =	vadd.f32 v7, v8;
	v6 =	vmul.f32 v6, v9;
	v8 =	vmul.f32 v13, v12;
	v9 =	vld [tilespmem:s0+$0x30]  }
0x60: {  	v12 =	vld [tilespmem:s15+$0x30];
	v2 =	vsel vm0, v15, v2  }
0x61: {  	v6 =	vadd.f32 v6, v7;
	v5 =	vmul.f32 v5, v8;
	v7 =	vmul.f32 v14, v11;
	v11 =	vld [tilespmem:s3+$0x30];
	s3 =	sadd.s32 $0x80, s3  }
0x62: {  	v13 =	vld [tilespmem:s3+$0x20]  }
0x63: {  	v8 =	vadd.f32 v5, v6;
	v7 =	vmul.f32 v3, v7;
	v3 =	vld [tilespmem:s3+$0x10];
	v10 =	vmul.f32 v17, v10  }
0x64: {  	v5 =	vld [tilespmem:s3+$0x0]  }
0x65: {  	v6 =	vld [tilespmem:s3+$0xFFFFFFF0];
	v14 =	vadd.f32 v7, v8;
	v10 =	vmul.f32 v4, v10;
	v9 =	vmul.f32 v12, v9  }
0x66: {  	v7 =	vld [tilespmem:s3+$0xFFFFFFE0]  }
0x67: {  	s0 =	sadd.s32 $0x80, s0;
	v8 =	vld [tilespmem:s3+$0xFFFFFFC0];
	v12 =	vadd.f32 v10, v14;
	v11 =	vmul.f32 v11, v9;
	v4 =	vmov v13  }
.Ltmp0:
0x68: {  	v9 =	vld [tilespmem:s0+$0xFFFFFFE0];
	(pc) =	sbr.rel @p0 .LBB2_3-.Ltmp0, $4  }
0x69: {  	s15 =	sadd.s32 $0x80, s15;
	v10 =	vld [tilespmem:s0+$0xFFFFFFC0];
	v13 =	vadd.f32 v11, v12  }
0x6a: {  	v11 =	vld [tilespmem:s15+$0xFFFFFFC0]  }
0x6b: {  	v12 =	vld [tilespmem:s0+$0xFFFFFFD0];
	(xrf2) =	vadd.scan.msk.f32 $0xffff, v13  }
0x6c: {  	s16 =	sadd.s32 $0x1, s16;
	v13 =	vld [tilespmem:s15+$0xFFFFFFD0]  }
0x6d: {  	v14 =	vld [tilespmem:s15+$0xFFFFFFE0]  }
0x6e: {  	v15 =	vld [tilespmem:s3+$0xFFFFFFD0]  }
0x6f: {  	v16 =	vld [tilespmem:s0+$0xFFFFFFF0]  }
0x70: {  	v17 =	vld [tilespmem:s15+$0xFFFFFFF0]  }
0x71: {  	v18 =	vld [tilespmem:s0+$0x0]  }
0x72: {  	v19 =	vld [tilespmem:s15+$0x0]  }
0x73: {  	v20 =	vld [tilespmem:s0+$0x10]  }
0x74: {  	v21 =	vld [tilespmem:s15+$0x10]  }
0x75: {  	v22 =	vld [tilespmem:s0+$0x20]  }
0x76: {  	v23 =	vld [tilespmem:s15+$0x20]  }
0x77: {  	v24 =	vld [tilespmem:s0+$0x30]  }
0x78: {  	v25 =	vld [tilespmem:s15+$0x30]  }
0x79: {  	v26 =	vld [tilespmem:s3+$0x30];
	s0 =	simm.s32 $0xEC70  }
0x7a: {  	v27 =	vld [tilespmem:s0+$0xFFFFFFF0]  }
0x7b: {  	v28 =	vld [tilespmem:s0+$0xFFFFFFE0]  }
0x7c: {  	s16 =	simm.s32 $0x8C70;
	v29 =	vld [tilespmem:s0+$0xFFFFFFD0];
	v10 =	vmul.f32 v11, v10  }
0x7d: {  	v63 =	vld [tilespmem:s16+$0xFFFFFFC0];
	v11 =	vmul.f32 v13, v12  }
0x7e: {  	s15 =	simm.s32 $0x2C70;
	v12 =	vld [tilespmem:s0+$0xFFFFFFC0];
	v8 =	vmul.f32 v8, v10  }
0x7f: {  	v9 =	vmul.f32 v14, v9;
	v14 =	vld [tilespmem:s15+$0xFFFFFFB0];
	v10 =	vmul.f32 v15, v11  }
0x80: {  	v15 =	vld [tilespmem:s16+$0xFFFFFF90]  }
0x81: {  	v7 =	vmul.f32 v7, v9;
	v9 =	vmul.f32 v17, v16;
	v16 =	vld [tilespmem:s16+$0xFFFFFFA0];
	v8 =	vadd.f32 v10, v8  }
0x82: {  	v10 =	vld [tilespmem:s15+$0xFFFFFF90]  }
0x83: {  	v6 =	vmul.f32 v6, v9;
	v9 =	vld [tilespmem:s15+$0xFFFFFFA0];
	v7 =	vadd.f32 v7, v8;
	v8 =	vmul.f32 v19, v18  }
0x84: {  	v11 =	vld [tilespmem:s0+$0xFFFFFF90]  }
0x85: {  	v17 =	vld [tilespmem:s0+$0xFFFFFFA0];
	v6 =	vadd.f32 v6, v7;
	v5 =	vmul.f32 v5, v8;
	v7 =	vmul.f32 v21, v20  }
0x86: {  	v8 =	vld [tilespmem:s16+$0xFFFFFFB0]  }
0x87: {  	v13 =	vld [tilespmem:s0+$0xFFFFFFB0];
	v5 =	vadd.f32 v5, v6;
	v3 =	vmul.f32 v3, v7;
	v6 =	vmul.f32 v23, v22  }
0x88: {  	v10 =	vmul.f32 v15, v10;
	v7 =	vld [tilespmem:s15+$0xFFFFFFC0];
	v9 =	vmul.f32 v16, v9  }
0x89: {  	v15 =	vld [tilespmem:s16+$0xFFFFFFD0];
	v3 =	vadd.f32 v3, v5;
	v4 =	vmul.f32 v4, v6;
	v5 =	vmul.f32 v25, v24  }
0x8a: {  	v10 =	vmul.f32 v11, v10;
	v6 =	vld [tilespmem:s15+$0xFFFFFFD0];
	v9 =	vmul.f32 v17, v9  }
0x8b: {  	v11 =	vld [tilespmem:s16+$0xFFFFFFE0];
	v3 =	vadd.f32 v4, v3;
	v4 =	vmul.f32 v26, v5;
	v5 =	vmul.f32 v8, v14  }
0x8c: {  	v8 =	vld [tilespmem:s15+$0xFFFFFFE0];
	v9 =	vadd.f32 v9, v10  }
0x8d: {  	v10 =	vld [tilespmem:s16+$0xFFFFFFF0];
	v7 =	vmul.f32 v63, v7;
	v3 =	vadd.f32 v4, v3;
	v5 =	vmul.f32 v13, v5  }
0x8e: {  	v4 =	vld [tilespmem:s15+$0xFFFFFFF0]  }
0x8f: {  	v7 =	vmul.f32 v12, v7;
	v6 =	vmul.f32 v15, v6;
	(xrf2) =	vadd.scan.msk.f32 $0xffff, v3;
	v3 =	vld [tilespmem:s15+$0x0];
	v5 =	vadd.f32 v5, v9  }
0x90: {  	v15 =	vmov s30;
	v9 =	vld [tilespmem:s16+$0x0]  }
0x91: {  	s3 =	simm.s32 $0xEEF0;
	v12 =	vld [tilespmem:s0+$0x0];
	v13 =	vmul.f32 v29, v6;
	v8 =	vmul.f32 v11, v8;
	v7 =	vadd.f32 v7, v5  }
0x92: {  	s15 =	simm.s32 $0x8EF0;
	vm15 =	veq.s32 v15, v0;
	v6 =	vld [tilespmem:s3+$0xFFFFFFF0]  }
0x93: {  	v15 =	vld [tilespmem:s15+$0xFFFFFFA0];
	v4 =	vmul.f32 v10, v4;
	v11 =	vadd.f32 v13, v7;
	v13 =	vmul.f32 v28, v8  }
0x94: {  	v5 =	vld [tilespmem:s3+$0xFFFFFFE0]  }
0x95: {  	v10 =	vld [tilespmem:s3+$0xFFFFFF90];
	v4 =	vmul.f32 v27, v4;
	v3 =	vmul.f32 v9, v3;
	v11 =	vadd.f32 v13, v11  }
0x96: {  	v7 =	vld [tilespmem:s3+$0xFFFFFFD0]  }
0x97: {  	v8 =	vld [tilespmem:s3+$0xFFFFFFC0];
	v3 =	vmul.f32 v12, v3;
	v4 =	vadd.f32 v4, v11  }
0x98: {  	v14 =	vmov s31;
	s0 =	simm.s32 $0x2EF0;
	v9 =	vld [tilespmem:s3+$0xFFFFFFB0];
	v13, _, _ =	vpop (xrf2)  }
0x99: {  	vm0 =	veq.s32 v14, v0;
	v12 =	vld [tilespmem:s0+$0xFFFFFF90];
	v14 =	vbroadcast v13, $0xF;
	v13, _, _ =	vpop (xrf2);
	v3 =	vadd.f32 v3, v4  }
0x9a: {  	v11 =	vld [tilespmem:s0+$0xFFFFFFB0];
	v16 =	vbroadcast v13, $0xF  }
0x9b: {  	v13 =	vld [tilespmem:s15+$0xFFFFFF90];
	v2 =	vsel vm0, v14, v2;
	(xrf2) =	vadd.scan.msk.f32 $0xffff, v3  }
0x9c: {  	s16 =	simm.s32 $0x2;
	v4 =	vimm.f32 $0.0e+00;
	v14 =	vld [tilespmem:s0+$0xFFFFFFA0];
	v3 =	vimm.f32 $0.0e+00;
	v2 =	vsel vm15, v16, v2  }
.LBB2_5:
0x9d: {  	p0 =	sne.s32 s16, $0xF;
	v16 =	vld [tilespmem:s15+$0xFFFFFFB0]  }
0x9e: {  	v17 =	vld [tilespmem:s3+$0xFFFFFFA0]  }
0x9f: {  	v18 =	vld [tilespmem:s0+$0xFFFFFFC0]  }
0xa0: {  	v19 =	vld [tilespmem:s15+$0xFFFFFFC0]  }
0xa1: {  	v12 =	vmul.f32 v13, v12;
	v13 =	vmul.f32 v15, v14;
	v14 =	vld [tilespmem:s0+$0xFFFFFFD0]  }
0xa2: {  	v11 =	vmul.f32 v16, v11;
	v15 =	vld [tilespmem:s15+$0xFFFFFFD0]  }
0xa3: {  	v10 =	vmul.f32 v10, v12;
	v12 =	vmul.f32 v17, v13;
	v13 =	vld [tilespmem:s0+$0xFFFFFFE0]  }
0xa4: {  	v17 =	vmov s29;
	s29 =	smov.u32 s28;
	s28 =	smov.u32 s16;
	v16 =	vld [tilespmem:s15+$0xFFFFFFE0]  }
0xa5: {  	v9 =	vmul.f32 v9, v11;
	v10 =	vadd.f32 v12, v10;
	v11 =	vmul.f32 v19, v18;
	v12 =	vld [tilespmem:s0+$0xFFFFFFF0];
	v18, _, _ =	vpop (xrf2)  }
0xa6: {  	vm0 =	veq.s32 v17, v0;
	v19 =	vld [tilespmem:s15+$0xFFFFFFF0];
	v17 =	vbroadcast v18, $0xF  }
0xa7: {  	v9 =	vadd.f32 v9, v10;
	v8 =	vmul.f32 v8, v11;
	v10 =	vmul.f32 v15, v14;
	v11 =	vld [tilespmem:s0+$0x0]  }
0xa8: {  	v14 =	vld [tilespmem:s15+$0x0];
	v3 =	vsel vm0, v17, v3  }
0xa9: {  	v8 =	vadd.f32 v8, v9;
	v7 =	vmul.f32 v7, v10;
	v9 =	vmul.f32 v16, v13;
	v13 =	vld [tilespmem:s3+$0x0];
	s3 =	sadd.s32 $0x280, s3  }
0xaa: {  	v15 =	vld [tilespmem:s3+$0xFFFFFFF0]  }
0xab: {  	v10 =	vadd.f32 v7, v8;
	v9 =	vmul.f32 v5, v9;
	v5 =	vld [tilespmem:s3+$0xFFFFFFE0];
	v12 =	vmul.f32 v19, v12  }
0xac: {  	v7 =	vld [tilespmem:s3+$0xFFFFFFD0]  }
0xad: {  	v8 =	vld [tilespmem:s3+$0xFFFFFFC0];
	v16 =	vadd.f32 v9, v10;
	v12 =	vmul.f32 v6, v12;
	v11 =	vmul.f32 v14, v11  }
0xae: {  	v9 =	vld [tilespmem:s3+$0xFFFFFFB0]  }
0xaf: {  	s0 =	sadd.s32 $0x280, s0;
	v10 =	vld [tilespmem:s3+$0xFFFFFF90];
	v14 =	vadd.f32 v12, v16;
	v13 =	vmul.f32 v13, v11;
	v6 =	vmov v15  }
.Ltmp1:
0xb0: {  	v11 =	vld [tilespmem:s0+$0xFFFFFFB0];
	(pc) =	sbr.rel @p0 .LBB2_5-.Ltmp1, $4  }
0xb1: {  	s15 =	sadd.s32 $0x280, s15;
	v12 =	vld [tilespmem:s0+$0xFFFFFF90];
	v15 =	vadd.f32 v13, v14  }
0xb2: {  	v13 =	vld [tilespmem:s15+$0xFFFFFF90]  }
0xb3: {  	v14 =	vld [tilespmem:s0+$0xFFFFFFA0];
	(xrf2) =	vadd.scan.msk.f32 $0xffff, v15  }
0xb4: {  	s16 =	sadd.s32 $0x1, s16;
	v15 =	vld [tilespmem:s15+$0xFFFFFFA0]  }
0xb5: {  	v16 =	vld [tilespmem:s15+$0xFFFFFFB0]  }
0xb6: {  	v17 =	vld [tilespmem:s3+$0xFFFFFFA0]  }
0xb7: {  	v18 =	vld [tilespmem:s0+$0xFFFFFFC0]  }
0xb8: {  	v19 =	vld [tilespmem:s15+$0xFFFFFFC0]  }
0xb9: {  	v20 =	vld [tilespmem:s0+$0xFFFFFFD0]  }
0xba: {  	v21 =	vld [tilespmem:s15+$0xFFFFFFD0]  }
0xbb: {  	v22 =	vld [tilespmem:s0+$0xFFFFFFE0]  }
0xbc: {  	v23 =	vld [tilespmem:s15+$0xFFFFFFE0]  }
0xbd: {  	v24 =	vld [tilespmem:s0+$0xFFFFFFF0]  }
0xbe: {  	v25 =	vld [tilespmem:s15+$0xFFFFFFF0]  }
0xbf: {  	v26 =	vld [tilespmem:s0+$0x0]  }
0xc0: {  	v27 =	vld [tilespmem:s15+$0x0]  }
0xc1: {  	v28 =	vld [tilespmem:s3+$0x0];
	s0 =	simm.s32 $0xECF0  }
0xc2: {  	v29 =	vld [tilespmem:s0+$0xFFFFFFF0]  }
0xc3: {  	v30 =	vld [tilespmem:s0+$0xFFFFFFE0]  }
0xc4: {  	s16 =	simm.s32 $0x8CF0;
	v31 =	vld [tilespmem:s0+$0xFFFFFFD0];
	v12 =	vmul.f32 v13, v12  }
0xc5: {  	v60 =	vld [tilespmem:s16+$0xFFFFFFA0];
	v13 =	vmul.f32 v15, v14  }
0xc6: {  	v61 =	vld [tilespmem:s0+$0xFFFFFFA0];
	v10 =	vmul.f32 v10, v12  }
0xc7: {  	v62 =	vld [tilespmem:s16+$0xFFFFFFC0];
	v11 =	vmul.f32 v16, v11;
	v12 =	vmul.f32 v17, v13  }
0xc8: {  	v14 =	vld [tilespmem:s0+$0xFFFFFFC0]  }
0xc9: {  	s15 =	simm.s32 $0x2CF0;
	v17 =	vld [tilespmem:s16+$0xFFFFFF90];
	v9 =	vmul.f32 v9, v11;
	v11 =	vmul.f32 v19, v18;
	v10 =	vadd.f32 v12, v10  }
0xca: {  	v12 =	vld [tilespmem:s15+$0xFFFFFF90]  }
0xcb: {  	v8 =	vmul.f32 v8, v11;
	v11 =	vld [tilespmem:s15+$0xFFFFFFA0];
	v9 =	vadd.f32 v9, v10;
	v10 =	vmul.f32 v21, v20  }
0xcc: {  	v16 =	vld [tilespmem:s15+$0xFFFFFFB0]  }
0xcd: {  	v13 =	vld [tilespmem:s0+$0xFFFFFF90];
	v8 =	vadd.f32 v8, v9;
	v7 =	vmul.f32 v7, v10;
	v9 =	vmul.f32 v23, v22  }
0xce: {  	v10 =	vld [tilespmem:s16+$0xFFFFFFB0]  }
0xcf: {  	v7 =	vadd.f32 v7, v8;
	v5 =	vmul.f32 v5, v9;
	v8 =	vmul.f32 v25, v24;
	v9 =	vld [tilespmem:s15+$0xFFFFFFC0]  }
0xd0: {  	v15 =	vld [tilespmem:s0+$0xFFFFFFB0];
	v12 =	vmul.f32 v17, v12;
	v11 =	vmul.f32 v60, v11  }
0xd1: {  	v17 =	vld [tilespmem:s16+$0xFFFFFFD0];
	v5 =	vadd.f32 v5, v7;
	v6 =	vmul.f32 v6, v8;
	v7 =	vmul.f32 v27, v26  }
0xd2: {  	v12 =	vmul.f32 v13, v12;
	v8 =	vld [tilespmem:s15+$0xFFFFFFD0];
	v11 =	vmul.f32 v61, v11  }
0xd3: {  	v13 =	vld [tilespmem:s16+$0xFFFFFFE0];
	v5 =	vadd.f32 v6, v5;
	v6 =	vmul.f32 v28, v7;
	v7 =	vmul.f32 v10, v16  }
0xd4: {  	v10 =	vld [tilespmem:s15+$0xFFFFFFE0];
	v9 =	vmul.f32 v62, v9  }
0xd5: {  	v16 =	vld [tilespmem:s15+$0xFFFFFFF0];
	v5 =	vadd.f32 v6, v5;
	v6 =	vadd.f32 v11, v12;
	v7 =	vmul.f32 v15, v7  }
0xd6: {  	v11 =	vld [tilespmem:s16+$0xFFFFFFF0]  }
0xd7: {  	v12 =	vld [tilespmem:s15+$0x0];
	(xrf2) =	vadd.scan.msk.f32 $0xffff, v5;
	v5 =	vadd.f32 v7, v6;
	v6 =	vmul.f32 v14, v9;
	v7 =	vmul.f32 v17, v8  }
0xd8: {  	v9 =	vld [tilespmem:s16+$0x0]  }
0xd9: {  	s3 =	simm.s32 $0xEF70;
	v14 =	vld [tilespmem:s0+$0x0];
	v10 =	vmul.f32 v13, v10;
	v8 =	vadd.f32 v6, v5;
	v7 =	vmul.f32 v31, v7  }
0xda: {  	v6 =	vld [tilespmem:s3+$0xFFFFFFF0]  }
0xdb: {  	v15, _, _ =	vpop (xrf2);
	v5 =	vld [tilespmem:s3+$0xFFFFFFE0];
	v10 =	vmul.f32 v30, v10;
	v11 =	vmul.f32 v11, v16;
	v13 =	vadd.f32 v7, v8  }
0xdc: {  	v15 =	vbroadcast v15, $0xF;
	v16 =	vmov s29;
	v7 =	vld [tilespmem:s3+$0xFFFFFFD0]  }
0xdd: {  	v8 =	vld [tilespmem:s3+$0xFFFFFFC0];
	v11 =	vmul.f32 v29, v11;
	v12 =	vmul.f32 v9, v12;
	v13 =	vadd.f32 v10, v13  }
0xde: {  	s15 =	simm.s32 $0x8F70;
	vm0 =	veq.s32 v16, v0;
	v9 =	vld [tilespmem:s3+$0xFFFFFFB0]  }
0xdf: {  	v3 =	vsel vm0, v15, v3;
	v15 =	vld [tilespmem:s15+$0xFFFFFFA0];
	v14 =	vmul.f32 v14, v12;
	v13 =	vadd.f32 v11, v13  }
0xe0: {  	s0 =	simm.s32 $0x2F70;
	v10 =	vld [tilespmem:s3+$0xFFFFFF90]  }
0xe1: {  	v12 =	vld [tilespmem:s0+$0xFFFFFF90];
	v16, _, _ =	vpop (xrf2);
	v63 =	vadd.f32 v14, v13  }
0xe2: {  	v17 =	vmov s28;
	v11 =	vld [tilespmem:s0+$0xFFFFFFB0];
	v16 =	vbroadcast v16, $0xF  }
0xe3: {  	s31 =	simm.s32 $0x0;
	s30 =	simm.s32 $0x1;
	vm15 =	veq.s32 v17, v0;
	v13 =	vld [tilespmem:s15+$0xFFFFFF90];
	(xrf2) =	vadd.scan.msk.f32 $0xffff, v63  }
0xe4: {  	s28 =	simm.s32 $0x1;
	s16 =	simm.s32 $0x2;
	s29 =	simm.s32 $0x0;
	v14 =	vld [tilespmem:s0+$0xFFFFFFA0];
	v3 =	vsel vm15, v16, v3  }
.LBB2_7:
0xe5: {  	p0 =	sne.s32 s16, $0xF;
	v16 =	vld [tilespmem:s15+$0xFFFFFFB0]  }
0xe6: {  	v17 =	vld [tilespmem:s3+$0xFFFFFFA0]  }
0xe7: {  	v18 =	vld [tilespmem:s0+$0xFFFFFFC0]  }
0xe8: {  	v19 =	vld [tilespmem:s15+$0xFFFFFFC0]  }
0xe9: {  	v12 =	vmul.f32 v13, v12;
	v13 =	vmul.f32 v15, v14;
	v14 =	vld [tilespmem:s0+$0xFFFFFFD0]  }
0xea: {  	v11 =	vmul.f32 v16, v11;
	v15 =	vld [tilespmem:s15+$0xFFFFFFD0]  }
0xeb: {  	v10 =	vmul.f32 v10, v12;
	v12 =	vmul.f32 v17, v13;
	v13 =	vld [tilespmem:s0+$0xFFFFFFE0]  }
0xec: {  	v17 =	vmov s31;
	s31 =	smov.u32 s30;
	s30 =	smov.u32 s16;
	v16 =	vld [tilespmem:s15+$0xFFFFFFE0]  }
0xed: {  	v9 =	vmul.f32 v9, v11;
	v10 =	vadd.f32 v12, v10;
	v11 =	vmul.f32 v19, v18;
	v12 =	vld [tilespmem:s0+$0xFFFFFFF0];
	v18, _, _ =	vpop (xrf2)  }
0xee: {  	vm0 =	veq.s32 v17, v0;
	v19 =	vld [tilespmem:s15+$0xFFFFFFF0];
	v17 =	vbroadcast v18, $0xF  }
0xef: {  	v9 =	vadd.f32 v9, v10;
	v8 =	vmul.f32 v8, v11;
	v10 =	vmul.f32 v15, v14;
	v11 =	vld [tilespmem:s0+$0x0]  }
0xf0: {  	v14 =	vld [tilespmem:s15+$0x0];
	v4 =	vsel vm0, v17, v4  }
0xf1: {  	v8 =	vadd.f32 v8, v9;
	v7 =	vmul.f32 v7, v10;
	v9 =	vmul.f32 v16, v13;
	v13 =	vld [tilespmem:s3+$0x0];
	s3 =	sadd.s32 $0x280, s3  }
0xf2: {  	v15 =	vld [tilespmem:s3+$0xFFFFFFF0]  }
0xf3: {  	v10 =	vadd.f32 v7, v8;
	v9 =	vmul.f32 v5, v9;
	v5 =	vld [tilespmem:s3+$0xFFFFFFE0];
	v12 =	vmul.f32 v19, v12  }
0xf4: {  	v7 =	vld [tilespmem:s3+$0xFFFFFFD0]  }
0xf5: {  	v8 =	vld [tilespmem:s3+$0xFFFFFFC0];
	v16 =	vadd.f32 v9, v10;
	v12 =	vmul.f32 v6, v12;
	v11 =	vmul.f32 v14, v11  }
0xf6: {  	v9 =	vld [tilespmem:s3+$0xFFFFFFB0]  }
0xf7: {  	s0 =	sadd.s32 $0x280, s0;
	v10 =	vld [tilespmem:s3+$0xFFFFFF90];
	v14 =	vadd.f32 v12, v16;
	v13 =	vmul.f32 v13, v11;
	v6 =	vmov v15  }
.Ltmp2:
0xf8: {  	v11 =	vld [tilespmem:s0+$0xFFFFFFB0];
	(pc) =	sbr.rel @p0 .LBB2_7-.Ltmp2, $4  }
0xf9: {  	s15 =	sadd.s32 $0x280, s15;
	v12 =	vld [tilespmem:s0+$0xFFFFFF90];
	v15 =	vadd.f32 v13, v14  }
0xfa: {  	v13 =	vld [tilespmem:s15+$0xFFFFFF90]  }
0xfb: {  	v14 =	vld [tilespmem:s0+$0xFFFFFFA0];
	(xrf2) =	vadd.scan.msk.f32 $0xffff, v15  }
0xfc: {  	s16 =	sadd.s32 $0x1, s16;
	v15 =	vld [tilespmem:s15+$0xFFFFFFA0]  }
0xfd: {  	v16 =	vld [tilespmem:s15+$0xFFFFFFB0]  }
0xfe: {  	v17 =	vld [tilespmem:s3+$0xFFFFFFA0]  }
0xff: {  	v18 =	vld [tilespmem:s0+$0xFFFFFFC0]  }
0x100: {  	v19 =	vld [tilespmem:s15+$0xFFFFFFC0]  }
0x101: {  	v20 =	vld [tilespmem:s0+$0xFFFFFFD0]  }
0x102: {  	v21 =	vld [tilespmem:s15+$0xFFFFFFD0]  }
0x103: {  	v22 =	vld [tilespmem:s0+$0xFFFFFFE0]  }
0x104: {  	v23 =	vld [tilespmem:s15+$0xFFFFFFE0]  }
0x105: {  	v24 =	vld [tilespmem:s0+$0xFFFFFFF0]  }
0x106: {  	v25 =	vld [tilespmem:s15+$0xFFFFFFF0]  }
0x107: {  	v26 =	vld [tilespmem:s0+$0x0]  }
0x108: {  	v27 =	vld [tilespmem:s15+$0x0]  }
0x109: {  	v28 =	vld [tilespmem:s3+$0x0];
	s0 =	simm.s32 $0xED70  }
0x10a: {  	v29 =	vld [tilespmem:s0+$0xFFFFFFF0]  }
0x10b: {  	v30 =	vld [tilespmem:s0+$0xFFFFFFE0]  }
0x10c: {  	s16 =	simm.s32 $0x8D70;
	v31 =	vld [tilespmem:s0+$0xFFFFFFD0];
	v12 =	vmul.f32 v13, v12  }
0x10d: {  	v63 =	vld [tilespmem:s16+$0xFFFFFFC0];
	v13 =	vmul.f32 v15, v14  }
0x10e: {  	s15 =	simm.s32 $0x2D70;
	v14 =	vld [tilespmem:s0+$0xFFFFFFC0];
	v10 =	vmul.f32 v10, v12  }
0x10f: {  	v11 =	vmul.f32 v16, v11;
	v16 =	vld [tilespmem:s15+$0xFFFFFFB0];
	v12 =	vmul.f32 v17, v13  }
0x110: {  	v17 =	vld [tilespmem:s16+$0xFFFFFF90]  }
0x111: {  	v9 =	vmul.f32 v9, v11;
	v11 =	vmul.f32 v19, v18;
	v18 =	vld [tilespmem:s16+$0xFFFFFFA0];
	v10 =	vadd.f32 v12, v10  }
0x112: {  	v12 =	vld [tilespmem:s15+$0xFFFFFF90]  }
0x113: {  	v8 =	vmul.f32 v8, v11;
	v11 =	vld [tilespmem:s15+$0xFFFFFFA0];
	v9 =	vadd.f32 v9, v10;
	v10 =	vmul.f32 v21, v20  }
0x114: {  	v13 =	vld [tilespmem:s0+$0xFFFFFF90]  }
0x115: {  	v19 =	vld [tilespmem:s0+$0xFFFFFFA0];
	v8 =	vadd.f32 v8, v9;
	v7 =	vmul.f32 v7, v10;
	v9 =	vmul.f32 v23, v22  }
0x116: {  	v10 =	vld [tilespmem:s16+$0xFFFFFFB0]  }
0x117: {  	v15 =	vld [tilespmem:s0+$0xFFFFFFB0];
	v7 =	vadd.f32 v7, v8;
	v5 =	vmul.f32 v5, v9;
	v8 =	vmul.f32 v25, v24  }
0x118: {  	v12 =	vmul.f32 v17, v12;
	v9 =	vld [tilespmem:s15+$0xFFFFFFC0];
	v11 =	vmul.f32 v18, v11  }
0x119: {  	v17 =	vld [tilespmem:s16+$0xFFFFFFD0];
	v5 =	vadd.f32 v5, v7;
	v6 =	vmul.f32 v6, v8;
	v7 =	vmul.f32 v27, v26  }
0x11a: {  	v12 =	vmul.f32 v13, v12;
	v8 =	vld [tilespmem:s15+$0xFFFFFFD0];
	v11 =	vmul.f32 v19, v11  }
0x11b: {  	v13 =	vld [tilespmem:s16+$0xFFFFFFE0];
	v5 =	vadd.f32 v6, v5;
	v6 =	vmul.f32 v28, v7;
	v7 =	vmul.f32 v10, v16  }
0x11c: {  	v10 =	vld [tilespmem:s15+$0xFFFFFFE0];
	v11 =	vadd.f32 v11, v12  }
0x11d: {  	v12 =	vld [tilespmem:s16+$0xFFFFFFF0];
	v9 =	vmul.f32 v63, v9;
	v5 =	vadd.f32 v6, v5;
	v7 =	vmul.f32 v15, v7  }
0x11e: {  	v6 =	vld [tilespmem:s15+$0xFFFFFFF0]  }
0x11f: {  	v9 =	vmul.f32 v14, v9;
	v8 =	vmul.f32 v17, v8;
	(xrf2) =	vadd.scan.msk.f32 $0xffff, v5;
	v5 =	vld [tilespmem:s15+$0x0];
	v7 =	vadd.f32 v7, v11  }
0x120: {  	v17 =	vmov s30;
	v11 =	vld [tilespmem:s16+$0x0]  }
0x121: {  	s3 =	simm.s32 $0xEFF0;
	v14 =	vld [tilespmem:s0+$0x0];
	v15 =	vmul.f32 v31, v8;
	v10 =	vmul.f32 v13, v10;
	v9 =	vadd.f32 v9, v7  }
0x122: {  	s15 =	simm.s32 $0x8FF0;
	vm15 =	veq.s32 v17, v0;
	v8 =	vld [tilespmem:s3+$0xFFFFFFF0]  }
0x123: {  	v17 =	vld [tilespmem:s15+$0xFFFFFFA0];
	v6 =	vmul.f32 v12, v6;
	v13 =	vadd.f32 v15, v9;
	v15 =	vmul.f32 v30, v10  }
0x124: {  	v7 =	vld [tilespmem:s3+$0xFFFFFFE0]  }
0x125: {  	v12 =	vld [tilespmem:s3+$0xFFFFFF90];
	v6 =	vmul.f32 v29, v6;
	v5 =	vmul.f32 v11, v5;
	v13 =	vadd.f32 v15, v13  }
0x126: {  	v9 =	vld [tilespmem:s3+$0xFFFFFFD0]  }
0x127: {  	v10 =	vld [tilespmem:s3+$0xFFFFFFC0];
	v5 =	vmul.f32 v14, v5;
	v6 =	vadd.f32 v6, v13  }
0x128: {  	v16 =	vmov s31;
	s0 =	simm.s32 $0x2FF0;
	v11 =	vld [tilespmem:s3+$0xFFFFFFB0];
	v15, _, _ =	vpop (xrf2)  }
0x129: {  	vm0 =	veq.s32 v16, v0;
	v14 =	vld [tilespmem:s0+$0xFFFFFF90];
	v16 =	vbroadcast v15, $0xF;
	v15, _, _ =	vpop (xrf2);
	v5 =	vadd.f32 v5, v6  }
0x12a: {  	v13 =	vld [tilespmem:s0+$0xFFFFFFB0];
	v18 =	vbroadcast v15, $0xF  }
0x12b: {  	v15 =	vld [tilespmem:s15+$0xFFFFFF90];
	v4 =	vsel vm0, v16, v4;
	(xrf2) =	vadd.scan.msk.f32 $0xffff, v5  }
0x12c: {  	s16 =	simm.s32 $0x2;
	v6 =	vimm.f32 $0.0e+00;
	v16 =	vld [tilespmem:s0+$0xFFFFFFA0];
	v5 =	vimm.f32 $0.0e+00;
	v4 =	vsel vm15, v18, v4  }
.LBB2_9:
0x12d: {  	p0 =	sne.s32 s16, $0xF;
	v18 =	vld [tilespmem:s15+$0xFFFFFFB0]  }
0x12e: {  	v19 =	vld [tilespmem:s3+$0xFFFFFFA0]  }
0x12f: {  	v20 =	vld [tilespmem:s0+$0xFFFFFFC0]  }
0x130: {  	v21 =	vld [tilespmem:s15+$0xFFFFFFC0]  }
0x131: {  	v14 =	vmul.f32 v15, v14;
	v15 =	vmul.f32 v17, v16;
	v16 =	vld [tilespmem:s0+$0xFFFFFFD0]  }
0x132: {  	v13 =	vmul.f32 v18, v13;
	v17 =	vld [tilespmem:s15+$0xFFFFFFD0]  }
0x133: {  	v12 =	vmul.f32 v12, v14;
	v14 =	vmul.f32 v19, v15;
	v15 =	vld [tilespmem:s0+$0xFFFFFFE0]  }
0x134: {  	v19 =	vmov s29;
	s29 =	smov.u32 s28;
	s28 =	smov.u32 s16;
	v18 =	vld [tilespmem:s15+$0xFFFFFFE0]  }
0x135: {  	v11 =	vmul.f32 v11, v13;
	v12 =	vadd.f32 v14, v12;
	v13 =	vmul.f32 v21, v20;
	v14 =	vld [tilespmem:s0+$0xFFFFFFF0];
	v20, _, _ =	vpop (xrf2)  }
0x136: {  	vm0 =	veq.s32 v19, v0;
	v21 =	vld [tilespmem:s15+$0xFFFFFFF0];
	v19 =	vbroadcast v20, $0xF  }
0x137: {  	v11 =	vadd.f32 v11, v12;
	v10 =	vmul.f32 v10, v13;
	v12 =	vmul.f32 v17, v16;
	v13 =	vld [tilespmem:s0+$0x0]  }
0x138: {  	v16 =	vld [tilespmem:s15+$0x0];
	v5 =	vsel vm0, v19, v5  }
0x139: {  	v10 =	vadd.f32 v10, v11;
	v9 =	vmul.f32 v9, v12;
	v11 =	vmul.f32 v18, v15;
	v15 =	vld [tilespmem:s3+$0x0];
	s3 =	sadd.s32 $0x280, s3  }
0x13a: {  	v17 =	vld [tilespmem:s3+$0xFFFFFFF0]  }
0x13b: {  	v12 =	vadd.f32 v9, v10;
	v11 =	vmul.f32 v7, v11;
	v7 =	vld [tilespmem:s3+$0xFFFFFFE0];
	v14 =	vmul.f32 v21, v14  }
0x13c: {  	v9 =	vld [tilespmem:s3+$0xFFFFFFD0]  }
0x13d: {  	v10 =	vld [tilespmem:s3+$0xFFFFFFC0];
	v18 =	vadd.f32 v11, v12;
	v14 =	vmul.f32 v8, v14;
	v13 =	vmul.f32 v16, v13  }
0x13e: {  	v11 =	vld [tilespmem:s3+$0xFFFFFFB0]  }
0x13f: {  	s0 =	sadd.s32 $0x280, s0;
	v12 =	vld [tilespmem:s3+$0xFFFFFF90];
	v16 =	vadd.f32 v14, v18;
	v15 =	vmul.f32 v15, v13;
	v8 =	vmov v17  }
.Ltmp3:
0x140: {  	v13 =	vld [tilespmem:s0+$0xFFFFFFB0];
	(pc) =	sbr.rel @p0 .LBB2_9-.Ltmp3, $4  }
0x141: {  	s15 =	sadd.s32 $0x280, s15;
	v14 =	vld [tilespmem:s0+$0xFFFFFF90];
	v17 =	vadd.f32 v15, v16  }
0x142: {  	v15 =	vld [tilespmem:s15+$0xFFFFFF90]  }
0x143: {  	v16 =	vld [tilespmem:s0+$0xFFFFFFA0];
	(xrf2) =	vadd.scan.msk.f32 $0xffff, v17  }
0x144: {  	s16 =	sadd.s32 $0x1, s16;
	v17 =	vld [tilespmem:s15+$0xFFFFFFA0]  }
0x145: {  	v18 =	vld [tilespmem:s15+$0xFFFFFFB0]  }
0x146: {  	v19 =	vld [tilespmem:s3+$0xFFFFFFA0]  }
0x147: {  	v20 =	vld [tilespmem:s0+$0xFFFFFFC0]  }
0x148: {  	v21 =	vld [tilespmem:s15+$0xFFFFFFC0]  }
0x149: {  	v22 =	vld [tilespmem:s0+$0xFFFFFFD0]  }
0x14a: {  	v23 =	vld [tilespmem:s15+$0xFFFFFFD0]  }
0x14b: {  	v24 =	vld [tilespmem:s0+$0xFFFFFFE0]  }
0x14c: {  	v25 =	vld [tilespmem:s15+$0xFFFFFFE0]  }
0x14d: {  	v26 =	vld [tilespmem:s0+$0xFFFFFFF0]  }
0x14e: {  	v27 =	vld [tilespmem:s15+$0xFFFFFFF0]  }
0x14f: {  	v28 =	vld [tilespmem:s0+$0x0]  }
0x150: {  	v29 =	vld [tilespmem:s15+$0x0]  }
0x151: {  	v30 =	vld [tilespmem:s3+$0x0];
	s0 =	simm.s32 $0xEDF0  }
0x152: {  	v31 =	vld [tilespmem:s0+$0xFFFFFFF0]  }
0x153: {  	v32 =	vld [tilespmem:s0+$0xFFFFFFE0]  }
0x154: {  	s16 =	simm.s32 $0x8DF0;
	v33 =	vld [tilespmem:s0+$0xFFFFFFD0];
	v14 =	vmul.f32 v15, v14  }
0x155: {  	v60 =	vld [tilespmem:s16+$0xFFFFFFA0];
	v15 =	vmul.f32 v17, v16  }
0x156: {  	v61 =	vld [tilespmem:s0+$0xFFFFFFA0];
	v12 =	vmul.f32 v12, v14  }
0x157: {  	v62 =	vld [tilespmem:s16+$0xFFFFFFC0];
	v13 =	vmul.f32 v18, v13;
	v14 =	vmul.f32 v19, v15  }
0x158: {  	v16 =	vld [tilespmem:s0+$0xFFFFFFC0]  }
0x159: {  	s15 =	simm.s32 $0x2DF0;
	v19 =	vld [tilespmem:s16+$0xFFFFFF90];
	v11 =	vmul.f32 v11, v13;
	v13 =	vmul.f32 v21, v20;
	v12 =	vadd.f32 v14, v12  }
0x15a: {  	v14 =	vld [tilespmem:s15+$0xFFFFFF90]  }
0x15b: {  	v10 =	vmul.f32 v10, v13;
	v13 =	vld [tilespmem:s15+$0xFFFFFFA0];
	v11 =	vadd.f32 v11, v12;
	v12 =	vmul.f32 v23, v22  }
0x15c: {  	v18 =	vld [tilespmem:s15+$0xFFFFFFB0]  }
0x15d: {  	v15 =	vld [tilespmem:s0+$0xFFFFFF90];
	v10 =	vadd.f32 v10, v11;
	v9 =	vmul.f32 v9, v12;
	v11 =	vmul.f32 v25, v24  }
0x15e: {  	v12 =	vld [tilespmem:s16+$0xFFFFFFB0]  }
0x15f: {  	v9 =	vadd.f32 v9, v10;
	v7 =	vmul.f32 v7, v11;
	v10 =	vmul.f32 v27, v26;
	v11 =	vld [tilespmem:s15+$0xFFFFFFC0]  }
0x160: {  	v17 =	vld [tilespmem:s0+$0xFFFFFFB0];
	v14 =	vmul.f32 v19, v14;
	v13 =	vmul.f32 v60, v13  }
0x161: {  	v19 =	vld [tilespmem:s16+$0xFFFFFFD0];
	v7 =	vadd.f32 v7, v9;
	v8 =	vmul.f32 v8, v10;
	v9 =	vmul.f32 v29, v28  }
0x162: {  	v14 =	vmul.f32 v15, v14;
	v10 =	vld [tilespmem:s15+$0xFFFFFFD0];
	v13 =	vmul.f32 v61, v13  }
0x163: {  	v15 =	vld [tilespmem:s16+$0xFFFFFFE0];
	v7 =	vadd.f32 v8, v7;
	v8 =	vmul.f32 v30, v9;
	v9 =	vmul.f32 v12, v18  }
0x164: {  	v12 =	vld [tilespmem:s15+$0xFFFFFFE0];
	v11 =	vmul.f32 v62, v11  }
0x165: {  	v18 =	vld [tilespmem:s15+$0xFFFFFFF0];
	v7 =	vadd.f32 v8, v7;
	v8 =	vadd.f32 v13, v14;
	v9 =	vmul.f32 v17, v9  }
0x166: {  	v13 =	vld [tilespmem:s16+$0xFFFFFFF0]  }
0x167: {  	v14 =	vld [tilespmem:s15+$0x0];
	(xrf2) =	vadd.scan.msk.f32 $0xffff, v7;
	v7 =	vadd.f32 v9, v8;
	v8 =	vmul.f32 v16, v11;
	v9 =	vmul.f32 v19, v10  }
0x168: {  	v11 =	vld [tilespmem:s16+$0x0]  }
0x169: {  	s3 =	simm.s32 $0xF070;
	v16 =	vld [tilespmem:s0+$0x0];
	v12 =	vmul.f32 v15, v12;
	v10 =	vadd.f32 v8, v7;
	v9 =	vmul.f32 v33, v9  }
0x16a: {  	v8 =	vld [tilespmem:s3+$0xFFFFFFF0]  }
0x16b: {  	v17, _, _ =	vpop (xrf2);
	v7 =	vld [tilespmem:s3+$0xFFFFFFE0];
	v12 =	vmul.f32 v32, v12;
	v13 =	vmul.f32 v13, v18;
	v15 =	vadd.f32 v9, v10  }
0x16c: {  	v17 =	vbroadcast v17, $0xF;
	v18 =	vmov s29;
	v9 =	vld [tilespmem:s3+$0xFFFFFFD0]  }
0x16d: {  	v10 =	vld [tilespmem:s3+$0xFFFFFFC0];
	v13 =	vmul.f32 v31, v13;
	v14 =	vmul.f32 v11, v14;
	v15 =	vadd.f32 v12, v15  }
0x16e: {  	s15 =	simm.s32 $0x9070;
	vm0 =	veq.s32 v18, v0;
	v11 =	vld [tilespmem:s3+$0xFFFFFFB0]  }
0x16f: {  	v5 =	vsel vm0, v17, v5;
	v17 =	vld [tilespmem:s15+$0xFFFFFFA0];
	v16 =	vmul.f32 v16, v14;
	v15 =	vadd.f32 v13, v15  }
0x170: {  	s0 =	simm.s32 $0x3070;
	v12 =	vld [tilespmem:s3+$0xFFFFFF90]  }
0x171: {  	v14 =	vld [tilespmem:s0+$0xFFFFFF90];
	v18, _, _ =	vpop (xrf2);
	v63 =	vadd.f32 v16, v15  }
0x172: {  	v19 =	vmov s28;
	v13 =	vld [tilespmem:s0+$0xFFFFFFB0];
	v18 =	vbroadcast v18, $0xF  }
0x173: {  	s31 =	simm.s32 $0x0;
	s30 =	simm.s32 $0x1;
	vm15 =	veq.s32 v19, v0;
	v15 =	vld [tilespmem:s15+$0xFFFFFF90];
	(xrf2) =	vadd.scan.msk.f32 $0xffff, v63  }
0x174: {  	s28 =	simm.s32 $0x1;
	s16 =	simm.s32 $0x2;
	s29 =	simm.s32 $0x0;
	v16 =	vld [tilespmem:s0+$0xFFFFFFA0];
	v5 =	vsel vm15, v18, v5  }
.LBB2_11:
0x175: {  	p0 =	sne.s32 s16, $0xF;
	v18 =	vld [tilespmem:s15+$0xFFFFFFB0]  }
0x176: {  	v19 =	vld [tilespmem:s3+$0xFFFFFFA0]  }
0x177: {  	v20 =	vld [tilespmem:s0+$0xFFFFFFC0]  }
0x178: {  	v21 =	vld [tilespmem:s15+$0xFFFFFFC0]  }
0x179: {  	v14 =	vmul.f32 v15, v14;
	v15 =	vmul.f32 v17, v16;
	v16 =	vld [tilespmem:s0+$0xFFFFFFD0]  }
0x17a: {  	v13 =	vmul.f32 v18, v13;
	v17 =	vld [tilespmem:s15+$0xFFFFFFD0]  }
0x17b: {  	v12 =	vmul.f32 v12, v14;
	v14 =	vmul.f32 v19, v15;
	v15 =	vld [tilespmem:s0+$0xFFFFFFE0]  }
0x17c: {  	v19 =	vmov s31;
	s31 =	smov.u32 s30;
	s30 =	smov.u32 s16;
	v18 =	vld [tilespmem:s15+$0xFFFFFFE0]  }
0x17d: {  	v11 =	vmul.f32 v11, v13;
	v12 =	vadd.f32 v14, v12;
	v13 =	vmul.f32 v21, v20;
	v14 =	vld [tilespmem:s0+$0xFFFFFFF0];
	v20, _, _ =	vpop (xrf2)  }
0x17e: {  	vm0 =	veq.s32 v19, v0;
	v21 =	vld [tilespmem:s15+$0xFFFFFFF0];
	v19 =	vbroadcast v20, $0xF  }
0x17f: {  	v11 =	vadd.f32 v11, v12;
	v10 =	vmul.f32 v10, v13;
	v12 =	vmul.f32 v17, v16;
	v13 =	vld [tilespmem:s0+$0x0]  }
0x180: {  	v16 =	vld [tilespmem:s15+$0x0];
	v6 =	vsel vm0, v19, v6  }
0x181: {  	v10 =	vadd.f32 v10, v11;
	v9 =	vmul.f32 v9, v12;
	v11 =	vmul.f32 v18, v15;
	v15 =	vld [tilespmem:s3+$0x0];
	s3 =	sadd.s32 $0x280, s3  }
0x182: {  	v17 =	vld [tilespmem:s3+$0xFFFFFFF0]  }
0x183: {  	v12 =	vadd.f32 v9, v10;
	v11 =	vmul.f32 v7, v11;
	v7 =	vld [tilespmem:s3+$0xFFFFFFE0];
	v14 =	vmul.f32 v21, v14  }
0x184: {  	v9 =	vld [tilespmem:s3+$0xFFFFFFD0]  }
0x185: {  	v10 =	vld [tilespmem:s3+$0xFFFFFFC0];
	v18 =	vadd.f32 v11, v12;
	v14 =	vmul.f32 v8, v14;
	v13 =	vmul.f32 v16, v13  }
0x186: {  	v11 =	vld [tilespmem:s3+$0xFFFFFFB0]  }
0x187: {  	s0 =	sadd.s32 $0x280, s0;
	v12 =	vld [tilespmem:s3+$0xFFFFFF90];
	v16 =	vadd.f32 v14, v18;
	v15 =	vmul.f32 v15, v13;
	v8 =	vmov v17  }
.Ltmp4:
0x188: {  	v13 =	vld [tilespmem:s0+$0xFFFFFFB0];
	(pc) =	sbr.rel @p0 .LBB2_11-.Ltmp4, $4  }
0x189: {  	s15 =	sadd.s32 $0x280, s15;
	v14 =	vld [tilespmem:s0+$0xFFFFFF90];
	v17 =	vadd.f32 v15, v16  }
0x18a: {  	v15 =	vld [tilespmem:s15+$0xFFFFFF90]  }
0x18b: {  	v16 =	vld [tilespmem:s0+$0xFFFFFFA0];
	(xrf2) =	vadd.scan.msk.f32 $0xffff, v17  }
0x18c: {  	s16 =	sadd.s32 $0x1, s16;
	v17 =	vld [tilespmem:s15+$0xFFFFFFA0]  }
0x18d: {  	v18 =	vld [tilespmem:s15+$0xFFFFFFB0]  }
0x18e: {  	v19 =	vld [tilespmem:s3+$0xFFFFFFA0]  }
0x18f: {  	v20 =	vld [tilespmem:s0+$0xFFFFFFC0]  }
0x190: {  	v21 =	vld [tilespmem:s15+$0xFFFFFFC0]  }
0x191: {  	v22 =	vld [tilespmem:s0+$0xFFFFFFD0]  }
0x192: {  	v23 =	vld [tilespmem:s15+$0xFFFFFFD0]  }
0x193: {  	v24 =	vld [tilespmem:s0+$0xFFFFFFE0]  }
0x194: {  	v25 =	vld [tilespmem:s15+$0xFFFFFFE0]  }
0x195: {  	v26 =	vld [tilespmem:s0+$0xFFFFFFF0]  }
0x196: {  	v27 =	vld [tilespmem:s15+$0xFFFFFFF0]  }
0x197: {  	v28 =	vld [tilespmem:s0+$0x0]  }
0x198: {  	v29 =	vld [tilespmem:s15+$0x0]  }
0x199: {  	v30 =	vld [tilespmem:s3+$0x0];
	s0 =	simm.s32 $0xEE70  }
0x19a: {  	v31 =	vld [tilespmem:s0+$0xFFFFFFF0]  }
0x19b: {  	v32 =	vld [tilespmem:s0+$0xFFFFFFE0]  }
0x19c: {  	v33 =	vld [tilespmem:s0+$0xFFFFFFD0];
	v14 =	vmul.f32 v15, v14  }
0x19d: {  	s16 =	simm.s32 $0x8E70;
	v61 =	vld [tilespmem:s0+$0xFFFFFFA0];
	v15 =	vmul.f32 v17, v16  }
0x19e: {  	v62 =	vld [tilespmem:s16+$0xFFFFFFC0];
	v12 =	vmul.f32 v12, v14  }
0x19f: {  	v16 =	vld [tilespmem:s0+$0xFFFFFFC0];
	v13 =	vmul.f32 v18, v13;
	v14 =	vmul.f32 v19, v15  }
0x1a0: {  	v19 =	vld [tilespmem:s16+$0xFFFFFF90]  }
0x1a1: {  	s15 =	simm.s32 $0x2E70;
	v11 =	vmul.f32 v11, v13;
	v13 =	vmul.f32 v21, v20;
	v20 =	vld [tilespmem:s16+$0xFFFFFFA0];
	v12 =	vadd.f32 v14, v12  }
0x1a2: {  	v14 =	vld [tilespmem:s15+$0xFFFFFF90]  }
0x1a3: {  	v10 =	vmul.f32 v10, v13;
	v13 =	vld [tilespmem:s15+$0xFFFFFFA0];
	v11 =	vadd.f32 v11, v12;
	v12 =	vmul.f32 v23, v22  }
0x1a4: {  	v18 =	vld [tilespmem:s15+$0xFFFFFFB0]  }
0x1a5: {  	v15 =	vld [tilespmem:s0+$0xFFFFFF90];
	v10 =	vadd.f32 v10, v11;
	v9 =	vmul.f32 v9, v12;
	v11 =	vmul.f32 v25, v24  }
0x1a6: {  	v12 =	vld [tilespmem:s16+$0xFFFFFFB0]  }
0x1a7: {  	v9 =	vadd.f32 v9, v10;
	v7 =	vmul.f32 v7, v11;
	v10 =	vmul.f32 v27, v26;
	v11 =	vld [tilespmem:s15+$0xFFFFFFC0]  }
0x1a8: {  	v17 =	vld [tilespmem:s0+$0xFFFFFFB0];
	v14 =	vmul.f32 v19, v14;
	v13 =	vmul.f32 v20, v13  }
0x1a9: {  	v19 =	vld [tilespmem:s16+$0xFFFFFFD0];
	v7 =	vadd.f32 v7, v9;
	v8 =	vmul.f32 v8, v10;
	v9 =	vmul.f32 v29, v28  }
0x1aa: {  	v14 =	vmul.f32 v15, v14;
	v10 =	vld [tilespmem:s15+$0xFFFFFFD0];
	v13 =	vmul.f32 v61, v13  }
0x1ab: {  	v15 =	vld [tilespmem:s16+$0xFFFFFFE0];
	v7 =	vadd.f32 v8, v7;
	v8 =	vmul.f32 v30, v9;
	v9 =	vmul.f32 v12, v18  }
0x1ac: {  	v12 =	vld [tilespmem:s15+$0xFFFFFFE0];
	v11 =	vmul.f32 v62, v11  }
0x1ad: {  	v18 =	vld [tilespmem:s15+$0xFFFFFFF0];
	v7 =	vadd.f32 v8, v7;
	v8 =	vadd.f32 v13, v14;
	v9 =	vmul.f32 v17, v9  }
0x1ae: {  	v13 =	vld [tilespmem:s16+$0xFFFFFFF0]  }
0x1af: {  	v14 =	vld [tilespmem:s16+$0x0];
	v10 =	vmul.f32 v19, v10;
	(xrf2) =	vadd.scan.msk.f32 $0xffff, v7;
	v8 =	vadd.f32 v9, v8;
	v9 =	vmul.f32 v16, v11  }
0x1b0: {  	v7 =	vld [tilespmem:s15+$0x0]  }
0x1b1: {  	s3 =	simm.s32 $0xF0F0;
	v16 =	vld [tilespmem:s0+$0x0];
	v10 =	vmul.f32 v33, v10;
	v12 =	vmul.f32 v15, v12;
	v11 =	vadd.f32 v9, v8  }
0x1b2: {  	v9 =	vld [tilespmem:s3+$0xFFFFFFF0]  }
0x1b3: {  	v8 =	vld [tilespmem:s3+$0xFFFFFFE0];
	v12 =	vmul.f32 v32, v12;
	v13 =	vmul.f32 v13, v18;
	v15 =	vadd.f32 v10, v11  }
0x1b4: {  	v10 =	vld [tilespmem:s3+$0xFFFFFFD0]  }
0x1b5: {  	v11 =	vld [tilespmem:s3+$0xFFFFFFC0];
	v17 =	vmul.f32 v31, v13;
	v7 =	vmul.f32 v14, v7;
	v15 =	vadd.f32 v12, v15  }
0x1b6: {  	v19 =	vmov s31;
	s0 =	simm.s32 $0x30F0;
	v18, _, _ =	vpop (xrf2);
	v13 =	vld [tilespmem:s3+$0xFFFFFF90]  }
0x1b7: {  	v18 =	vbroadcast v18, $0xF;
	v14 =	vld [tilespmem:s0+$0xFFFFFFB0];
	v7 =	vmul.f32 v16, v7;
	v17 =	vadd.f32 v17, v15  }
0x1b8: {  	s31 =	simm.s32 $0x90F0;
	vm0 =	veq.s32 v19, v0;
	v12 =	vld [tilespmem:s3+$0xFFFFFFB0]  }
0x1b9: {  	v6 =	vsel vm0, v18, v6;
	v18 =	vld [tilespmem:s31+$0xFFFFFFA0];
	v16, _, _ =	vpop (xrf2);
	v63 =	vadd.f32 v7, v17  }
0x1ba: {  	v19 =	vmov s30;
	v15 =	vld [tilespmem:s0+$0xFFFFFF90];
	v20 =	vbroadcast v16, $0xF  }
0x1bb: {  	vm15 =	veq.s32 v19, v0;
	v17 =	vld [tilespmem:s0+$0xFFFFFFA0];
	(xrf2) =	vadd.scan.msk.f32 $0xffff, v63  }
0x1bc: {  	s15 =	simm.s32 $0x2;
	v7 =	vimm.f32 $0.0e+00;
	v16 =	vld [tilespmem:s31+$0xFFFFFF90];
	v6 =	vsel vm15, v20, v6  }
.LBB2_13:
0x1bd: {  	p0 =	sne.s32 s15, $0xF;
	v19 =	vld [tilespmem:s31+$0xFFFFFFB0]  }
0x1be: {  	v20 =	vld [tilespmem:s3+$0xFFFFFFA0]  }
0x1bf: {  	v21 =	vld [tilespmem:s0+$0xFFFFFFC0]  }
0x1c0: {  	v22 =	vld [tilespmem:s31+$0xFFFFFFC0]  }
0x1c1: {  	v15 =	vmul.f32 v16, v15;
	v16 =	vmul.f32 v18, v17;
	v17 =	vld [tilespmem:s0+$0xFFFFFFD0]  }
0x1c2: {  	v14 =	vmul.f32 v19, v14;
	v18 =	vld [tilespmem:s31+$0xFFFFFFD0]  }
0x1c3: {  	v13 =	vmul.f32 v13, v15;
	v15 =	vmul.f32 v20, v16;
	v16 =	vld [tilespmem:s0+$0xFFFFFFE0]  }
0x1c4: {  	v20 =	vmov s29;
	s29 =	smov.u32 s28;
	s28 =	smov.u32 s15;
	v19 =	vld [tilespmem:s31+$0xFFFFFFE0]  }
0x1c5: {  	v12 =	vmul.f32 v12, v14;
	v13 =	vadd.f32 v15, v13;
	v14 =	vmul.f32 v22, v21;
	v15 =	vld [tilespmem:s0+$0xFFFFFFF0];
	v21, _, _ =	vpop (xrf2)  }
0x1c6: {  	vm0 =	veq.s32 v20, v0;
	v22 =	vld [tilespmem:s31+$0xFFFFFFF0];
	v20 =	vbroadcast v21, $0xF  }
0x1c7: {  	v12 =	vadd.f32 v12, v13;
	v11 =	vmul.f32 v11, v14;
	v13 =	vmul.f32 v18, v17;
	v14 =	vld [tilespmem:s0+$0x0]  }
0x1c8: {  	v17 =	vld [tilespmem:s31+$0x0];
	v7 =	vsel vm0, v20, v7  }
0x1c9: {  	v11 =	vadd.f32 v11, v12;
	v10 =	vmul.f32 v10, v13;
	v12 =	vmul.f32 v19, v16;
	v16 =	vld [tilespmem:s3+$0x0];
	s3 =	sadd.s32 $0x280, s3  }
0x1ca: {  	v18 =	vld [tilespmem:s3+$0xFFFFFFF0]  }
0x1cb: {  	v13 =	vadd.f32 v10, v11;
	v12 =	vmul.f32 v8, v12;
	v8 =	vld [tilespmem:s3+$0xFFFFFFE0];
	v15 =	vmul.f32 v22, v15  }
0x1cc: {  	v10 =	vld [tilespmem:s3+$0xFFFFFFD0]  }
0x1cd: {  	v11 =	vld [tilespmem:s3+$0xFFFFFFC0];
	v19 =	vadd.f32 v12, v13;
	v15 =	vmul.f32 v9, v15;
	v14 =	vmul.f32 v17, v14  }
0x1ce: {  	v12 =	vld [tilespmem:s3+$0xFFFFFFB0]  }
0x1cf: {  	s0 =	sadd.s32 $0x280, s0;
	v13 =	vld [tilespmem:s3+$0xFFFFFF90];
	v17 =	vadd.f32 v15, v19;
	v16 =	vmul.f32 v16, v14;
	v9 =	vmov v18  }
.Ltmp5:
0x1d0: {  	v14 =	vld [tilespmem:s0+$0xFFFFFFB0];
	(pc) =	sbr.rel @p0 .LBB2_13-.Ltmp5, $4  }
0x1d1: {  	s31 =	sadd.s32 $0x280, s31;
	v15 =	vld [tilespmem:s0+$0xFFFFFF90];
	v18 =	vadd.f32 v16, v17  }
0x1d2: {  	v16 =	vld [tilespmem:s31+$0xFFFFFF90]  }
0x1d3: {  	v17 =	vld [tilespmem:s0+$0xFFFFFFA0];
	(xrf2) =	vadd.scan.msk.f32 $0xffff, v18  }
0x1d4: {  	s15 =	sadd.s32 $0x1, s15;
	v18 =	vld [tilespmem:s31+$0xFFFFFFA0]  }
0x1d5: {  	v19 =	vld [tilespmem:s31+$0xFFFFFFB0]  }
0x1d6: {  	v20 =	vld [tilespmem:s3+$0xFFFFFFA0]  }
0x1d7: {  	v21 =	vld [tilespmem:s0+$0xFFFFFFC0]  }
0x1d8: {  	v22 =	vld [tilespmem:s31+$0xFFFFFFC0];
	v15 =	vmul.f32 v16, v15  }
0x1d9: {  	v39 =	vld [tilespmem:s0+$0xFFFFFFD0];
	v38 =	vmul.f32 v18, v17  }
0x1da: {  	v40 =	vld [tilespmem:s31+$0xFFFFFFD0];
	v13 =	vmul.f32 v13, v15  }
0x1db: {  	v41 =	vld [tilespmem:s0+$0xFFFFFFE0];
	v14 =	vmul.f32 v19, v14;
	v15 =	vmul.f32 v20, v38  }
0x1dc: {  	v42 =	vld [tilespmem:s31+$0xFFFFFFE0]  }
0x1dd: {  	v43 =	vld [tilespmem:s31+$0xFFFFFFF0];
	v12 =	vmul.f32 v12, v14;
	v14 =	vmul.f32 v22, v21;
	v13 =	vadd.f32 v15, v13  }
0x1de: {  	v15 =	vld [tilespmem:s0+$0xFFFFFFF0]  }
0x1df: {  	v44 =	vld [tilespmem:s31+$0x0];
	v11 =	vmul.f32 v11, v14;
	v12 =	vadd.f32 v12, v13;
	v13 =	vmul.f32 v40, v39  }
0x1e0: {  	v14 =	vld [tilespmem:s0+$0x0]  }
0x1e1: {  	v11 =	vadd.f32 v11, v12;
	v10 =	vmul.f32 v10, v13;
	v12 =	vmul.f32 v42, v41  }
0x1e2: {  	v13 =	vld [tilespmem:s3+$0x0]  }
0x1e3: {  	v10 =	vadd.f32 v10, v11;
	v8 =	vmul.f32 v8, v12;
	v11 =	vmul.f32 v43, v15;
	_ =	sdelay $0x1  }
0x1e4: {  	v8 =	vadd.f32 v8, v10;
	v9 =	vmul.f32 v9, v11;
	v10 =	vmul.f32 v44, v14;
	_ =	sdelay $0x1  }
0x1e5: {  	v8 =	vadd.f32 v9, v8;
	v9 =	vmul.f32 v13, v10;
	_ =	sdelay $0x1  }
0x1e6: {  	v8 =	vadd.f32 v9, v8;
	_ =	sdelay $0x1  }
0x1e7: {  	(xrf2) =	vadd.scan.msk.f32 $0xffff, v8;
	_ =	sdelay $0x3  }
0x1e8: {  	p0 =	seq.s32 s25, $0xF  }
0x1e9: {  	s15 =	simm.s32 @!p0 $0x2400;
	s0 =	sadd.s32 @!p0 $0xC0, s26;
	s3 =	simm.s32 @!p0 $0x60  }
0x1ea: {  	[tilespmem:s15], [sflag:$0x1] =	stream.indirect.gather @!p0 [hbm4b:s1+s3], $0x80, s0, s3, $0xb8;
	[tilespmem:$0x14480] =	vst v63  }
0x1eb: {  	s0 =	sadd.s32 @!p0 $0xCC0, s26;
	s15 =	simm.s32 @!p0 $0x8400  }
0x1ec: {  	[tilespmem:s15], [sflag:$0x1] =	stream.indirect.gather @!p0 [hbm4b:s4+s3], $0x80, s0, s3, $0xb8;
	[tilespmem:$0x14480] =	vst v63  }
0x1ed: {  	s0 =	sadd.s32 @!p0 $0x18C0, s26;
	s15 =	simm.s32 @!p0 $0xE400;
	v8, _, _ =	vpop (xrf2)  }
0x1ee: {  	[tilespmem:s15], [sflag:$0x1] =	stream.indirect.gather @!p0 [hbm4b:s2+s3], $0x80, s0, s3, $0xb8;
	v9, _, _ =	vpop (xrf2);
	[tilespmem:$0x14480] =	vst v63  }
0x1ef: {  	_ =	swait.ge [sflag:s21], $0x3000  }
0x1f0: {  	[sflag:s21] =	ssyncset.done $0x0  }
0x1f1: {  	[sflag:s21] =	ssyncadd.s32 $0xFFFFD000  }
0x1f2: {  	_ =	swait.ge [sflag:s21], $0x3000  }
0x1f3: {  	[sflag:s21] =	ssyncset.done $0x0  }
0x1f4: {  	[sflag:s21] =	ssyncadd.s32 $0xFFFFD000  }
0x1f5: {  	_ =	swait.ge [sflag:s21], $0x3000  }
0x1f6: {  	[sflag:s21] =	ssyncset.done $0x0  }
0x1f7: {  	s16 =	simm.s32 $0x11470;
	[sflag:s21] =	ssyncadd.s32 $0xFFFFD000  }
0x1f8: {  	v10 =	vld [tilespmem:s16+$0xFFFFFFF0]  }
0x1f9: {  	v11 =	vld [tilespmem:s16+$0xFFFFFFE0]  }
0x1fa: {  	v12 =	vld [tilespmem:s16+$0xFFFFFFD0]  }
0x1fb: {  	v13 =	vld [tilespmem:s16+$0xFFFFFFC0]  }
0x1fc: {  	v14 =	vld [tilespmem:s16+$0xFFFFFFB0]  }
0x1fd: {  	s26 =	simm.s32 $0x5470;
	v15 =	vld [tilespmem:s16+$0xFFFFFF90]  }
0x1fe: {  	v45 =	vld [tilespmem:s26+$0xFFFFFFB0]  }
0x1ff: {  	s31 =	simm.s32 $0xB470;
	v46 =	vld [tilespmem:s26+$0xFFFFFF90]  }
0x200: {  	v47 =	vld [tilespmem:s31+$0xFFFFFF90]  }
0x201: {  	v48 =	vld [tilespmem:s26+$0xFFFFFFA0]  }
0x202: {  	v49 =	vld [tilespmem:s31+$0xFFFFFFA0]  }
0x203: {  	v50 =	vld [tilespmem:s31+$0xFFFFFFB0]  }
0x204: {  	v51 =	vld [tilespmem:s16+$0xFFFFFFA0]  }
0x205: {  	v23 =	vld [tilespmem:s26+$0xFFFFFFC0]  }
0x206: {  	v24 =	vld [tilespmem:s31+$0xFFFFFFC0]  }
0x207: {  	v25 =	vld [tilespmem:s26+$0xFFFFFFD0];
	v17 =	vmul.f32 v47, v46;
	v52 =	vmul.f32 v49, v48  }
0x208: {  	v2 =	vsub.f32 $1.000000000e+00, v2;
	v53 =	vld [tilespmem:s31+$0xFFFFFFD0];
	v16 =	vmul.f32 v50, v45  }
0x209: {  	v55 =	vmov s29;
	v54 =	vld [tilespmem:s26+$0xFFFFFFE0];
	v15 =	vmul.f32 v15, v17;
	v18 =	vmul.f32 v51, v52  }
0x20a: {  	vm0 =	veq.s32 v55, v0;
	v3 =	vadd.f32 v3, v2;
	v8 =	vbroadcast v8, $0xF;
	v56 =	vld [tilespmem:s31+$0xFFFFFFE0]  }
0x20b: {  	v57 =	vld [tilespmem:s26+$0xFFFFFFF0];
	v58 =	vmul.f32 v24, v23;
	v14 =	vmul.f32 v14, v16;
	v15 =	vadd.f32 v18, v15  }
0x20c: {  	v62 =	vadd.f32 v4, v2;
	v3 =	vmax.f32 v3, $0.0e+00;
	v60 =	vsel vm0, v8, v7;
	v59 =	vld [tilespmem:s31+$0xFFFFFFF0]  }
0x20d: {  	v61 =	vld [tilespmem:s26+$0x0];
	v8 =	vmul.f32 v13, v58;
	v13 =	vmul.f32 v53, v25;
	v7 =	vadd.f32 v14, v15  }
0x20e: {  	v1 =	vadd.f32 v3, v1;
	v3 =	vmax.f32 v62, $0.0e+00;
	v14 =	vld [tilespmem:s31+$0x0]  }
0x20f: {  	s3 =	simm.s32 $0x114F0;
	v63 =	vld [tilespmem:s16+$0x0];
	v12 =	vmul.f32 v12, v13;
	v13 =	vmul.f32 v56, v54;
	v8 =	vadd.f32 v8, v7  }
0x210: {  	v1 =	vadd.f32 v3, v1;
	v3 =	vadd.f32 v5, v2;
	v4 =	vld [tilespmem:s3+$0xFFFFFFF0];
	v15 =	vmov s28  }
0x211: {  	v5 =	vld [tilespmem:s3+$0xFFFFFFC0];
	v11 =	vmul.f32 v11, v13;
	v13 =	vmul.f32 v59, v57;
	v12 =	vadd.f32 v12, v8  }
0x212: {  	v3 =	vmax.f32 v3, $0.0e+00;
	vm15 =	veq.s32 v15, v0;
	v15 =	vbroadcast v9, $0xF;
	v9 =	vld [tilespmem:s3+$0xFFFFFFB0]  }
0x213: {  	v7 =	vld [tilespmem:s3+$0xFFFFFFE0];
	v10 =	vmul.f32 v10, v13;
	v11 =	vadd.f32 v11, v12;
	v12 =	vmul.f32 v14, v61  }
0x214: {  	v1 =	vadd.f32 v3, v1;
	v8 =	vld [tilespmem:s3+$0xFFFFFFD0];
	v14 =	vadd.f32 v6, v2  }
0x215: {  	s0 =	simm.s32 $0x54F0;
	v13 =	vsel vm15, v15, v60;
	v6 =	vld [tilespmem:s3+$0xFFFFFF90];
	v3 =	vadd.f32 v10, v11;
	v12 =	vmul.f32 v63, v12  }
0x216: {  	v2 =	vadd.f32 v13, v2;
	v13 =	vld [tilespmem:s0+$0xFFFFFFA0];
	v14 =	vmax.f32 v14, $0.0e+00  }
0x217: {  	v10 =	vld [tilespmem:s0+$0xFFFFFFB0];
	v1 =	vadd.f32 v14, v1;
	v14 =	vadd.f32 v12, v3  }
0x218: {  	s15 =	simm.s32 $0xB4F0;
	v11 =	vld [tilespmem:s0+$0xFFFFFF90]  }
0x219: {  	s30 =	simm.s32 $0x0;
	s29 =	simm.s32 $0x1;
	v2 =	vmax.f32 v2, $0.0e+00;
	v12 =	vld [tilespmem:s15+$0xFFFFFF90];
	(xrf2) =	vadd.scan.msk.f32 $0xffff, v14  }
0x21a: {  	s26 =	simm.s32 $0x1;
	s16 =	simm.s32 $0x2;
	s28 =	simm.s32 $0x0;
	v3 =	vimm.f32 $0.0e+00;
	v1 =	vadd.f32 v2, v1;
	v2 =	vimm.f32 $0.0e+00;
	v14 =	vld [tilespmem:s15+$0xFFFFFFA0]  }
.LBB2_15:
0x21b: {  	p0 =	sne.s32 s16, $0xF;
	v15 =	vld [tilespmem:s15+$0xFFFFFFB0]  }
0x21c: {  	v16 =	vld [tilespmem:s3+$0xFFFFFFA0]  }
0x21d: {  	v17 =	vld [tilespmem:s0+$0xFFFFFFC0]  }
0x21e: {  	v18 =	vld [tilespmem:s15+$0xFFFFFFC0]  }
0x21f: {  	v11 =	vmul.f32 v12, v11;
	v12 =	vmul.f32 v14, v13;
	v13 =	vld [tilespmem:s0+$0xFFFFFFD0]  }
0x220: {  	v10 =	vmul.f32 v15, v10;
	v14 =	vld [tilespmem:s15+$0xFFFFFFD0]  }
0x221: {  	v6 =	vmul.f32 v6, v11;
	v11 =	vmul.f32 v16, v12;
	v12 =	vld [tilespmem:s0+$0xFFFFFFE0]  }
0x222: {  	v16 =	vmov s30;
	s30 =	smov.u32 s29;
	s29 =	smov.u32 s16;
	v15 =	vld [tilespmem:s15+$0xFFFFFFE0]  }
0x223: {  	v9 =	vmul.f32 v9, v10;
	v6 =	vadd.f32 v11, v6;
	v10 =	vmul.f32 v18, v17;
	v11 =	vld [tilespmem:s0+$0xFFFFFFF0];
	v17, _, _ =	vpop (xrf2)  }
0x224: {  	vm0 =	veq.s32 v16, v0;
	v18 =	vld [tilespmem:s15+$0xFFFFFFF0];
	v16 =	vbroadcast v17, $0xF  }
0x225: {  	v6 =	vadd.f32 v9, v6;
	v5 =	vmul.f32 v5, v10;
	v9 =	vmul.f32 v14, v13;
	v10 =	vld [tilespmem:s0+$0x0]  }
0x226: {  	v13 =	vld [tilespmem:s15+$0x0];
	v2 =	vsel vm0, v16, v2  }
0x227: {  	v5 =	vadd.f32 v5, v6;
	v6 =	vmul.f32 v8, v9;
	v8 =	vmul.f32 v15, v12;
	v12 =	vld [tilespmem:s3+$0x0];
	s3 =	sadd.s32 $0x80, s3  }
0x228: {  	v14 =	vld [tilespmem:s3+$0xFFFFFFF0]  }
0x229: {  	v6 =	vadd.f32 v6, v5;
	v9 =	vmul.f32 v7, v8;
	v7 =	vld [tilespmem:s3+$0xFFFFFFE0];
	v11 =	vmul.f32 v18, v11  }
0x22a: {  	v8 =	vld [tilespmem:s3+$0xFFFFFFD0]  }
0x22b: {  	v5 =	vld [tilespmem:s3+$0xFFFFFFC0];
	v15 =	vadd.f32 v9, v6;
	v11 =	vmul.f32 v4, v11;
	v10 =	vmul.f32 v13, v10  }
0x22c: {  	v9 =	vld [tilespmem:s3+$0xFFFFFFB0]  }
0x22d: {  	s0 =	sadd.s32 $0x80, s0;
	v6 =	vld [tilespmem:s3+$0xFFFFFF90];
	v13 =	vadd.f32 v11, v15;
	v12 =	vmul.f32 v12, v10;
	v4 =	vmov v14  }
.Ltmp6:
0x22e: {  	v10 =	vld [tilespmem:s0+$0xFFFFFFB0];
	(pc) =	sbr.rel @p0 .LBB2_15-.Ltmp6, $4  }
0x22f: {  	s15 =	sadd.s32 $0x80, s15;
	v11 =	vld [tilespmem:s0+$0xFFFFFF90];
	v14 =	vadd.f32 v12, v13  }
0x230: {  	v12 =	vld [tilespmem:s15+$0xFFFFFF90]  }
0x231: {  	v13 =	vld [tilespmem:s0+$0xFFFFFFA0];
	(xrf2) =	vadd.scan.msk.f32 $0xffff, v14  }
0x232: {  	s16 =	sadd.s32 $0x1, s16;
	v14 =	vld [tilespmem:s15+$0xFFFFFFA0]  }
0x233: {  	v15 =	vld [tilespmem:s15+$0xFFFFFFB0]  }
0x234: {  	v16 =	vld [tilespmem:s3+$0xFFFFFFA0]  }
0x235: {  	v17 =	vld [tilespmem:s0+$0xFFFFFFC0]  }
0x236: {  	v18 =	vld [tilespmem:s15+$0xFFFFFFC0]  }
0x237: {  	v19 =	vld [tilespmem:s0+$0xFFFFFFD0]  }
0x238: {  	v20 =	vld [tilespmem:s15+$0xFFFFFFD0]  }
0x239: {  	v21 =	vld [tilespmem:s0+$0xFFFFFFE0]  }
0x23a: {  	v22 =	vld [tilespmem:s15+$0xFFFFFFE0]  }
0x23b: {  	v23 =	vld [tilespmem:s0+$0xFFFFFFF0]  }
0x23c: {  	v24 =	vld [tilespmem:s15+$0xFFFFFFF0]  }
0x23d: {  	v25 =	vld [tilespmem:s0+$0x0]  }
0x23e: {  	v26 =	vld [tilespmem:s15+$0x0]  }
0x23f: {  	v27 =	vld [tilespmem:s3+$0x0];
	s0 =	simm.s32 $0x11C70  }
0x240: {  	v28 =	vld [tilespmem:s0+$0xFFFFFFF0]  }
0x241: {  	v29 =	vld [tilespmem:s0+$0xFFFFFFE0]  }
0x242: {  	s31 =	simm.s32 $0xBC70;
	v30 =	vld [tilespmem:s0+$0xFFFFFFD0];
	v11 =	vmul.f32 v12, v11  }
0x243: {  	v57 =	vld [tilespmem:s31+$0xFFFFFF90];
	v12 =	vmul.f32 v14, v13  }
0x244: {  	v58 =	vld [tilespmem:s31+$0xFFFFFFA0];
	v6 =	vmul.f32 v6, v11  }
0x245: {  	v59 =	vld [tilespmem:s0+$0xFFFFFFA0];
	v10 =	vmul.f32 v15, v10;
	v11 =	vmul.f32 v16, v12  }
0x246: {  	v60 =	vld [tilespmem:s31+$0xFFFFFFC0]  }
0x247: {  	s16 =	simm.s32 $0x5C70;
	v61 =	vld [tilespmem:s31+$0xFFFFFFD0];
	v9 =	vmul.f32 v9, v10;
	v10 =	vmul.f32 v18, v17;
	v6 =	vadd.f32 v11, v6  }
0x248: {  	v11 =	vld [tilespmem:s16+$0xFFFFFF90]  }
0x249: {  	v5 =	vmul.f32 v5, v10;
	v10 =	vld [tilespmem:s16+$0xFFFFFFA0];
	v6 =	vadd.f32 v9, v6;
	v9 =	vmul.f32 v20, v19  }
0x24a: {  	v15 =	vld [tilespmem:s16+$0xFFFFFFB0]  }
0x24b: {  	v12 =	vld [tilespmem:s0+$0xFFFFFF90];
	v5 =	vadd.f32 v5, v6;
	v6 =	vmul.f32 v8, v9;
	v8 =	vmul.f32 v22, v21  }
0x24c: {  	v9 =	vld [tilespmem:s31+$0xFFFFFFB0]  }
0x24d: {  	v5 =	vadd.f32 v6, v5;
	v6 =	vmul.f32 v7, v8;
	v7 =	vmul.f32 v24, v23;
	v8 =	vld [tilespmem:s16+$0xFFFFFFC0]  }
0x24e: {  	v14 =	vld [tilespmem:s0+$0xFFFFFFB0];
	v11 =	vmul.f32 v57, v11;
	v10 =	vmul.f32 v58, v10  }
0x24f: {  	v13 =	vld [tilespmem:s0+$0xFFFFFFC0];
	v5 =	vadd.f32 v6, v5;
	v4 =	vmul.f32 v4, v7;
	v6 =	vmul.f32 v26, v25  }
0x250: {  	v11 =	vmul.f32 v12, v11;
	v7 =	vld [tilespmem:s16+$0xFFFFFFD0];
	v10 =	vmul.f32 v59, v10  }
0x251: {  	v12 =	vld [tilespmem:s31+$0xFFFFFFE0];
	v4 =	vadd.f32 v4, v5;
	v5 =	vmul.f32 v27, v6;
	v6 =	vmul.f32 v9, v15  }
0x252: {  	v9 =	vld [tilespmem:s16+$0xFFFFFFE0];
	v8 =	vmul.f32 v60, v8  }
0x253: {  	v15 =	vld [tilespmem:s16+$0xFFFFFFF0];
	v4 =	vadd.f32 v5, v4;
	v5 =	vadd.f32 v10, v11;
	v6 =	vmul.f32 v14, v6  }
0x254: {  	v10 =	vld [tilespmem:s31+$0xFFFFFFF0]  }
0x255: {  	v11 =	vld [tilespmem:s16+$0x0];
	(xrf2) =	vadd.scan.msk.f32 $0xffff, v4;
	v4 =	vadd.f32 v6, v5;
	v5 =	vmul.f32 v13, v8;
	v6 =	vmul.f32 v61, v7  }
0x256: {  	v8 =	vld [tilespmem:s31+$0x0]  }
0x257: {  	s3 =	simm.s32 $0x11EF0;
	v13 =	vld [tilespmem:s0+$0x0];
	v9 =	vmul.f32 v12, v9;
	v7 =	vadd.f32 v5, v4;
	v6 =	vmul.f32 v30, v6  }
0x258: {  	v5 =	vld [tilespmem:s3+$0xFFFFFFF0]  }
0x259: {  	v14, _, _ =	vpop (xrf2);
	v4 =	vld [tilespmem:s3+$0xFFFFFFE0];
	v9 =	vmul.f32 v29, v9;
	v10 =	vmul.f32 v10, v15;
	v12 =	vadd.f32 v6, v7  }
0x25a: {  	v14 =	vbroadcast v14, $0xF;
	v15 =	vmov s30;
	v6 =	vld [tilespmem:s3+$0xFFFFFFD0]  }
0x25b: {  	v7 =	vld [tilespmem:s3+$0xFFFFFFC0];
	v10 =	vmul.f32 v28, v10;
	v11 =	vmul.f32 v8, v11;
	v12 =	vadd.f32 v9, v12  }
0x25c: {  	s15 =	simm.s32 $0xBEF0;
	vm0 =	veq.s32 v15, v0;
	v8 =	vld [tilespmem:s3+$0xFFFFFFB0]  }
0x25d: {  	v2 =	vsel vm0, v14, v2;
	v14 =	vld [tilespmem:s15+$0xFFFFFFA0];
	v13 =	vmul.f32 v13, v11;
	v12 =	vadd.f32 v10, v12  }
0x25e: {  	s0 =	simm.s32 $0x5EF0;
	v9 =	vld [tilespmem:s3+$0xFFFFFF90]  }
0x25f: {  	v11 =	vld [tilespmem:s0+$0xFFFFFF90];
	v15, _, _ =	vpop (xrf2);
	v63 =	vadd.f32 v13, v12  }
0x260: {  	v62 =	vmov s29;
	v10 =	vld [tilespmem:s0+$0xFFFFFFB0];
	v15 =	vbroadcast v15, $0xF  }
0x261: {  	vm15 =	veq.s32 v62, v0;
	v12 =	vld [tilespmem:s15+$0xFFFFFF90];
	(xrf2) =	vadd.scan.msk.f32 $0xffff, v63  }
0x262: {  	s16 =	simm.s32 $0x2;
	v13 =	vld [tilespmem:s0+$0xFFFFFFA0];
	v2 =	vsel vm15, v15, v2  }
.LBB2_17:
0x263: {  	p0 =	sne.s32 s16, $0xF;
	v15 =	vld [tilespmem:s15+$0xFFFFFFB0]  }
0x264: {  	v16 =	vld [tilespmem:s3+$0xFFFFFFA0]  }
0x265: {  	v17 =	vld [tilespmem:s0+$0xFFFFFFC0]  }
0x266: {  	v18 =	vld [tilespmem:s15+$0xFFFFFFC0]  }
0x267: {  	v11 =	vmul.f32 v12, v11;
	v12 =	vmul.f32 v14, v13;
	v13 =	vld [tilespmem:s0+$0xFFFFFFD0]  }
0x268: {  	v10 =	vmul.f32 v15, v10;
	v14 =	vld [tilespmem:s15+$0xFFFFFFD0]  }
0x269: {  	v9 =	vmul.f32 v9, v11;
	v11 =	vmul.f32 v16, v12;
	v12 =	vld [tilespmem:s0+$0xFFFFFFE0]  }
0x26a: {  	v16 =	vmov s28;
	s28 =	smov.u32 s26;
	s26 =	smov.u32 s16;
	v15 =	vld [tilespmem:s15+$0xFFFFFFE0]  }
0x26b: {  	v8 =	vmul.f32 v8, v10;
	v9 =	vadd.f32 v11, v9;
	v10 =	vmul.f32 v18, v17;
	v11 =	vld [tilespmem:s0+$0xFFFFFFF0];
	v17, _, _ =	vpop (xrf2)  }
0x26c: {  	vm0 =	veq.s32 v16, v0;
	v18 =	vld [tilespmem:s15+$0xFFFFFFF0];
	v16 =	vbroadcast v17, $0xF  }
0x26d: {  	v8 =	vadd.f32 v8, v9;
	v7 =	vmul.f32 v7, v10;
	v9 =	vmul.f32 v14, v13;
	v10 =	vld [tilespmem:s0+$0x0]  }
0x26e: {  	v13 =	vld [tilespmem:s15+$0x0];
	v3 =	vsel vm0, v16, v3  }
0x26f: {  	v7 =	vadd.f32 v7, v8;
	v6 =	vmul.f32 v6, v9;
	v8 =	vmul.f32 v15, v12;
	v12 =	vld [tilespmem:s3+$0x0];
	s3 =	sadd.s32 $0x280, s3  }
0x270: {  	v14 =	vld [tilespmem:s3+$0xFFFFFFF0]  }
0x271: {  	v9 =	vadd.f32 v6, v7;
	v8 =	vmul.f32 v4, v8;
	v4 =	vld [tilespmem:s3+$0xFFFFFFE0];
	v11 =	vmul.f32 v18, v11  }
0x272: {  	v6 =	vld [tilespmem:s3+$0xFFFFFFD0]  }
0x273: {  	v7 =	vld [tilespmem:s3+$0xFFFFFFC0];
	v15 =	vadd.f32 v8, v9;
	v11 =	vmul.f32 v5, v11;
	v10 =	vmul.f32 v13, v10  }
0x274: {  	v8 =	vld [tilespmem:s3+$0xFFFFFFB0]  }
0x275: {  	s0 =	sadd.s32 $0x280, s0;
	v9 =	vld [tilespmem:s3+$0xFFFFFF90];
	v13 =	vadd.f32 v11, v15;
	v12 =	vmul.f32 v12, v10;
	v5 =	vmov v14  }
.Ltmp7:
0x276: {  	v10 =	vld [tilespmem:s0+$0xFFFFFFB0];
	(pc) =	sbr.rel @p0 .LBB2_17-.Ltmp7, $4  }
0x277: {  	s15 =	sadd.s32 $0x280, s15;
	v11 =	vld [tilespmem:s0+$0xFFFFFF90];
	v14 =	vadd.f32 v12, v13  }
0x278: {  	v12 =	vld [tilespmem:s15+$0xFFFFFF90]  }
0x279: {  	v13 =	vld [tilespmem:s0+$0xFFFFFFA0];
	(xrf2) =	vadd.scan.msk.f32 $0xffff, v14  }
0x27a: {  	s16 =	sadd.s32 $0x1, s16;
	v14 =	vld [tilespmem:s15+$0xFFFFFFA0]  }
0x27b: {  	v15 =	vld [tilespmem:s15+$0xFFFFFFB0]  }
0x27c: {  	v16 =	vld [tilespmem:s3+$0xFFFFFFA0]  }
0x27d: {  	v17 =	vld [tilespmem:s0+$0xFFFFFFC0]  }
0x27e: {  	v18 =	vld [tilespmem:s15+$0xFFFFFFC0]  }
0x27f: {  	v19 =	vld [tilespmem:s0+$0xFFFFFFD0]  }
0x280: {  	v20 =	vld [tilespmem:s15+$0xFFFFFFD0]  }
0x281: {  	v21 =	vld [tilespmem:s0+$0xFFFFFFE0]  }
0x282: {  	v22 =	vld [tilespmem:s15+$0xFFFFFFE0]  }
0x283: {  	v23 =	vld [tilespmem:s0+$0xFFFFFFF0]  }
0x284: {  	v24 =	vld [tilespmem:s15+$0xFFFFFFF0]  }
0x285: {  	v25 =	vld [tilespmem:s0+$0x0]  }
0x286: {  	v26 =	vld [tilespmem:s15+$0x0]  }
0x287: {  	v27 =	vld [tilespmem:s3+$0x0];
	s0 =	simm.s32 $0x11CF0  }
0x288: {  	v28 =	vld [tilespmem:s0+$0xFFFFFFF0]  }
0x289: {  	v29 =	vld [tilespmem:s0+$0xFFFFFFE0]  }
0x28a: {  	v30 =	vld [tilespmem:s0+$0xFFFFFFD0];
	v11 =	vmul.f32 v12, v11  }
0x28b: {  	v12 =	vmul.f32 v14, v13;
	v13 =	vld [tilespmem:s0+$0xFFFFFFC0]  }
0x28c: {  	s15 =	simm.s32 $0x5CF0;
	v14 =	vld [tilespmem:s0+$0xFFFFFFB0];
	v9 =	vmul.f32 v9, v11  }
0x28d: {  	s16 =	simm.s32 $0xBCF0;
	v10 =	vmul.f32 v15, v10;
	v15 =	vld [tilespmem:s15+$0xFFFFFFB0];
	v11 =	vmul.f32 v16, v12  }
0x28e: {  	v16 =	vld [tilespmem:s16+$0xFFFFFF90]  }
0x28f: {  	v8 =	vmul.f32 v8, v10;
	v10 =	vmul.f32 v18, v17;
	v17 =	vld [tilespmem:s16+$0xFFFFFFA0];
	v9 =	vadd.f32 v11, v9  }
0x290: {  	v11 =	vld [tilespmem:s15+$0xFFFFFF90]  }
0x291: {  	v7 =	vmul.f32 v7, v10;
	v10 =	vld [tilespmem:s15+$0xFFFFFFA0];
	v8 =	vadd.f32 v8, v9;
	v9 =	vmul.f32 v20, v19  }
0x292: {  	v12 =	vld [tilespmem:s0+$0xFFFFFF90]  }
0x293: {  	v18 =	vld [tilespmem:s0+$0xFFFFFFA0];
	v7 =	vadd.f32 v7, v8;
	v6 =	vmul.f32 v6, v9;
	v8 =	vmul.f32 v22, v21  }
0x294: {  	v9 =	vld [tilespmem:s16+$0xFFFFFFB0]  }
0x295: {  	v19 =	vld [tilespmem:s16+$0xFFFFFFC0];
	v6 =	vadd.f32 v6, v7;
	v4 =	vmul.f32 v4, v8;
	v7 =	vmul.f32 v24, v23  }
0x296: {  	v11 =	vmul.f32 v16, v11;
	v8 =	vld [tilespmem:s15+$0xFFFFFFC0];
	v10 =	vmul.f32 v17, v10  }
0x297: {  	v16 =	vld [tilespmem:s16+$0xFFFFFFD0];
	v4 =	vadd.f32 v4, v6;
	v5 =	vmul.f32 v5, v7;
	v6 =	vmul.f32 v26, v25  }
0x298: {  	v11 =	vmul.f32 v12, v11;
	v7 =	vld [tilespmem:s15+$0xFFFFFFD0];
	v10 =	vmul.f32 v18, v10  }
0x299: {  	v12 =	vld [tilespmem:s16+$0xFFFFFFE0];
	v4 =	vadd.f32 v5, v4;
	v5 =	vmul.f32 v27, v6;
	v6 =	vmul.f32 v9, v15  }
0x29a: {  	v9 =	vld [tilespmem:s15+$0xFFFFFFE0];
	v10 =	vadd.f32 v10, v11  }
0x29b: {  	v11 =	vld [tilespmem:s16+$0xFFFFFFF0];
	v8 =	vmul.f32 v19, v8;
	v4 =	vadd.f32 v5, v4;
	v6 =	vmul.f32 v14, v6  }
0x29c: {  	v5 =	vld [tilespmem:s15+$0xFFFFFFF0]  }
0x29d: {  	v8 =	vmul.f32 v13, v8;
	v7 =	vmul.f32 v16, v7;
	(xrf2) =	vadd.scan.msk.f32 $0xffff, v4;
	v4 =	vld [tilespmem:s15+$0x0];
	v6 =	vadd.f32 v6, v10  }
0x29e: {  	v16 =	vmov s26;
	v10 =	vld [tilespmem:s16+$0x0]  }
0x29f: {  	s31 =	simm.s32 $0xBF70;
	v13 =	vld [tilespmem:s0+$0x0];
	v14 =	vmul.f32 v30, v7;
	v9 =	vmul.f32 v12, v9;
	v8 =	vadd.f32 v8, v6  }
0x2a0: {  	s3 =	simm.s32 $0x11F70;
	vm15 =	veq.s32 v16, v0;
	v16 =	vld [tilespmem:s31+$0xFFFFFFA0]  }
0x2a1: {  	v7 =	vld [tilespmem:s3+$0xFFFFFFF0];
	v5 =	vmul.f32 v11, v5;
	v12 =	vadd.f32 v14, v8;
	v14 =	vmul.f32 v29, v9  }
0x2a2: {  	v6 =	vld [tilespmem:s3+$0xFFFFFFE0]  }
0x2a3: {  	v11 =	vld [tilespmem:s3+$0xFFFFFF90];
	v5 =	vmul.f32 v28, v5;
	v4 =	vmul.f32 v10, v4;
	v12 =	vadd.f32 v14, v12  }
0x2a4: {  	v8 =	vld [tilespmem:s3+$0xFFFFFFD0]  }
0x2a5: {  	v9 =	vld [tilespmem:s3+$0xFFFFFFC0];
	v4 =	vmul.f32 v13, v4;
	v5 =	vadd.f32 v5, v12  }
0x2a6: {  	v15 =	vmov s28;
	s0 =	simm.s32 $0x5F70;
	v10 =	vld [tilespmem:s3+$0xFFFFFFB0];
	v14, _, _ =	vpop (xrf2)  }
0x2a7: {  	vm0 =	veq.s32 v15, v0;
	v13 =	vld [tilespmem:s0+$0xFFFFFF90];
	v15 =	vbroadcast v14, $0xF;
	v14, _, _ =	vpop (xrf2);
	v4 =	vadd.f32 v4, v5  }
0x2a8: {  	v12 =	vld [tilespmem:s0+$0xFFFFFFB0];
	v17 =	vbroadcast v14, $0xF  }
0x2a9: {  	s30 =	simm.s32 $0x0;
	s29 =	simm.s32 $0x1;
	v14 =	vld [tilespmem:s31+$0xFFFFFF90];
	v3 =	vsel vm0, v15, v3;
	(xrf2) =	vadd.scan.msk.f32 $0xffff, v4  }
0x2aa: {  	s28 =	simm.s32 $0x0;
	s26 =	simm.s32 $0x1;
	s15 =	simm.s32 $0x2;
	v5 =	vimm.f32 $0.0e+00;
	v15 =	vld [tilespmem:s0+$0xFFFFFFA0];
	v4 =	vimm.f32 $0.0e+00;
	v3 =	vsel vm15, v17, v3  }
.LBB2_19:
0x2ab: {  	p0 =	sne.s32 s15, $0xF;
	v17 =	vld [tilespmem:s31+$0xFFFFFFB0]  }
0x2ac: {  	v18 =	vld [tilespmem:s3+$0xFFFFFFA0]  }
0x2ad: {  	v19 =	vld [tilespmem:s0+$0xFFFFFFC0]  }
0x2ae: {  	v20 =	vld [tilespmem:s31+$0xFFFFFFC0]  }
0x2af: {  	v13 =	vmul.f32 v14, v13;
	v14 =	vmul.f32 v16, v15;
	v15 =	vld [tilespmem:s0+$0xFFFFFFD0]  }
0x2b0: {  	v12 =	vmul.f32 v17, v12;
	v16 =	vld [tilespmem:s31+$0xFFFFFFD0]  }
0x2b1: {  	v11 =	vmul.f32 v11, v13;
	v13 =	vmul.f32 v18, v14;
	v14 =	vld [tilespmem:s0+$0xFFFFFFE0]  }
0x2b2: {  	v18 =	vmov s30;
	s30 =	smov.u32 s29;
	s29 =	smov.u32 s15;
	v17 =	vld [tilespmem:s31+$0xFFFFFFE0]  }
0x2b3: {  	v10 =	vmul.f32 v10, v12;
	v11 =	vadd.f32 v13, v11;
	v12 =	vmul.f32 v20, v19;
	v13 =	vld [tilespmem:s0+$0xFFFFFFF0];
	v19, _, _ =	vpop (xrf2)  }
0x2b4: {  	vm0 =	veq.s32 v18, v0;
	v20 =	vld [tilespmem:s31+$0xFFFFFFF0];
	v18 =	vbroadcast v19, $0xF  }
0x2b5: {  	v10 =	vadd.f32 v10, v11;
	v9 =	vmul.f32 v9, v12;
	v11 =	vmul.f32 v16, v15;
	v12 =	vld [tilespmem:s0+$0x0]  }
0x2b6: {  	v15 =	vld [tilespmem:s31+$0x0];
	v4 =	vsel vm0, v18, v4  }
0x2b7: {  	v9 =	vadd.f32 v9, v10;
	v8 =	vmul.f32 v8, v11;
	v10 =	vmul.f32 v17, v14;
	v14 =	vld [tilespmem:s3+$0x0];
	s3 =	sadd.s32 $0x280, s3  }
0x2b8: {  	v16 =	vld [tilespmem:s3+$0xFFFFFFF0]  }
0x2b9: {  	v11 =	vadd.f32 v8, v9;
	v10 =	vmul.f32 v6, v10;
	v6 =	vld [tilespmem:s3+$0xFFFFFFE0];
	v13 =	vmul.f32 v20, v13  }
0x2ba: {  	v8 =	vld [tilespmem:s3+$0xFFFFFFD0]  }
0x2bb: {  	v9 =	vld [tilespmem:s3+$0xFFFFFFC0];
	v17 =	vadd.f32 v10, v11;
	v13 =	vmul.f32 v7, v13;
	v12 =	vmul.f32 v15, v12  }
0x2bc: {  	v10 =	vld [tilespmem:s3+$0xFFFFFFB0]  }
0x2bd: {  	s0 =	sadd.s32 $0x280, s0;
	v11 =	vld [tilespmem:s3+$0xFFFFFF90];
	v15 =	vadd.f32 v13, v17;
	v14 =	vmul.f32 v14, v12;
	v7 =	vmov v16  }
.Ltmp8:
0x2be: {  	v12 =	vld [tilespmem:s0+$0xFFFFFFB0];
	(pc) =	sbr.rel @p0 .LBB2_19-.Ltmp8, $4  }
0x2bf: {  	s31 =	sadd.s32 $0x280, s31;
	v13 =	vld [tilespmem:s0+$0xFFFFFF90];
	v16 =	vadd.f32 v14, v15  }
0x2c0: {  	v14 =	vld [tilespmem:s31+$0xFFFFFF90]  }
0x2c1: {  	v15 =	vld [tilespmem:s0+$0xFFFFFFA0];
	(xrf2) =	vadd.scan.msk.f32 $0xffff, v16  }
0x2c2: {  	s15 =	sadd.s32 $0x1, s15;
	v16 =	vld [tilespmem:s31+$0xFFFFFFA0]  }
0x2c3: {  	v17 =	vld [tilespmem:s31+$0xFFFFFFB0]  }
0x2c4: {  	v18 =	vld [tilespmem:s3+$0xFFFFFFA0]  }
0x2c5: {  	v19 =	vld [tilespmem:s0+$0xFFFFFFC0]  }
0x2c6: {  	v20 =	vld [tilespmem:s31+$0xFFFFFFC0]  }
0x2c7: {  	v21 =	vld [tilespmem:s0+$0xFFFFFFD0]  }
0x2c8: {  	v22 =	vld [tilespmem:s31+$0xFFFFFFD0]  }
0x2c9: {  	v23 =	vld [tilespmem:s0+$0xFFFFFFE0]  }
0x2ca: {  	v24 =	vld [tilespmem:s31+$0xFFFFFFE0]  }
0x2cb: {  	v25 =	vld [tilespmem:s0+$0xFFFFFFF0]  }
0x2cc: {  	v26 =	vld [tilespmem:s31+$0xFFFFFFF0]  }
0x2cd: {  	v27 =	vld [tilespmem:s0+$0x0]  }
0x2ce: {  	v28 =	vld [tilespmem:s31+$0x0]  }
0x2cf: {  	v29 =	vld [tilespmem:s3+$0x0];
	s16 =	simm.s32 $0x11D70  }
0x2d0: {  	v30 =	vld [tilespmem:s16+$0xFFFFFFF0]  }
0x2d1: {  	v31 =	vld [tilespmem:s16+$0xFFFFFFE0]  }
0x2d2: {  	v32 =	vld [tilespmem:s16+$0xFFFFFFD0];
	v13 =	vmul.f32 v14, v13  }
0x2d3: {  	s15 =	simm.s32 $0xBD70;
	v62 =	vld [tilespmem:s16+$0xFFFFFFA0];
	v14 =	vmul.f32 v16, v15  }
0x2d4: {  	v63 =	vld [tilespmem:s15+$0xFFFFFFC0];
	v11 =	vmul.f32 v11, v13  }
0x2d5: {  	v15 =	vld [tilespmem:s16+$0xFFFFFFC0];
	v12 =	vmul.f32 v17, v12;
	v13 =	vmul.f32 v18, v14  }
0x2d6: {  	v18 =	vld [tilespmem:s15+$0xFFFFFF90]  }
0x2d7: {  	s31 =	simm.s32 $0x5D70;
	v10 =	vmul.f32 v10, v12;
	v12 =	vmul.f32 v20, v19;
	v19 =	vld [tilespmem:s15+$0xFFFFFFA0];
	v11 =	vadd.f32 v13, v11  }
0x2d8: {  	v13 =	vld [tilespmem:s31+$0xFFFFFF90]  }
0x2d9: {  	v9 =	vmul.f32 v9, v12;
	v12 =	vld [tilespmem:s31+$0xFFFFFFA0];
	v10 =	vadd.f32 v10, v11;
	v11 =	vmul.f32 v22, v21  }
0x2da: {  	v17 =	vld [tilespmem:s31+$0xFFFFFFB0]  }
0x2db: {  	v14 =	vld [tilespmem:s16+$0xFFFFFF90];
	v9 =	vadd.f32 v9, v10;
	v8 =	vmul.f32 v8, v11;
	v10 =	vmul.f32 v24, v23  }
0x2dc: {  	v11 =	vld [tilespmem:s15+$0xFFFFFFB0]  }
0x2dd: {  	v8 =	vadd.f32 v8, v9;
	v6 =	vmul.f32 v6, v10;
	v9 =	vmul.f32 v26, v25;
	v10 =	vld [tilespmem:s31+$0xFFFFFFC0]  }
0x2de: {  	v16 =	vld [tilespmem:s16+$0xFFFFFFB0];
	v13 =	vmul.f32 v18, v13;
	v12 =	vmul.f32 v19, v12  }
0x2df: {  	v18 =	vld [tilespmem:s15+$0xFFFFFFD0];
	v6 =	vadd.f32 v6, v8;
	v7 =	vmul.f32 v7, v9;
	v8 =	vmul.f32 v28, v27  }
0x2e0: {  	v13 =	vmul.f32 v14, v13;
	v9 =	vld [tilespmem:s31+$0xFFFFFFD0];
	v12 =	vmul.f32 v62, v12  }
0x2e1: {  	v14 =	vld [tilespmem:s15+$0xFFFFFFE0];
	v6 =	vadd.f32 v7, v6;
	v7 =	vmul.f32 v29, v8;
	v8 =	vmul.f32 v11, v17  }
0x2e2: {  	v11 =	vld [tilespmem:s31+$0xFFFFFFE0];
	v10 =	vmul.f32 v63, v10  }
0x2e3: {  	v17 =	vld [tilespmem:s31+$0xFFFFFFF0];
	v6 =	vadd.f32 v7, v6;
	v7 =	vadd.f32 v12, v13;
	v8 =	vmul.f32 v16, v8  }
0x2e4: {  	v12 =	vld [tilespmem:s15+$0xFFFFFFF0]  }
0x2e5: {  	v13 =	vld [tilespmem:s31+$0x0];
	(xrf2) =	vadd.scan.msk.f32 $0xffff, v6;
	v6 =	vadd.f32 v8, v7;
	v7 =	vmul.f32 v15, v10;
	v8 =	vmul.f32 v18, v9  }
0x2e6: {  	v10 =	vld [tilespmem:s15+$0x0]  }
0x2e7: {  	s3 =	simm.s32 $0x11FF0;
	v15 =	vld [tilespmem:s16+$0x0];
	v11 =	vmul.f32 v14, v11;
	v9 =	vadd.f32 v7, v6;
	v8 =	vmul.f32 v32, v8  }
0x2e8: {  	v7 =	vld [tilespmem:s3+$0xFFFFFFF0]  }
0x2e9: {  	v16, _, _ =	vpop (xrf2);
	v6 =	vld [tilespmem:s3+$0xFFFFFFE0];
	v11 =	vmul.f32 v31, v11;
	v12 =	vmul.f32 v12, v17;
	v14 =	vadd.f32 v8, v9  }
0x2ea: {  	v16 =	vbroadcast v16, $0xF;
	v17 =	vmov s30;
	v8 =	vld [tilespmem:s3+$0xFFFFFFD0]  }
0x2eb: {  	v9 =	vld [tilespmem:s3+$0xFFFFFFC0];
	v12 =	vmul.f32 v30, v12;
	v13 =	vmul.f32 v10, v13;
	v14 =	vadd.f32 v11, v14  }
0x2ec: {  	s15 =	simm.s32 $0xBFF0;
	vm0 =	veq.s32 v17, v0;
	v10 =	vld [tilespmem:s3+$0xFFFFFFB0]  }
0x2ed: {  	v4 =	vsel vm0, v16, v4;
	v16 =	vld [tilespmem:s15+$0xFFFFFFA0];
	v15 =	vmul.f32 v15, v13;
	v14 =	vadd.f32 v12, v14  }
0x2ee: {  	s0 =	simm.s32 $0x5FF0;
	v11 =	vld [tilespmem:s3+$0xFFFFFF90]  }
0x2ef: {  	v13 =	vld [tilespmem:s0+$0xFFFFFF90];
	v17, _, _ =	vpop (xrf2);
	v19 =	vadd.f32 v15, v14  }
0x2f0: {  	v18 =	vmov s29;
	v12 =	vld [tilespmem:s0+$0xFFFFFFB0];
	v17 =	vbroadcast v17, $0xF  }
0x2f1: {  	vm15 =	veq.s32 v18, v0;
	v14 =	vld [tilespmem:s15+$0xFFFFFF90];
	(xrf2) =	vadd.scan.msk.f32 $0xffff, v19  }
0x2f2: {  	s16 =	simm.s32 $0x2;
	v15 =	vld [tilespmem:s0+$0xFFFFFFA0];
	v4 =	vsel vm15, v17, v4  }
.LBB2_21:
0x2f3: {  	p0 =	sne.s32 s16, $0xF;
	v17 =	vld [tilespmem:s15+$0xFFFFFFB0]  }
0x2f4: {  	v18 =	vld [tilespmem:s3+$0xFFFFFFA0]  }
0x2f5: {  	v19 =	vld [tilespmem:s0+$0xFFFFFFC0]  }
0x2f6: {  	v20 =	vld [tilespmem:s15+$0xFFFFFFC0]  }
0x2f7: {  	v13 =	vmul.f32 v14, v13;
	v14 =	vmul.f32 v16, v15;
	v15 =	vld [tilespmem:s0+$0xFFFFFFD0]  }
0x2f8: {  	v12 =	vmul.f32 v17, v12;
	v16 =	vld [tilespmem:s15+$0xFFFFFFD0]  }
0x2f9: {  	v11 =	vmul.f32 v11, v13;
	v13 =	vmul.f32 v18, v14;
	v14 =	vld [tilespmem:s0+$0xFFFFFFE0]  }
0x2fa: {  	v18 =	vmov s28;
	s28 =	smov.u32 s26;
	s26 =	smov.u32 s16;
	v17 =	vld [tilespmem:s15+$0xFFFFFFE0]  }
0x2fb: {  	v10 =	vmul.f32 v10, v12;
	v11 =	vadd.f32 v13, v11;
	v12 =	vmul.f32 v20, v19;
	v13 =	vld [tilespmem:s0+$0xFFFFFFF0];
	v19, _, _ =	vpop (xrf2)  }
0x2fc: {  	vm0 =	veq.s32 v18, v0;
	v20 =	vld [tilespmem:s15+$0xFFFFFFF0];
	v18 =	vbroadcast v19, $0xF  }
0x2fd: {  	v10 =	vadd.f32 v10, v11;
	v9 =	vmul.f32 v9, v12;
	v11 =	vmul.f32 v16, v15;
	v12 =	vld [tilespmem:s0+$0x0]  }
0x2fe: {  	v15 =	vld [tilespmem:s15+$0x0];
	v5 =	vsel vm0, v18, v5  }
0x2ff: {  	v9 =	vadd.f32 v9, v10;
	v8 =	vmul.f32 v8, v11;
	v10 =	vmul.f32 v17, v14;
	v14 =	vld [tilespmem:s3+$0x0];
	s3 =	sadd.s32 $0x280, s3  }
0x300: {  	v16 =	vld [tilespmem:s3+$0xFFFFFFF0]  }
0x301: {  	v11 =	vadd.f32 v8, v9;
	v10 =	vmul.f32 v6, v10;
	v6 =	vld [tilespmem:s3+$0xFFFFFFE0];
	v13 =	vmul.f32 v20, v13  }
0x302: {  	v8 =	vld [tilespmem:s3+$0xFFFFFFD0]  }
0x303: {  	v9 =	vld [tilespmem:s3+$0xFFFFFFC0];
	v17 =	vadd.f32 v10, v11;
	v13 =	vmul.f32 v7, v13;
	v12 =	vmul.f32 v15, v12  }
0x304: {  	v10 =	vld [tilespmem:s3+$0xFFFFFFB0]  }
0x305: {  	s0 =	sadd.s32 $0x280, s0;
	v11 =	vld [tilespmem:s3+$0xFFFFFF90];
	v15 =	vadd.f32 v13, v17;
	v14 =	vmul.f32 v14, v12;
	v7 =	vmov v16  }
.Ltmp9:
0x306: {  	v12 =	vld [tilespmem:s0+$0xFFFFFFB0];
	(pc) =	sbr.rel @p0 .LBB2_21-.Ltmp9, $4  }
0x307: {  	s15 =	sadd.s32 $0x280, s15;
	v13 =	vld [tilespmem:s0+$0xFFFFFF90];
	v16 =	vadd.f32 v14, v15  }
0x308: {  	v14 =	vld [tilespmem:s15+$0xFFFFFF90]  }
0x309: {  	v15 =	vld [tilespmem:s0+$0xFFFFFFA0];
	(xrf2) =	vadd.scan.msk.f32 $0xffff, v16  }
0x30a: {  	s16 =	sadd.s32 $0x1, s16;
	v16 =	vld [tilespmem:s15+$0xFFFFFFA0]  }
0x30b: {  	v17 =	vld [tilespmem:s15+$0xFFFFFFB0]  }
0x30c: {  	v18 =	vld [tilespmem:s3+$0xFFFFFFA0]  }
0x30d: {  	v19 =	vld [tilespmem:s0+$0xFFFFFFC0]  }
0x30e: {  	v20 =	vld [tilespmem:s15+$0xFFFFFFC0]  }
0x30f: {  	v21 =	vld [tilespmem:s0+$0xFFFFFFD0]  }
0x310: {  	v22 =	vld [tilespmem:s15+$0xFFFFFFD0]  }
0x311: {  	v23 =	vld [tilespmem:s0+$0xFFFFFFE0]  }
0x312: {  	v24 =	vld [tilespmem:s15+$0xFFFFFFE0]  }
0x313: {  	v25 =	vld [tilespmem:s0+$0xFFFFFFF0]  }
0x314: {  	v26 =	vld [tilespmem:s15+$0xFFFFFFF0]  }
0x315: {  	v27 =	vld [tilespmem:s0+$0x0]  }
0x316: {  	v28 =	vld [tilespmem:s15+$0x0]  }
0x317: {  	v29 =	vld [tilespmem:s3+$0x0];
	s0 =	simm.s32 $0x11DF0  }
0x318: {  	v30 =	vld [tilespmem:s0+$0xFFFFFFF0]  }
0x319: {  	v31 =	vld [tilespmem:s0+$0xFFFFFFE0]  }
0x31a: {  	s16 =	simm.s32 $0xBDF0;
	v32 =	vld [tilespmem:s0+$0xFFFFFFD0];
	v13 =	vmul.f32 v14, v13  }
0x31b: {  	v63 =	vld [tilespmem:s16+$0xFFFFFFC0];
	v14 =	vmul.f32 v16, v15  }
0x31c: {  	s15 =	simm.s32 $0x5DF0;
	v15 =	vld [tilespmem:s0+$0xFFFFFFC0];
	v11 =	vmul.f32 v11, v13  }
0x31d: {  	v12 =	vmul.f32 v17, v12;
	v17 =	vld [tilespmem:s15+$0xFFFFFFB0];
	v13 =	vmul.f32 v18, v14  }
0x31e: {  	v18 =	vld [tilespmem:s16+$0xFFFFFF90]  }
0x31f: {  	v10 =	vmul.f32 v10, v12;
	v12 =	vmul.f32 v20, v19;
	v19 =	vld [tilespmem:s16+$0xFFFFFFA0];
	v11 =	vadd.f32 v13, v11  }
0x320: {  	v13 =	vld [tilespmem:s15+$0xFFFFFF90]  }
0x321: {  	v9 =	vmul.f32 v9, v12;
	v12 =	vld [tilespmem:s15+$0xFFFFFFA0];
	v10 =	vadd.f32 v10, v11;
	v11 =	vmul.f32 v22, v21  }
0x322: {  	v14 =	vld [tilespmem:s0+$0xFFFFFF90]  }
0x323: {  	v20 =	vld [tilespmem:s0+$0xFFFFFFA0];
	v9 =	vadd.f32 v9, v10;
	v8 =	vmul.f32 v8, v11;
	v10 =	vmul.f32 v24, v23  }
0x324: {  	v11 =	vld [tilespmem:s16+$0xFFFFFFB0]  }
0x325: {  	v16 =	vld [tilespmem:s0+$0xFFFFFFB0];
	v8 =	vadd.f32 v8, v9;
	v6 =	vmul.f32 v6, v10;
	v9 =	vmul.f32 v26, v25  }
0x326: {  	v13 =	vmul.f32 v18, v13;
	v10 =	vld [tilespmem:s15+$0xFFFFFFC0];
	v12 =	vmul.f32 v19, v12  }
0x327: {  	v18 =	vld [tilespmem:s16+$0xFFFFFFD0];
	v6 =	vadd.f32 v6, v8;
	v7 =	vmul.f32 v7, v9;
	v8 =	vmul.f32 v28, v27  }
0x328: {  	v13 =	vmul.f32 v14, v13;
	v9 =	vld [tilespmem:s15+$0xFFFFFFD0];
	v12 =	vmul.f32 v20, v12  }
0x329: {  	v14 =	vld [tilespmem:s16+$0xFFFFFFE0];
	v6 =	vadd.f32 v7, v6;
	v7 =	vmul.f32 v29, v8;
	v8 =	vmul.f32 v11, v17  }
0x32a: {  	v11 =	vld [tilespmem:s15+$0xFFFFFFE0];
	v12 =	vadd.f32 v12, v13  }
0x32b: {  	v13 =	vld [tilespmem:s16+$0xFFFFFFF0];
	v10 =	vmul.f32 v63, v10;
	v6 =	vadd.f32 v7, v6;
	v8 =	vmul.f32 v16, v8  }
0x32c: {  	v7 =	vld [tilespmem:s15+$0xFFFFFFF0]  }
0x32d: {  	v10 =	vmul.f32 v15, v10;
	v9 =	vmul.f32 v18, v9;
	(xrf2) =	vadd.scan.msk.f32 $0xffff, v6;
	v6 =	vld [tilespmem:s15+$0x0];
	v8 =	vadd.f32 v8, v12  }
0x32e: {  	v18 =	vmov s26;
	v12 =	vld [tilespmem:s16+$0x0]  }
0x32f: {  	s31 =	simm.s32 $0xC070;
	v15 =	vld [tilespmem:s0+$0x0];
	v16 =	vmul.f32 v32, v9;
	v11 =	vmul.f32 v14, v11;
	v10 =	vadd.f32 v10, v8  }
0x330: {  	s3 =	simm.s32 $0x12070;
	vm15 =	veq.s32 v18, v0;
	v18 =	vld [tilespmem:s31+$0xFFFFFFA0]  }
0x331: {  	v9 =	vld [tilespmem:s3+$0xFFFFFFF0];
	v7 =	vmul.f32 v13, v7;
	v14 =	vadd.f32 v16, v10;
	v16 =	vmul.f32 v31, v11  }
0x332: {  	v8 =	vld [tilespmem:s3+$0xFFFFFFE0]  }
0x333: {  	v13 =	vld [tilespmem:s3+$0xFFFFFF90];
	v7 =	vmul.f32 v30, v7;
	v6 =	vmul.f32 v12, v6;
	v14 =	vadd.f32 v16, v14  }
0x334: {  	v10 =	vld [tilespmem:s3+$0xFFFFFFD0]  }
0x335: {  	v11 =	vld [tilespmem:s3+$0xFFFFFFC0];
	v6 =	vmul.f32 v15, v6;
	v7 =	vadd.f32 v7, v14  }
0x336: {  	v17 =	vmov s28;
	s0 =	simm.s32 $0x6070;
	v12 =	vld [tilespmem:s3+$0xFFFFFFB0];
	v16, _, _ =	vpop (xrf2)  }
0x337: {  	vm0 =	veq.s32 v17, v0;
	v15 =	vld [tilespmem:s0+$0xFFFFFF90];
	v17 =	vbroadcast v16, $0xF;
	v16, _, _ =	vpop (xrf2);
	v7 =	vadd.f32 v6, v7  }
0x338: {  	v14 =	vld [tilespmem:s0+$0xFFFFFFB0];
	v19 =	vbroadcast v16, $0xF  }
0x339: {  	s30 =	simm.s32 $0x0;
	s29 =	simm.s32 $0x1;
	v16 =	vld [tilespmem:s31+$0xFFFFFF90];
	v5 =	vsel vm0, v17, v5;
	(xrf2) =	vadd.scan.msk.f32 $0xffff, v7  }
0x33a: {  	s28 =	simm.s32 $0x0;
	s26 =	simm.s32 $0x1;
	s15 =	simm.s32 $0x2;
	v6 =	vimm.f32 $0.0e+00;
	v17 =	vld [tilespmem:s0+$0xFFFFFFA0];
	v7 =	vimm.f32 $0.0e+00;
	v5 =	vsel vm15, v19, v5  }
.LBB2_23:
0x33b: {  	p0 =	sne.s32 s15, $0xF;
	v19 =	vld [tilespmem:s31+$0xFFFFFFB0]  }
0x33c: {  	v20 =	vld [tilespmem:s3+$0xFFFFFFA0]  }
0x33d: {  	v21 =	vld [tilespmem:s0+$0xFFFFFFC0]  }
0x33e: {  	v22 =	vld [tilespmem:s31+$0xFFFFFFC0]  }
0x33f: {  	v15 =	vmul.f32 v16, v15;
	v16 =	vmul.f32 v18, v17;
	v17 =	vld [tilespmem:s0+$0xFFFFFFD0]  }
0x340: {  	v14 =	vmul.f32 v19, v14;
	v18 =	vld [tilespmem:s31+$0xFFFFFFD0]  }
0x341: {  	v13 =	vmul.f32 v13, v15;
	v15 =	vmul.f32 v20, v16;
	v16 =	vld [tilespmem:s0+$0xFFFFFFE0]  }
0x342: {  	v20 =	vmov s30;
	s30 =	smov.u32 s29;
	s29 =	smov.u32 s15;
	v19 =	vld [tilespmem:s31+$0xFFFFFFE0]  }
0x343: {  	v12 =	vmul.f32 v12, v14;
	v13 =	vadd.f32 v15, v13;
	v14 =	vmul.f32 v22, v21;
	v15 =	vld [tilespmem:s0+$0xFFFFFFF0];
	v21, _, _ =	vpop (xrf2)  }
0x344: {  	vm0 =	veq.s32 v20, v0;
	v22 =	vld [tilespmem:s31+$0xFFFFFFF0];
	v20 =	vbroadcast v21, $0xF  }
0x345: {  	v12 =	vadd.f32 v12, v13;
	v11 =	vmul.f32 v11, v14;
	v13 =	vmul.f32 v18, v17;
	v14 =	vld [tilespmem:s0+$0x0]  }
0x346: {  	v17 =	vld [tilespmem:s31+$0x0];
	v7 =	vsel vm0, v20, v7  }
0x347: {  	v11 =	vadd.f32 v11, v12;
	v10 =	vmul.f32 v10, v13;
	v12 =	vmul.f32 v19, v16;
	v16 =	vld [tilespmem:s3+$0x0];
	s3 =	sadd.s32 $0x280, s3  }
0x348: {  	v18 =	vld [tilespmem:s3+$0xFFFFFFF0]  }
0x349: {  	v13 =	vadd.f32 v10, v11;
	v12 =	vmul.f32 v8, v12;
	v8 =	vld [tilespmem:s3+$0xFFFFFFE0];
	v15 =	vmul.f32 v22, v15  }
0x34a: {  	v10 =	vld [tilespmem:s3+$0xFFFFFFD0]  }
0x34b: {  	v11 =	vld [tilespmem:s3+$0xFFFFFFC0];
	v19 =	vadd.f32 v12, v13;
	v15 =	vmul.f32 v9, v15;
	v14 =	vmul.f32 v17, v14  }
0x34c: {  	v12 =	vld [tilespmem:s3+$0xFFFFFFB0]  }
0x34d: {  	s0 =	sadd.s32 $0x280, s0;
	v13 =	vld [tilespmem:s3+$0xFFFFFF90];
	v17 =	vadd.f32 v15, v19;
	v16 =	vmul.f32 v16, v14;
	v9 =	vmov v18  }
.Ltmp10:
0x34e: {  	v14 =	vld [tilespmem:s0+$0xFFFFFFB0];
	(pc) =	sbr.rel @p0 .LBB2_23-.Ltmp10, $4  }
0x34f: {  	s31 =	sadd.s32 $0x280, s31;
	v15 =	vld [tilespmem:s0+$0xFFFFFF90];
	v18 =	vadd.f32 v16, v17  }
0x350: {  	v16 =	vld [tilespmem:s31+$0xFFFFFF90]  }
0x351: {  	v17 =	vld [tilespmem:s0+$0xFFFFFFA0];
	(xrf2) =	vadd.scan.msk.f32 $0xffff, v18  }
0x352: {  	s15 =	sadd.s32 $0x1, s15;
	v18 =	vld [tilespmem:s31+$0xFFFFFFA0]  }
0x353: {  	v19 =	vld [tilespmem:s31+$0xFFFFFFB0]  }
0x354: {  	v20 =	vld [tilespmem:s3+$0xFFFFFFA0]  }
0x355: {  	v21 =	vld [tilespmem:s0+$0xFFFFFFC0]  }
0x356: {  	v22 =	vld [tilespmem:s31+$0xFFFFFFC0]  }
0x357: {  	v23 =	vld [tilespmem:s0+$0xFFFFFFD0]  }
0x358: {  	v24 =	vld [tilespmem:s31+$0xFFFFFFD0]  }
0x359: {  	v25 =	vld [tilespmem:s0+$0xFFFFFFE0]  }
0x35a: {  	v26 =	vld [tilespmem:s31+$0xFFFFFFE0]  }
0x35b: {  	v27 =	vld [tilespmem:s0+$0xFFFFFFF0]  }
0x35c: {  	v28 =	vld [tilespmem:s31+$0xFFFFFFF0]  }
0x35d: {  	v29 =	vld [tilespmem:s0+$0x0]  }
0x35e: {  	v30 =	vld [tilespmem:s31+$0x0]  }
0x35f: {  	v31 =	vld [tilespmem:s3+$0x0];
	s16 =	simm.s32 $0x11E70  }
0x360: {  	v32 =	vld [tilespmem:s16+$0xFFFFFFF0]  }
0x361: {  	v33 =	vld [tilespmem:s16+$0xFFFFFFE0]  }
0x362: {  	s15 =	simm.s32 $0xBE70;
	v34 =	vld [tilespmem:s16+$0xFFFFFFD0];
	v15 =	vmul.f32 v16, v15  }
0x363: {  	v60 =	vld [tilespmem:s15+$0xFFFFFFA0];
	v16 =	vmul.f32 v18, v17  }
0x364: {  	v61 =	vld [tilespmem:s16+$0xFFFFFFA0];
	v13 =	vmul.f32 v13, v15  }
0x365: {  	v62 =	vld [tilespmem:s15+$0xFFFFFFC0];
	v14 =	vmul.f32 v19, v14;
	v15 =	vmul.f32 v20, v16  }
0x366: {  	v17 =	vld [tilespmem:s16+$0xFFFFFFC0]  }
0x367: {  	s31 =	simm.s32 $0x5E70;
	v20 =	vld [tilespmem:s15+$0xFFFFFF90];
	v12 =	vmul.f32 v12, v14;
	v14 =	vmul.f32 v22, v21;
	v13 =	vadd.f32 v15, v13  }
0x368: {  	v15 =	vld [tilespmem:s31+$0xFFFFFF90]  }
0x369: {  	v11 =	vmul.f32 v11, v14;
	v14 =	vld [tilespmem:s31+$0xFFFFFFA0];
	v12 =	vadd.f32 v12, v13;
	v13 =	vmul.f32 v24, v23  }
0x36a: {  	v19 =	vld [tilespmem:s31+$0xFFFFFFB0]  }
0x36b: {  	v16 =	vld [tilespmem:s16+$0xFFFFFF90];
	v11 =	vadd.f32 v11, v12;
	v10 =	vmul.f32 v10, v13;
	v12 =	vmul.f32 v26, v25  }
0x36c: {  	v13 =	vld [tilespmem:s15+$0xFFFFFFB0]  }
0x36d: {  	v10 =	vadd.f32 v10, v11;
	v8 =	vmul.f32 v8, v12;
	v11 =	vmul.f32 v28, v27;
	v12 =	vld [tilespmem:s31+$0xFFFFFFC0]  }
0x36e: {  	v18 =	vld [tilespmem:s16+$0xFFFFFFB0];
	v15 =	vmul.f32 v20, v15;
	v14 =	vmul.f32 v60, v14  }
0x36f: {  	v20 =	vld [tilespmem:s15+$0xFFFFFFD0];
	v8 =	vadd.f32 v8, v10;
	v9 =	vmul.f32 v9, v11;
	v10 =	vmul.f32 v30, v29  }
0x370: {  	v15 =	vmul.f32 v16, v15;
	v11 =	vld [tilespmem:s31+$0xFFFFFFD0];
	v14 =	vmul.f32 v61, v14  }
0x371: {  	v16 =	vld [tilespmem:s15+$0xFFFFFFE0];
	v8 =	vadd.f32 v9, v8;
	v9 =	vmul.f32 v31, v10;
	v10 =	vmul.f32 v13, v19  }
0x372: {  	v13 =	vld [tilespmem:s31+$0xFFFFFFE0];
	v12 =	vmul.f32 v62, v12  }
0x373: {  	v19 =	vld [tilespmem:s31+$0xFFFFFFF0];
	v8 =	vadd.f32 v9, v8;
	v9 =	vadd.f32 v14, v15;
	v10 =	vmul.f32 v18, v10  }
0x374: {  	v14 =	vld [tilespmem:s15+$0xFFFFFFF0]  }
0x375: {  	v15 =	vld [tilespmem:s31+$0x0];
	(xrf2) =	vadd.scan.msk.f32 $0xffff, v8;
	v8 =	vadd.f32 v10, v9;
	v9 =	vmul.f32 v17, v12;
	v10 =	vmul.f32 v20, v11  }
0x376: {  	v12 =	vld [tilespmem:s15+$0x0]  }
0x377: {  	s3 =	simm.s32 $0x120F0;
	v17 =	vld [tilespmem:s16+$0x0];
	v13 =	vmul.f32 v16, v13;
	v11 =	vadd.f32 v9, v8;
	v10 =	vmul.f32 v34, v10  }
0x378: {  	v9 =	vld [tilespmem:s3+$0xFFFFFFF0]  }
0x379: {  	v18, _, _ =	vpop (xrf2);
	v8 =	vld [tilespmem:s3+$0xFFFFFFE0];
	v13 =	vmul.f32 v33, v13;
	v14 =	vmul.f32 v14, v19;
	v16 =	vadd.f32 v10, v11  }
0x37a: {  	v18 =	vbroadcast v18, $0xF;
	v19 =	vmov s30;
	v10 =	vld [tilespmem:s3+$0xFFFFFFD0]  }
0x37b: {  	v11 =	vld [tilespmem:s3+$0xFFFFFFC0];
	v14 =	vmul.f32 v32, v14;
	v15 =	vmul.f32 v12, v15;
	v16 =	vadd.f32 v13, v16  }
0x37c: {  	s30 =	simm.s32 $0xC0F0;
	vm0 =	veq.s32 v19, v0;
	v12 =	vld [tilespmem:s3+$0xFFFFFFB0]  }
0x37d: {  	v7 =	vsel vm0, v18, v7;
	v18 =	vld [tilespmem:s30+$0xFFFFFFA0];
	v17 =	vmul.f32 v17, v15;
	v16 =	vadd.f32 v14, v16  }
0x37e: {  	s0 =	simm.s32 $0x60F0;
	v13 =	vld [tilespmem:s3+$0xFFFFFF90]  }
0x37f: {  	v15 =	vld [tilespmem:s0+$0xFFFFFF90];
	v19, _, _ =	vpop (xrf2);
	v63 =	vadd.f32 v17, v16  }
0x380: {  	v20 =	vmov s29;
	v14 =	vld [tilespmem:s0+$0xFFFFFFB0];
	v19 =	vbroadcast v19, $0xF  }
0x381: {  	vm15 =	veq.s32 v20, v0;
	v16 =	vld [tilespmem:s30+$0xFFFFFF90];
	(xrf2) =	vadd.scan.msk.f32 $0xffff, v63  }
0x382: {  	s15 =	simm.s32 $0x2;
	v17 =	vld [tilespmem:s0+$0xFFFFFFA0];
	v7 =	vsel vm15, v19, v7  }
.LBB2_25:
0x383: {  	p0 =	sne.s32 s15, $0xF;
	v19 =	vld [tilespmem:s30+$0xFFFFFFB0]  }
0x384: {  	v20 =	vld [tilespmem:s3+$0xFFFFFFA0]  }
0x385: {  	v21 =	vld [tilespmem:s0+$0xFFFFFFC0]  }
0x386: {  	v22 =	vld [tilespmem:s30+$0xFFFFFFC0]  }
0x387: {  	v15 =	vmul.f32 v16, v15;
	v16 =	vmul.f32 v18, v17;
	v17 =	vld [tilespmem:s0+$0xFFFFFFD0]  }
0x388: {  	v14 =	vmul.f32 v19, v14;
	v18 =	vld [tilespmem:s30+$0xFFFFFFD0]  }
0x389: {  	v13 =	vmul.f32 v13, v15;
	v15 =	vmul.f32 v20, v16;
	v16 =	vld [tilespmem:s0+$0xFFFFFFE0]  }
0x38a: {  	v20 =	vmov s28;
	s28 =	smov.u32 s26;
	s26 =	smov.u32 s15;
	v19 =	vld [tilespmem:s30+$0xFFFFFFE0]  }
0x38b: {  	v12 =	vmul.f32 v12, v14;
	v13 =	vadd.f32 v15, v13;
	v14 =	vmul.f32 v22, v21;
	v15 =	vld [tilespmem:s0+$0xFFFFFFF0];
	v21, _, _ =	vpop (xrf2)  }
0x38c: {  	vm0 =	veq.s32 v20, v0;
	v22 =	vld [tilespmem:s30+$0xFFFFFFF0];
	v20 =	vbroadcast v21, $0xF  }
0x38d: {  	v12 =	vadd.f32 v12, v13;
	v11 =	vmul.f32 v11, v14;
	v13 =	vmul.f32 v18, v17;
	v14 =	vld [tilespmem:s0+$0x0]  }
0x38e: {  	v17 =	vld [tilespmem:s30+$0x0];
	v6 =	vsel vm0, v20, v6  }
0x38f: {  	v11 =	vadd.f32 v11, v12;
	v10 =	vmul.f32 v10, v13;
	v12 =	vmul.f32 v19, v16;
	v16 =	vld [tilespmem:s3+$0x0];
	s3 =	sadd.s32 $0x280, s3  }
0x390: {  	v18 =	vld [tilespmem:s3+$0xFFFFFFF0]  }
0x391: {  	v13 =	vadd.f32 v10, v11;
	v12 =	vmul.f32 v8, v12;
	v8 =	vld [tilespmem:s3+$0xFFFFFFE0];
	v15 =	vmul.f32 v22, v15  }
0x392: {  	v10 =	vld [tilespmem:s3+$0xFFFFFFD0]  }
0x393: {  	v11 =	vld [tilespmem:s3+$0xFFFFFFC0];
	v19 =	vadd.f32 v12, v13;
	v15 =	vmul.f32 v9, v15;
	v14 =	vmul.f32 v17, v14  }
0x394: {  	v12 =	vld [tilespmem:s3+$0xFFFFFFB0]  }
0x395: {  	s0 =	sadd.s32 $0x280, s0;
	v13 =	vld [tilespmem:s3+$0xFFFFFF90];
	v17 =	vadd.f32 v15, v19;
	v16 =	vmul.f32 v16, v14;
	v9 =	vmov v18  }
.Ltmp11:
0x396: {  	v14 =	vld [tilespmem:s0+$0xFFFFFFB0];
	(pc) =	sbr.rel @p0 .LBB2_25-.Ltmp11, $4  }
0x397: {  	s30 =	sadd.s32 $0x280, s30;
	v15 =	vld [tilespmem:s0+$0xFFFFFF90];
	v18 =	vadd.f32 v16, v17  }
0x398: {  	v16 =	vld [tilespmem:s30+$0xFFFFFF90]  }
0x399: {  	v17 =	vld [tilespmem:s0+$0xFFFFFFA0];
	(xrf2) =	vadd.scan.msk.f32 $0xffff, v18  }
0x39a: {  	s15 =	sadd.s32 $0x1, s15;
	v18 =	vld [tilespmem:s30+$0xFFFFFFA0]  }
0x39b: {  	v19 =	vld [tilespmem:s30+$0xFFFFFFB0]  }
0x39c: {  	v20 =	vld [tilespmem:s3+$0xFFFFFFA0]  }
0x39d: {  	v21 =	vld [tilespmem:s0+$0xFFFFFFC0]  }
0x39e: {  	v22 =	vld [tilespmem:s30+$0xFFFFFFC0];
	v15 =	vmul.f32 v16, v15  }
0x39f: {  	v41 =	vld [tilespmem:s0+$0xFFFFFFD0];
	v40 =	vmul.f32 v18, v17  }
0x3a0: {  	v42 =	vld [tilespmem:s30+$0xFFFFFFD0];
	v13 =	vmul.f32 v13, v15  }
0x3a1: {  	v44 =	vld [tilespmem:s0+$0xFFFFFFE0];
	v14 =	vmul.f32 v19, v14;
	v43 =	vmul.f32 v20, v40  }
0x3a2: {  	v45 =	vld [tilespmem:s30+$0xFFFFFFE0]  }
0x3a3: {  	v47 =	vld [tilespmem:s0+$0xFFFFFFF0];
	v46 =	vmul.f32 v22, v21;
	v12 =	vmul.f32 v12, v14;
	v13 =	vadd.f32 v43, v13  }
0x3a4: {  	v48 =	vld [tilespmem:s30+$0xFFFFFFF0]  }
0x3a5: {  	v50 =	vld [tilespmem:s0+$0x0];
	v49 =	vmul.f32 v42, v41;
	v11 =	vmul.f32 v11, v46;
	v12 =	vadd.f32 v12, v13  }
0x3a6: {  	v51 =	vld [tilespmem:s30+$0x0]  }
0x3a7: {  	v52 =	vmul.f32 v45, v44;
	v10 =	vmul.f32 v10, v49;
	v11 =	vadd.f32 v11, v12  }
0x3a8: {  	v53 =	vld [tilespmem:s3+$0x0]  }
0x3a9: {  	v54 =	vmul.f32 v48, v47;
	v8 =	vmul.f32 v8, v52;
	v10 =	vadd.f32 v10, v11;
	_ =	sdelay $0x1  }
0x3aa: {  	v55 =	vmul.f32 v51, v50;
	v9 =	vmul.f32 v9, v54;
	v8 =	vadd.f32 v8, v10;
	_ =	sdelay $0x1  }
0x3ab: {  	v56 =	vmul.f32 v53, v55;
	v8 =	vadd.f32 v9, v8;
	_ =	sdelay $0x1  }
0x3ac: {  	v8 =	vadd.f32 v56, v8;
	_ =	sdelay $0x1  }
0x3ad: {  	(xrf2) =	vadd.scan.msk.f32 $0xffff, v8;
	_ =	sdelay $0x3  }
0x3ae: {  	v2 =	vsub.f32 $1.000000000e+00, v2;
	_ =	sdelay $0x1  }
0x3af: {  	v3 =	vadd.f32 v3, v2;
	_ =	sdelay $0x1  }
0x3b0: {  	v58 =	vmov s28;
	v4 =	vadd.f32 v4, v2;
	v3 =	vmax.f32 v3, $0.0e+00;
	v57, _, _ =	vpop (xrf2)  }
0x3b1: {  	v60 =	vmov s26;
	v1 =	vadd.f32 v3, v1;
	v8 =	vbroadcast v57, $0xF  }
0x3b2: {  	vm0 =	veq.s32 v58, v0;
	v5 =	vadd.f32 v5, v2;
	v4 =	vmax.f32 v4, $0.0e+00;
	v59, _, _ =	vpop (xrf2)  }
0x3b3: {  	s25 =	sadd.s32 $0x1, s25;
	v1 =	vadd.f32 v4, v1;
	v3 =	vsel vm0, v8, v6;
	v6 =	vbroadcast v59, $0xF  }
0x3b4: {  	vm15 =	veq.s32 v60, v0;
	p0 =	sne.s32 s25, $0x10;
	v62 =	vadd.f32 v7, v2;
	v61 =	vmax.f32 v5, $0.0e+00  }
.Ltmp12:
0x3b5: {  	v1 =	vadd.f32 v61, v1;
	v3 =	vsel vm15, v6, v3;
	(pc) =	sbr.rel @p0 .LBB2_2-.Ltmp12, $4  }
0x3b6: {  	v63 =	vmax.f32 v62, $0.0e+00;
	v2 =	vadd.f32 v3, v2  }
0x3b7: {  	v1 =	vadd.f32 v63, v1  }
0x3b8: {  	v2 =	vmax.f32 v2, $0.0e+00  }
0x3b9: {  	v1 =	vadd.f32 v2, v1  }
0x3ba: {  	s24 =	sadd.s32 $0x1, s24  }
0x3bb: {  	p0 =	sne.s32 s24, s10  }
.Ltmp13:
0x3bc: {  	[tilespmem:$0x14400] =	vst v1;
	(pc) =	sbr.rel @p0 .LBB2_1-.Ltmp13, $4  }
0x3bd: {  	[hbm4b:s9+s5] =	stream.linear.scatter [tilespmem:s22], [sflag:$0x3], $0x10, $0x38;
	[tilespmem:$0x14480] =	vst v63  }
0x3be: {  	_ =	swait.ge [sflag:s23], $0x10  }
0x3bf: {  	[sflag:s23] =	ssyncset.done $0x0  }
0x3c0: {  	[sflag:s23] =	ssyncadd.s32 $0xFFFFFFF0  }
0x3c1: {  	_ =	sfence.sel $0x180000  }
0x3c2: {  	[bflag:$0x0] =	sbarrier.arrive $0xFFFF  }
0x3c3: {  	_ =	strace $0x90000047  }
0x3c4: {  	s0 =	stileid.u32;
	[bflag:$0x2] =	sbarrier.arrive $0xFFFF  }
0x3c5: {  	p0 =	sne.s32 s0, $0x0;
	s0 =	rddreg [dreg:$0x4]  }
0x3c6: {  	s0 =	sadd.s32 @!p0 $0x100000, s0  }
0x3c7: {  	[sflag:s0] =	ssyncadd.tile.s32 @!p0 $0x1;
	_ =	shalt  }
.Lfunc_end2:
_tile_overlayer_lowered:
.L_overlay_start_2:
0x3c8: {  	(tag) =	ssettag $0x2  }
0x3c9: {  	s0 =	rddreg [dreg:$0x0];
	s2 =	stileid.u32  }
0x3ca: {  	s1 =	rddreg [dreg:$0x1];
	p0 =	sne.s32 s2, $0x0  }
0x3cb: {  	s3 =	rddreg [dreg:$0x2];
	[bflag:$0x3] =	sbarrier.arrive $0xFFFF;
	s2 =	simm.s32 @!p0 $0x1C03  }
0x3cc: {  	[timem:s3], [sflag:s2] =	dma.local @!p0 [hbm:s0], s1  }
0x3cd: {  	s0 =	simm.s32 @!p0 $0x3  }
0x3ce: {  	_ =	swait.ge @!p0 [sflag:s0], s1  }
0x3cf: {  	s1 =	ssub.s32 @!p0 $0x0, s1;
	[sflag:s0] =	ssyncset.done @!p0 $0x0  }
0x3d0: {  	[sflag:s0] =	ssyncadd.s32 @!p0 s1  }
0x3d1: {  	[bflag:$0x3] =	sbarrier.arrive $0xFFFF  }
0x3d2: {  	_ =	shalt  }

</sc_bundles>
